<compile_context>
chip_gen: v7x
topology: tpu7x:2x2x1
jax: 0.10.2.dev20260603
libtpu: 0.0.44.dev20260713+nightly
codegen_flags: <defaults>
</compile_context>

<pallas_src>
import functools

import numpy as np
import jax
import jax.numpy as jnp
from jax import lax
from jax.experimental import pallas as pl
from jax.experimental.pallas import tpu as pltpu
from jax.experimental.pallas import tpu_sc as plsc

_N_NODES = 10000
_N_PAD = 10240
_N_EDGES = 320000
_D = 128
_EPS = 1e-5

_E_HALF = _N_EDGES // 2
_SC_CHUNK = 640
_N_CHUNKS = _E_HALF // _SC_CHUNK
_GROUPS = _SC_CHUNK // 16


def _build_mats():
    n = _D
    j = np.arange(n)
    a_x = np.zeros((n, n))
    a_b = np.zeros((n, n))
    m2 = np.zeros((n, n))
    a_x[0] = 1.0
    a_b[0] = 1.0
    a_x[1] = (-1.0) ** j
    a_b[1] = (-1.0) ** j
    m2[0] = 1.0 / n
    m2[1] = ((-1.0) ** j) / n
    for b in range(1, 64):
        c = np.cos(2 * np.pi * b * j / n)
        s = np.sin(2 * np.pi * b * j / n)
        a_x[2 * b] = c
        a_x[2 * b + 1] = s
        a_b[2 * b] = c
        a_b[2 * b + 1] = -s
        m2[2 * b] = 2 * c / n
        m2[2 * b + 1] = -2 * s / n
    return (a_x.astype(np.float32), a_b.astype(np.float32),
            m2.astype(np.float32))


_AX, _AB, _M2 = _build_mats()
_SHIFT_IDX = (np.arange(_D)[:, None] + np.arange(_D)[None, :]) % _D


def _transform_body(a_ref, x_ref, o_ref):
    o_ref[...] = lax.dot_general(
        a_ref[...], x_ref[...], (((1,), (1,)), ((), ())),
        preferred_element_type=jnp.float32,
        precision=lax.Precision.HIGHEST)


def _transform(mat, arr, blk):
    rows = arr.shape[0]
    return pl.pallas_call(
        _transform_body,
        grid=(rows // blk,),
        in_specs=[pl.BlockSpec((_D, _D), lambda i: (0, 0)),
                  pl.BlockSpec((blk, _D), lambda i: (i, 0))],
        out_specs=pl.BlockSpec((_D, blk), lambda i: (0, i)),
        out_shape=jax.ShapeDtypeStruct((_D, rows), jnp.float32),
    )(mat, arr)


_EBLK = 6400


def _packfb_body(a_ref, lo_ref, hi_ref, o_ref):
    vlo = lax.dot_general(
        a_ref[...], lo_ref[...], (((1,), (1,)), ((), ())),
        preferred_element_type=jnp.float32)
    vhi = lax.dot_general(
        a_ref[...], hi_ref[...], (((1,), (1,)), ((), ())),
        preferred_element_type=jnp.float32)
    lo32 = lax.convert_element_type(
        lax.bitcast_convert_type(vlo.astype(jnp.bfloat16), jnp.uint16),
        jnp.uint32)
    hi32 = lax.convert_element_type(
        lax.bitcast_convert_type(vhi.astype(jnp.bfloat16), jnp.uint16),
        jnp.uint32)
    o_ref[...] = lax.bitcast_convert_type((hi32 << 16) | lo32, jnp.int32)


def _transform_pack(mat, arr):
    nblk = _E_HALF // _EBLK
    return pl.pallas_call(
        _packfb_body,
        grid=(nblk,),
        in_specs=[pl.BlockSpec((_D, _D), lambda i: (0, 0)),
                  pl.BlockSpec((_EBLK, _D), lambda i: (i, 0)),
                  pl.BlockSpec((_EBLK, _D), lambda i: (i + nblk, 0))],
        out_specs=pl.BlockSpec((_D, _EBLK), lambda i: (0, i)),
        out_shape=jax.ShapeDtypeStruct((_D, _E_HALF), jnp.int32),
    )(mat, arr, arr)


def _sc_edge_pass(fxt, fbt, sd, norm_pad):
    mesh = plsc.VectorSubcoreMesh(core_axis_name="c", subcore_axis_name="s")

    @functools.partial(
        pl.kernel,
        out_type=jax.ShapeDtypeStruct((_D, _N_PAD), jnp.float32),
        mesh=mesh,
        scratch_types=[
            pltpu.VMEM((4 * _N_PAD,), jnp.float32),
            pltpu.VMEM((4 * _N_PAD,), jnp.float32),
            pltpu.VMEM((_N_PAD,), jnp.float32),
            pltpu.VMEM((2 * _SC_CHUNK,), jnp.int32),
            pltpu.VMEM((2 * _SC_CHUNK,), jnp.int32),
            pltpu.VMEM((8 * _SC_CHUNK,), jnp.int32),
            pltpu.SemaphoreType.DMA,
            pltpu.SemaphoreType.DMA,
        ],
        compiler_params=pltpu.CompilerParams(needs_layout_passes=False),
    )
    def k(fxt_hbm, fbt_hbm, sd_hbm, norm_hbm, out_hbm,
          fx_v, agg_v, norm_v, sdlo_v, sdhi_v, fb_v, sem0, sem1):
        sems = [sem0, sem1]
        wid = lax.axis_index("c") * 16 + lax.axis_index("s")
        r0 = wid * 4
        is0 = wid == 0
        s_a = jnp.where(is0, 0.0, 1.0).astype(jnp.float32)

        for r in range(4):
            pltpu.sync_copy(fxt_hbm.at[r0 + r],
                            fx_v.at[pl.ds(r * _N_PAD, _N_PAD)])
        pltpu.sync_copy(norm_hbm.at[:], norm_v)

        @plsc.parallel_loop(0, 4 * _N_PAD // 16, unroll=4)
        def zero_body(i):
            agg_v[pl.ds(i * 16, 16)] = jnp.zeros((16,), jnp.float32)

        def chunk_copies(g, b):
            off = g * _SC_CHUNK
            copies = [
                pltpu.make_async_copy(
                    sd_hbm.at[pl.ds(off, _SC_CHUNK)],
                    sdlo_v.at[pl.ds(b * _SC_CHUNK, _SC_CHUNK)], sems[b]),
                pltpu.make_async_copy(
                    sd_hbm.at[pl.ds(_E_HALF + off, _SC_CHUNK)],
                    sdhi_v.at[pl.ds(b * _SC_CHUNK, _SC_CHUNK)], sems[b]),
            ]
            for r in range(4):
                copies.append(pltpu.make_async_copy(
                    fbt_hbm.at[pl.ds((r0 + r) * _E_HALF + off, _SC_CHUNK)],
                    fb_v.at[pl.ds((b * 4 + r) * _SC_CHUNK, _SC_CHUNK)],
                    sems[b]))
            return copies

        for c in chunk_copies(0, 0):
            c.start()
        for c in chunk_copies(1, 1):
            c.start()

        def do_chunk(g, b):
            for c in chunk_copies(g, b):
                c.wait()

            @plsc.parallel_loop(0, _GROUPS, unroll=4)
            def group_body(i):
                sl16 = pl.ds(b * _SC_CHUNK + i * 16, 16)
                p_lo = sdlo_v[sl16]
                p_hi = sdhi_v[sl16]
                sd2 = ((p_lo & 0xFFFF, p_lo >> 16),
                       (p_hi & 0xFFFF, p_hi >> 16))
                fb = []
                for r in range(4):
                    w = fb_v[pl.ds((b * 4 + r) * _SC_CHUNK + i * 16, 16)]
                    fb.append(plsc.unpack(
                        plsc.bitcast(w, jnp.bfloat16),
                        format=plsc.PackFormat.INTERLEAVED,
                        preferred_element_type=jnp.float32))
                for h in range(2):
                    s_idx, d_idx = sd2[h]
                    a0 = plsc.load_gather(fx_v, [s_idx])
                    a1 = plsc.load_gather(fx_v, [s_idx + _N_PAD])
                    a2 = plsc.load_gather(fx_v, [s_idx + 2 * _N_PAD])
                    a3 = plsc.load_gather(fx_v, [s_idx + 3 * _N_PAD])
                    b0, b1, b2, b3 = fb[0][h], fb[1][h], fb[2][h], fb[3][h]
                    t11 = a1 * b1
                    cr_a = a0 * b0 - s_a * t11
                    ci_a = s_a * (a0 * b1 + a1 * b0) + (1.0 - s_a) * t11
                    cr_b = a2 * b2 - a3 * b3
                    ci_b = a2 * b3 + a3 * b2
                    plsc.addupdate_scatter(agg_v, [d_idx], cr_a)
                    plsc.addupdate_scatter(agg_v, [d_idx + _N_PAD], ci_a)
                    plsc.addupdate_scatter(agg_v, [d_idx + 2 * _N_PAD], cr_b)
                    plsc.addupdate_scatter(agg_v, [d_idx + 3 * _N_PAD], ci_b)

            @pl.when(g + 2 < _N_CHUNKS)
            def _():
                for c in chunk_copies(g + 2, b):
                    c.start()

        def outer_body(h, carry):
            g = h * 2
            do_chunk(g, 0)
            do_chunk(g + 1, 1)
            return carry
        lax.fori_loop(0, _N_CHUNKS // 2, outer_body, 0)

        @plsc.parallel_loop(0, _N_PAD // 16, unroll=2)
        def norm_body(i):
            sl = pl.ds(i * 16, 16)
            nv = norm_v[sl]
            for r in range(4):
                rsl = pl.ds(r * _N_PAD + i * 16, 16)
                agg_v[rsl] = agg_v[rsl] * nv

        for r in range(4):
            pltpu.sync_copy(agg_v.at[pl.ds(r * _N_PAD, _N_PAD)],
                            out_hbm.at[r0 + r])

    return k(fxt, fbt.reshape(-1), sd, norm_pad)


_NODE_BLK = 2048


def _nodes_body(aggt_ref, m3_ref, x_ref, wle_ref, bias_ref, pre_ref, stats_ref):
    i = pl.program_id(0)
    aggm = lax.dot_general(
        aggt_ref[...], m3_ref[...], (((0,), (0,)), ((), ())),
        preferred_element_type=jnp.float32, precision=lax.Precision.HIGHEST)
    loopm = jnp.dot(x_ref[...], wle_ref[...],
                    preferred_element_type=jnp.float32,
                    precision=lax.Precision.HIGHEST)
    pre = aggm + loopm + bias_ref[...]
    pre_ref[...] = pre
    rowid = lax.broadcasted_iota(jnp.int32, (_NODE_BLK, 1), 0) + i * _NODE_BLK
    prem = jnp.where(rowid < _N_NODES, pre, 0.0)

    @pl.when(i == 0)
    def _():
        stats_ref[...] = jnp.zeros_like(stats_ref)

    stats_ref[0:1, :] += jnp.sum(prem, axis=0, keepdims=True)
    stats_ref[1:2, :] += jnp.sum(prem * prem, axis=0, keepdims=True)


def _nodes_call(aggt, m3, x_pad, wle, bias):
    return pl.pallas_call(
        _nodes_body,
        grid=(_N_PAD // _NODE_BLK,),
        in_specs=[pl.BlockSpec((_D, _NODE_BLK), lambda i: (0, i)),
                  pl.BlockSpec((_D, _D), lambda i: (0, 0)),
                  pl.BlockSpec((_NODE_BLK, _D), lambda i: (i, 0)),
                  pl.BlockSpec((_D, _D), lambda i: (0, 0)),
                  pl.BlockSpec((1, _D), lambda i: (0, 0))],
        out_specs=[pl.BlockSpec((_NODE_BLK, _D), lambda i: (i, 0)),
                   pl.BlockSpec((2, _D), lambda i: (0, 0))],
        out_shape=[jax.ShapeDtypeStruct((_N_PAD, _D), jnp.float32),
                   jax.ShapeDtypeStruct((2, _D), jnp.float32)],
    )(aggt, m3, x_pad, wle, bias)


def _bn_body(pre_ref, stats_ref, gam_ref, bet_ref, out_ref):
    s = stats_ref[...]
    mean = s[0:1, :] * (1.0 / _N_NODES)
    var = s[1:2, :] * (1.0 / _N_NODES) - mean * mean
    inv = lax.rsqrt(var + _EPS)
    out_ref[...] = jnp.tanh(
        (pre_ref[...] - mean) * (inv * gam_ref[...]) + bet_ref[...])


def _bn_call(pre, stats, gam, bet):
    return pl.pallas_call(
        _bn_body,
        grid=(_N_PAD // _NODE_BLK,),
        in_specs=[pl.BlockSpec((_NODE_BLK, _D), lambda i: (i, 0)),
                  pl.BlockSpec((2, _D), lambda i: (0, 0)),
                  pl.BlockSpec((1, _D), lambda i: (0, 0)),
                  pl.BlockSpec((1, _D), lambda i: (0, 0))],
        out_specs=pl.BlockSpec((_NODE_BLK, _D), lambda i: (i, 0)),
        out_shape=jax.ShapeDtypeStruct((_N_PAD, _D), jnp.float32),
    )(pre, stats, gam, bet)


def kernel(x, edge_index, edge_attr, norm, w_loop, w_in, loop_rel, w_bias,
           bn_gamma, bn_beta):
    src = edge_index[0].astype(jnp.int32)
    dst = edge_index[1].astype(jnp.int32)

    ax = jnp.asarray(_AX)
    ab = jnp.asarray(_AB)
    m3 = jnp.dot(jnp.asarray(_M2), w_in, precision=lax.Precision.HIGHEST)
    shift = loop_rel[0][jnp.asarray(_SHIFT_IDX)]
    wle = jnp.dot(shift, w_loop, precision=lax.Precision.HIGHEST)

    x_pad = jnp.pad(x, ((0, _N_PAD - _N_NODES), (0, 0)))
    norm_pad = jnp.pad(norm[:, 0], (0, _N_PAD - _N_NODES))

    fxt = _transform(ax, x_pad, 2048)
    fbt = _transform_pack(ab, edge_attr)

    sd = ((dst << 16) | src).astype(jnp.int32)
    aggt = _sc_edge_pass(fxt, fbt, sd, norm_pad)

    pre, stats = _nodes_call(aggt, m3, x_pad, wle, w_bias.reshape(1, _D))
    outp = _bn_call(pre, stats, bn_gamma.reshape(1, _D),
                    bn_beta.reshape(1, _D))
    return outp[:_N_NODES]

# --- scband reference (transcript-rebuilt; emitter-appended) ---
"""Pipeline reference for scband-comp-gcnlayer-26190710571677 (READ-ONLY COPY).

The authoritative reference and input builder live on the scoring server;
editing this copy changes nothing except your own understanding.
"""

import jax, jax.numpy as jnp
import numpy as np

N_NODES = 10000
N_EDGES = 320000
D_IN = 128
D_OUT = 128
EPS = 1e-5


def ccorr(a, b):
    # circular correlation: irfft(conj(rfft(a)) * rfft(b))
    fa = jnp.fft.rfft(a, axis=-1)
    fb = jnp.fft.rfft(b, axis=-1)
    return jnp.fft.irfft(jnp.conj(fa) * fb, n=a.shape[-1], axis=-1)


def setup_inputs(seed: int = 0) -> dict:
    key = jax.random.key(seed)
    ks = jax.random.split(key, 10)
    x = jax.random.normal(ks[0], (N_NODES, D_IN), dtype=jnp.float32)
    edge_index = jax.random.randint(ks[1], (2, N_EDGES), 0, N_NODES, dtype=jnp.int64)
    edge_attr = jax.random.normal(ks[2], (N_EDGES, D_IN), dtype=jnp.float32)
    norm = jax.random.uniform(ks[3], (N_NODES, 1), dtype=jnp.float32)
    gain = float(np.sqrt(2.0))  # calculate_gain('relu')
    std_w = gain * float(np.sqrt(2.0 / (D_IN + D_OUT)))
    std_r = gain * float(np.sqrt(2.0 / (1 + D_IN)))
    w_loop = jax.random.normal(ks[4], (D_IN, D_OUT), dtype=jnp.float32) * std_w
    w_in = jax.random.normal(ks[5], (D_IN, D_OUT), dtype=jnp.float32) * std_w
    loop_rel = jax.random.normal(ks[6], (1, D_IN), dtype=jnp.float32) * std_r
    w_bias = jnp.zeros((D_OUT,), dtype=jnp.float32)
    bn_gamma = jnp.ones((D_OUT,), dtype=jnp.float32)
    bn_beta = jnp.zeros((D_OUT,), dtype=jnp.float32)
    return {"x": x, "edge_index": edge_index, "edge_attr": edge_attr, "norm": norm,
            "w_loop": w_loop, "w_in": w_in, "loop_rel": loop_rel, "w_bias": w_bias,
            "bn_gamma": bn_gamma, "bn_beta": bn_beta}


def reference(x, edge_index, edge_attr, norm, w_loop, w_in, loop_rel, w_bias, bn_gamma, bn_beta):
    # self-loop message: ccorr(x, loop_rel) @ w_loop
    loop_message = jnp.dot(ccorr(x, loop_rel), w_loop)
    # edge messages: ccorr(src_feat, rel_embed) @ w_in, summed into dst nodes
    src = edge_index[0]
    dst = edge_index[1]
    ft = ccorr(x[src], edge_attr)
    msg = jnp.dot(ft, w_in)
    agg = jax.ops.segment_sum(msg, dst, num_segments=N_NODES)
    # apply_func: multiply by per-node norm
    agg = agg * norm
    node_repr = agg + w_bias + loop_message
    # BatchNorm1d (training-mode batch statistics)
    mean = jnp.mean(node_repr, axis=0)
    var = jnp.var(node_repr, axis=0)
    node_repr = (node_repr - mean) / jnp.sqrt(var + EPS) * bn_gamma + bn_beta
    node_repr = jnp.tanh(node_repr)
    return node_repr

if __name__ == "__main__":
    import jax
    _d = setup_inputs()
    print(jax.jit(kernel)(*tuple(_d.values())))

</pallas_src>

<mosaic_0001>
#map = affine_map<(d0, d1) -> (0, 0)>
#map1 = affine_map<(d0, d1) -> (0)>
module attributes {stable_mosaic.version = 14 : i64} {
  func.func @k(%arg0: i32, %arg1: i32, %arg2: memref<128x10240xf32, #tpu.memory_space<hbm>>, %arg3: memref<20480000xi32, #tpu.memory_space<hbm>>, %arg4: memref<320000xi32, #tpu.memory_space<hbm>>, %arg5: memref<10240xf32, #tpu.memory_space<hbm>>, %arg6: memref<128x10240xf32, #tpu.memory_space<hbm>>, %arg7: memref<40960xf32, #tpu.memory_space<vmem>>, %arg8: memref<40960xf32, #tpu.memory_space<vmem>>, %arg9: memref<10240xf32, #tpu.memory_space<vmem>>, %arg10: memref<1280xi32, #tpu.memory_space<vmem>>, %arg11: memref<1280xi32, #tpu.memory_space<vmem>>, %arg12: memref<5120xi32, #tpu.memory_space<vmem>>, %arg13: memref<!tpu.dma_semaphore, #tpu.memory_space<semaphore_mem>>, %arg14: memref<!tpu.dma_semaphore, #tpu.memory_space<semaphore_mem>>) attributes {dimension_semantics = [#tpu.dimension_semantics<core_parallel>, #tpu.dimension_semantics<subcore_parallel>], iteration_bounds = array<i64: 2, 16>, scalar_prefetch = 0 : i64, scratch_operands = 8 : i64, tpu.core_type = #tpu.core_type<sc_vector_subcore>, window_params = [{transform_indices = #map}, {transform_indices = #map1}, {transform_indices = #map1}, {transform_indices = #map1}, {transform_indices = #map}]} {
    %mul3A = arith.constant 16 : i32
    %mul3A_0 = arith.muli %arg0, %mul3A : i32
    %add3A = arith.addi %mul3A_0, %arg1 : i32
    %mul3A_1 = arith.constant 4 : i32
    %mul3A_2 = arith.muli %add3A, %mul3A_1 : i32
    %eq3A = arith.constant 0 : i32
    %eq3A_3 = arith.cmpi eq, %add3A, %eq3A : i32
    %jit3A = arith.constant 0.000000e+00 : f32
    %jit3A_4 = arith.constant 1.000000e+00 : f32
    %select_n3A = arith.select %eq3A_3, %jit3A, %jit3A_4 : f32
    %add3A_5 = arith.constant 0 : i32
    %add3A_6 = arith.addi %mul3A_2, %add3A_5 : i32
    "tpu.region"() ({
      %run_scoped3A = tpu.sem_alloc : memref<!tpu.dma_semaphore, #tpu.memory_space<semaphore_mem>>
      %dma_start3A_158 = arith.constant 0 : i32
      %dma_start3A_159 = tpu.memref_slice %arg7[%dma_start3A_158] : memref<40960xf32, #tpu.memory_space<vmem>> -> memref<10240xf32, #tpu.memory_space<vmem>>
      %dma_start3A_160 = arith.constant 0 : i32
      %dma_start3A_161 = tpu.memref_slice %arg2[%add3A_6, %dma_start3A_160] : memref<128x10240xf32, #tpu.memory_space<hbm>> -> memref<1x10240xf32, #tpu.memory_space<hbm>>
      %dma_start3A_162 = tpu.memref_squeeze %dma_start3A_161 : memref<1x10240xf32, #tpu.memory_space<hbm>> -> memref<10240xf32, #tpu.memory_space<hbm>>
      %dma_start3A_163 = arith.constant 0 : i32
      %dma_start3A_164 = tpu.memref_slice %arg7[%dma_start3A_163] : memref<40960xf32, #tpu.memory_space<vmem>> -> memref<10240xf32, #tpu.memory_space<vmem>>
      %dma_start3A_165 = arith.constant 0 : i32
      %dma_start3A_166 = tpu.memref_slice %arg2[%add3A_6, %dma_start3A_165] : memref<128x10240xf32, #tpu.memory_space<hbm>> -> memref<1x10240xf32, #tpu.memory_space<hbm>>
      %dma_start3A_167 = tpu.memref_squeeze %dma_start3A_166 : memref<1x10240xf32, #tpu.memory_space<hbm>> -> memref<10240xf32, #tpu.memory_space<hbm>>
      tpu.enqueue_dma source(%dma_start3A_167 : memref<10240xf32, #tpu.memory_space<hbm>>) target(%dma_start3A_164 : memref<10240xf32, #tpu.memory_space<vmem>>) target_semaphore(%run_scoped3A : memref<!tpu.dma_semaphore, #tpu.memory_space<semaphore_mem>>)
      %dma_wait3A = arith.constant 0 : i32
      %dma_wait3A_168 = tpu.memref_slice %arg7[%dma_wait3A] : memref<40960xf32, #tpu.memory_space<vmem>> -> memref<10240xf32, #tpu.memory_space<vmem>>
      %dma_wait3A_169 = arith.constant 0 : i32
      %dma_wait3A_170 = tpu.memref_slice %arg2[%add3A_6, %dma_wait3A_169] : memref<128x10240xf32, #tpu.memory_space<hbm>> -> memref<1x10240xf32, #tpu.memory_space<hbm>>
      %dma_wait3A_171 = tpu.memref_squeeze %dma_wait3A_170 : memref<1x10240xf32, #tpu.memory_space<hbm>> -> memref<10240xf32, #tpu.memory_space<hbm>>
      %dma_wait3A_172 = arith.constant 0 : i32
      %dma_wait3A_173 = tpu.memref_slice %arg7[%dma_wait3A_172] : memref<40960xf32, #tpu.memory_space<vmem>> -> memref<10240xf32, #tpu.memory_space<vmem>>
      %dma_wait3A_174 = arith.constant 0 : i32
      %dma_wait3A_175 = tpu.memref_slice %arg2[%add3A_6, %dma_wait3A_174] : memref<128x10240xf32, #tpu.memory_space<hbm>> -> memref<1x10240xf32, #tpu.memory_space<hbm>>
      %dma_wait3A_176 = tpu.memref_squeeze %dma_wait3A_175 : memref<1x10240xf32, #tpu.memory_space<hbm>> -> memref<10240xf32, #tpu.memory_space<hbm>>
      tpu.wait_dma2 semaphore(%run_scoped3A : memref<!tpu.dma_semaphore, #tpu.memory_space<semaphore_mem>>) src(%dma_wait3A_176 : memref<10240xf32, #tpu.memory_space<hbm>>) dst(%dma_wait3A_173 : memref<10240xf32, #tpu.memory_space<vmem>>)
      tpu.yield
    }) : () -> ()
    %add3A_7 = arith.constant 1 : i32
    %add3A_8 = arith.addi %mul3A_2, %add3A_7 : i32
    "tpu.region"() ({
      %run_scoped3A = tpu.sem_alloc : memref<!tpu.dma_semaphore, #tpu.memory_space<semaphore_mem>>
      %dma_start3A_158 = arith.constant 10240 : i32
      %dma_start3A_159 = tpu.memref_slice %arg7[%dma_start3A_158] : memref<40960xf32, #tpu.memory_space<vmem>> -> memref<10240xf32, #tpu.memory_space<vmem>>
      %dma_start3A_160 = arith.constant 0 : i32
      %dma_start3A_161 = tpu.memref_slice %arg2[%add3A_8, %dma_start3A_160] : memref<128x10240xf32, #tpu.memory_space<hbm>> -> memref<1x10240xf32, #tpu.memory_space<hbm>>
      %dma_start3A_162 = tpu.memref_squeeze %dma_start3A_161 : memref<1x10240xf32, #tpu.memory_space<hbm>> -> memref<10240xf32, #tpu.memory_space<hbm>>
      %dma_start3A_163 = arith.constant 10240 : i32
      %dma_start3A_164 = tpu.memref_slice %arg7[%dma_start3A_163] : memref<40960xf32, #tpu.memory_space<vmem>> -> memref<10240xf32, #tpu.memory_space<vmem>>
      %dma_start3A_165 = arith.constant 0 : i32
      %dma_start3A_166 = tpu.memref_slice %arg2[%add3A_8, %dma_start3A_165] : memref<128x10240xf32, #tpu.memory_space<hbm>> -> memref<1x10240xf32, #tpu.memory_space<hbm>>
      %dma_start3A_167 = tpu.memref_squeeze %dma_start3A_166 : memref<1x10240xf32, #tpu.memory_space<hbm>> -> memref<10240xf32, #tpu.memory_space<hbm>>
      tpu.enqueue_dma source(%dma_start3A_167 : memref<10240xf32, #tpu.memory_space<hbm>>) target(%dma_start3A_164 : memref<10240xf32, #tpu.memory_space<vmem>>) target_semaphore(%run_scoped3A : memref<!tpu.dma_semaphore, #tpu.memory_space<semaphore_mem>>)
      %dma_wait3A = arith.constant 10240 : i32
      %dma_wait3A_168 = tpu.memref_slice %arg7[%dma_wait3A] : memref<40960xf32, #tpu.memory_space<vmem>> -> memref<10240xf32, #tpu.memory_space<vmem>>
      %dma_wait3A_169 = arith.constant 0 : i32
      %dma_wait3A_170 = tpu.memref_slice %arg2[%add3A_8, %dma_wait3A_169] : memref<128x10240xf32, #tpu.memory_space<hbm>> -> memref<1x10240xf32, #tpu.memory_space<hbm>>
      %dma_wait3A_171 = tpu.memref_squeeze %dma_wait3A_170 : memref<1x10240xf32, #tpu.memory_space<hbm>> -> memref<10240xf32, #tpu.memory_space<hbm>>
      %dma_wait3A_172 = arith.constant 10240 : i32
      %dma_wait3A_173 = tpu.memref_slice %arg7[%dma_wait3A_172] : memref<40960xf32, #tpu.memory_space<vmem>> -> memref<10240xf32, #tpu.memory_space<vmem>>
      %dma_wait3A_174 = arith.constant 0 : i32
      %dma_wait3A_175 = tpu.memref_slice %arg2[%add3A_8, %dma_wait3A_174] : memref<128x10240xf32, #tpu.memory_space<hbm>> -> memref<1x10240xf32, #tpu.memory_space<hbm>>
      %dma_wait3A_176 = tpu.memref_squeeze %dma_wait3A_175 : memref<1x10240xf32, #tpu.memory_space<hbm>> -> memref<10240xf32, #tpu.memory_space<hbm>>
      tpu.wait_dma2 semaphore(%run_scoped3A : memref<!tpu.dma_semaphore, #tpu.memory_space<semaphore_mem>>) src(%dma_wait3A_176 : memref<10240xf32, #tpu.memory_space<hbm>>) dst(%dma_wait3A_173 : memref<10240xf32, #tpu.memory_space<vmem>>)
      tpu.yield
    }) : () -> ()
    %add3A_9 = arith.constant 2 : i32
    %add3A_10 = arith.addi %mul3A_2, %add3A_9 : i32
    "tpu.region"() ({
      %run_scoped3A = tpu.sem_alloc : memref<!tpu.dma_semaphore, #tpu.memory_space<semaphore_mem>>
      %dma_start3A_158 = arith.constant 20480 : i32
      %dma_start3A_159 = tpu.memref_slice %arg7[%dma_start3A_158] : memref<40960xf32, #tpu.memory_space<vmem>> -> memref<10240xf32, #tpu.memory_space<vmem>>
      %dma_start3A_160 = arith.constant 0 : i32
      %dma_start3A_161 = tpu.memref_slice %arg2[%add3A_10, %dma_start3A_160] : memref<128x10240xf32, #tpu.memory_space<hbm>> -> memref<1x10240xf32, #tpu.memory_space<hbm>>
      %dma_start3A_162 = tpu.memref_squeeze %dma_start3A_161 : memref<1x10240xf32, #tpu.memory_space<hbm>> -> memref<10240xf32, #tpu.memory_space<hbm>>
      %dma_start3A_163 = arith.constant 20480 : i32
      %dma_start3A_164 = tpu.memref_slice %arg7[%dma_start3A_163] : memref<40960xf32, #tpu.memory_space<vmem>> -> memref<10240xf32, #tpu.memory_space<vmem>>
      %dma_start3A_165 = arith.constant 0 : i32
      %dma_start3A_166 = tpu.memref_slice %arg2[%add3A_10, %dma_start3A_165] : memref<128x10240xf32, #tpu.memory_space<hbm>> -> memref<1x10240xf32, #tpu.memory_space<hbm>>
      %dma_start3A_167 = tpu.memref_squeeze %dma_start3A_166 : memref<1x10240xf32, #tpu.memory_space<hbm>> -> memref<10240xf32, #tpu.memory_space<hbm>>
      tpu.enqueue_dma source(%dma_start3A_167 : memref<10240xf32, #tpu.memory_space<hbm>>) target(%dma_start3A_164 : memref<10240xf32, #tpu.memory_space<vmem>>) target_semaphore(%run_scoped3A : memref<!tpu.dma_semaphore, #tpu.memory_space<semaphore_mem>>)
      %dma_wait3A = arith.constant 20480 : i32
      %dma_wait3A_168 = tpu.memref_slice %arg7[%dma_wait3A] : memref<40960xf32, #tpu.memory_space<vmem>> -> memref<10240xf32, #tpu.memory_space<vmem>>
      %dma_wait3A_169 = arith.constant 0 : i32
      %dma_wait3A_170 = tpu.memref_slice %arg2[%add3A_10, %dma_wait3A_169] : memref<128x10240xf32, #tpu.memory_space<hbm>> -> memref<1x10240xf32, #tpu.memory_space<hbm>>
      %dma_wait3A_171 = tpu.memref_squeeze %dma_wait3A_170 : memref<1x10240xf32, #tpu.memory_space<hbm>> -> memref<10240xf32, #tpu.memory_space<hbm>>
      %dma_wait3A_172 = arith.constant 20480 : i32
      %dma_wait3A_173 = tpu.memref_slice %arg7[%dma_wait3A_172] : memref<40960xf32, #tpu.memory_space<vmem>> -> memref<10240xf32, #tpu.memory_space<vmem>>
      %dma_wait3A_174 = arith.constant 0 : i32
      %dma_wait3A_175 = tpu.memref_slice %arg2[%add3A_10, %dma_wait3A_174] : memref<128x10240xf32, #tpu.memory_space<hbm>> -> memref<1x10240xf32, #tpu.memory_space<hbm>>
      %dma_wait3A_176 = tpu.memref_squeeze %dma_wait3A_175 : memref<1x10240xf32, #tpu.memory_space<hbm>> -> memref<10240xf32, #tpu.memory_space<hbm>>
      tpu.wait_dma2 semaphore(%run_scoped3A : memref<!tpu.dma_semaphore, #tpu.memory_space<semaphore_mem>>) src(%dma_wait3A_176 : memref<10240xf32, #tpu.memory_space<hbm>>) dst(%dma_wait3A_173 : memref<10240xf32, #tpu.memory_space<vmem>>)
      tpu.yield
    }) : () -> ()
    %add3A_11 = arith.constant 3 : i32
    %add3A_12 = arith.addi %mul3A_2, %add3A_11 : i32
    "tpu.region"() ({
      %run_scoped3A = tpu.sem_alloc : memref<!tpu.dma_semaphore, #tpu.memory_space<semaphore_mem>>
      %dma_start3A_158 = arith.constant 30720 : i32
      %dma_start3A_159 = tpu.memref_slice %arg7[%dma_start3A_158] : memref<40960xf32, #tpu.memory_space<vmem>> -> memref<10240xf32, #tpu.memory_space<vmem>>
      %dma_start3A_160 = arith.constant 0 : i32
      %dma_start3A_161 = tpu.memref_slice %arg2[%add3A_12, %dma_start3A_160] : memref<128x10240xf32, #tpu.memory_space<hbm>> -> memref<1x10240xf32, #tpu.memory_space<hbm>>
      %dma_start3A_162 = tpu.memref_squeeze %dma_start3A_161 : memref<1x10240xf32, #tpu.memory_space<hbm>> -> memref<10240xf32, #tpu.memory_space<hbm>>
      %dma_start3A_163 = arith.constant 30720 : i32
      %dma_start3A_164 = tpu.memref_slice %arg7[%dma_start3A_163] : memref<40960xf32, #tpu.memory_space<vmem>> -> memref<10240xf32, #tpu.memory_space<vmem>>
      %dma_start3A_165 = arith.constant 0 : i32
      %dma_start3A_166 = tpu.memref_slice %arg2[%add3A_12, %dma_start3A_165] : memref<128x10240xf32, #tpu.memory_space<hbm>> -> memref<1x10240xf32, #tpu.memory_space<hbm>>
      %dma_start3A_167 = tpu.memref_squeeze %dma_start3A_166 : memref<1x10240xf32, #tpu.memory_space<hbm>> -> memref<10240xf32, #tpu.memory_space<hbm>>
      tpu.enqueue_dma source(%dma_start3A_167 : memref<10240xf32, #tpu.memory_space<hbm>>) target(%dma_start3A_164 : memref<10240xf32, #tpu.memory_space<vmem>>) target_semaphore(%run_scoped3A : memref<!tpu.dma_semaphore, #tpu.memory_space<semaphore_mem>>)
      %dma_wait3A = arith.constant 30720 : i32
      %dma_wait3A_168 = tpu.memref_slice %arg7[%dma_wait3A] : memref<40960xf32, #tpu.memory_space<vmem>> -> memref<10240xf32, #tpu.memory_space<vmem>>
      %dma_wait3A_169 = arith.constant 0 : i32
      %dma_wait3A_170 = tpu.memref_slice %arg2[%add3A_12, %dma_wait3A_169] : memref<128x10240xf32, #tpu.memory_space<hbm>> -> memref<1x10240xf32, #tpu.memory_space<hbm>>
      %dma_wait3A_171 = tpu.memref_squeeze %dma_wait3A_170 : memref<1x10240xf32, #tpu.memory_space<hbm>> -> memref<10240xf32, #tpu.memory_space<hbm>>
      %dma_wait3A_172 = arith.constant 30720 : i32
      %dma_wait3A_173 = tpu.memref_slice %arg7[%dma_wait3A_172] : memref<40960xf32, #tpu.memory_space<vmem>> -> memref<10240xf32, #tpu.memory_space<vmem>>
      %dma_wait3A_174 = arith.constant 0 : i32
      %dma_wait3A_175 = tpu.memref_slice %arg2[%add3A_12, %dma_wait3A_174] : memref<128x10240xf32, #tpu.memory_space<hbm>> -> memref<1x10240xf32, #tpu.memory_space<hbm>>
      %dma_wait3A_176 = tpu.memref_squeeze %dma_wait3A_175 : memref<1x10240xf32, #tpu.memory_space<hbm>> -> memref<10240xf32, #tpu.memory_space<hbm>>
      tpu.wait_dma2 semaphore(%run_scoped3A : memref<!tpu.dma_semaphore, #tpu.memory_space<semaphore_mem>>) src(%dma_wait3A_176 : memref<10240xf32, #tpu.memory_space<hbm>>) dst(%dma_wait3A_173 : memref<10240xf32, #tpu.memory_space<vmem>>)
      tpu.yield
    }) : () -> ()
    "tpu.region"() ({
      %run_scoped3A = tpu.sem_alloc : memref<!tpu.dma_semaphore, #tpu.memory_space<semaphore_mem>>
      %dma_start3A_158 = arith.constant 0 : i32
      %dma_start3A_159 = tpu.memref_slice %arg5[%dma_start3A_158] : memref<10240xf32, #tpu.memory_space<hbm>> -> memref<10240xf32, #tpu.memory_space<hbm>>
      %dma_start3A_160 = arith.constant 0 : i32
      %dma_start3A_161 = tpu.memref_slice %arg5[%dma_start3A_160] : memref<10240xf32, #tpu.memory_space<hbm>> -> memref<10240xf32, #tpu.memory_space<hbm>>
      tpu.enqueue_dma source(%dma_start3A_161 : memref<10240xf32, #tpu.memory_space<hbm>>) target(%arg9 : memref<10240xf32, #tpu.memory_space<vmem>>) target_semaphore(%run_scoped3A : memref<!tpu.dma_semaphore, #tpu.memory_space<semaphore_mem>>)
      %dma_wait3A = arith.constant 0 : i32
      %dma_wait3A_162 = tpu.memref_slice %arg5[%dma_wait3A] : memref<10240xf32, #tpu.memory_space<hbm>> -> memref<10240xf32, #tpu.memory_space<hbm>>
      %dma_wait3A_163 = arith.constant 0 : i32
      %dma_wait3A_164 = tpu.memref_slice %arg5[%dma_wait3A_163] : memref<10240xf32, #tpu.memory_space<hbm>> -> memref<10240xf32, #tpu.memory_space<hbm>>
      tpu.wait_dma2 semaphore(%run_scoped3A : memref<!tpu.dma_semaphore, #tpu.memory_space<semaphore_mem>>) src(%dma_wait3A_164 : memref<10240xf32, #tpu.memory_space<hbm>>) dst(%arg9 : memref<10240xf32, #tpu.memory_space<vmem>>)
      tpu.yield
    }) : () -> ()
    %parallel_loop3A = arith.constant 0 : i32
    %parallel_loop3A_13 = arith.constant 2560 : i32
    %parallel_loop3A_14 = arith.constant 1 : i32
    scf.for %parallel_loop3A_158 = %parallel_loop3A to %parallel_loop3A_13 step %parallel_loop3A_14  : i32 {
      %parallel_loop3A_159 = arith.constant 0.000000e+00 : f32
      %parallel_loop3A_160 = vector.broadcast %parallel_loop3A_159 : f32 to vector<16xf32>
      %parallel_loop3A_161 = arith.constant 16 : i32
      %parallel_loop3A_162 = arith.muli %parallel_loop3A_158, %parallel_loop3A_161 : i32
      %parallel_loop3A_163 = arith.index_cast %parallel_loop3A_162 : i32 to index
      %parallel_loop3A_164 = tpu.vector_load %arg8[%parallel_loop3A_163] {strides = array<i32>} : memref<40960xf32, #tpu.memory_space<vmem>>, vector<16xf32>,
      tpu.vector_store %arg8[%parallel_loop3A_163], %parallel_loop3A_160 {strides = array<i32>} : memref<40960xf32, #tpu.memory_space<vmem>>, vector<16xf32>,
    } {sc.loop_unroll_factor = 4 : i64, sc.parallel_access}
    %add3A_15 = arith.constant 0 : i32
    %add3A_16 = arith.addi %mul3A_2, %add3A_15 : i32
    %mul3A_17 = arith.constant 160000 : i32
    %mul3A_18 = arith.muli %add3A_16, %mul3A_17 : i32
    %add3A_19 = arith.constant 0 : i32
    %add3A_20 = arith.addi %mul3A_18, %add3A_19 : i32
    %add3A_21 = arith.constant 1 : i32
    %add3A_22 = arith.addi %mul3A_2, %add3A_21 : i32
    %mul3A_23 = arith.constant 160000 : i32
    %mul3A_24 = arith.muli %add3A_22, %mul3A_23 : i32
    %add3A_25 = arith.constant 0 : i32
    %add3A_26 = arith.addi %mul3A_24, %add3A_25 : i32
    %add3A_27 = arith.constant 2 : i32
    %add3A_28 = arith.addi %mul3A_2, %add3A_27 : i32
    %mul3A_29 = arith.constant 160000 : i32
    %mul3A_30 = arith.muli %add3A_28, %mul3A_29 : i32
    %add3A_31 = arith.constant 0 : i32
    %add3A_32 = arith.addi %mul3A_30, %add3A_31 : i32
    %add3A_33 = arith.constant 3 : i32
    %add3A_34 = arith.addi %mul3A_2, %add3A_33 : i32
    %mul3A_35 = arith.constant 160000 : i32
    %mul3A_36 = arith.muli %add3A_34, %mul3A_35 : i32
    %add3A_37 = arith.constant 0 : i32
    %add3A_38 = arith.addi %mul3A_36, %add3A_37 : i32
    %dma_start3A = arith.constant 0 : i32
    %dma_start3A_39 = tpu.memref_slice %arg10[%dma_start3A] : memref<1280xi32, #tpu.memory_space<vmem>> -> memref<640xi32, #tpu.memory_space<vmem>>
    %dma_start3A_40 = arith.constant 0 : i32
    %dma_start3A_41 = tpu.memref_slice %arg4[%dma_start3A_40] : memref<320000xi32, #tpu.memory_space<hbm>> -> memref<640xi32, #tpu.memory_space<hbm>>
    %dma_start3A_42 = arith.constant 0 : i32
    %dma_start3A_43 = tpu.memref_slice %arg10[%dma_start3A_42] : memref<1280xi32, #tpu.memory_space<vmem>> -> memref<640xi32, #tpu.memory_space<vmem>>
    %dma_start3A_44 = arith.constant 0 : i32
    %dma_start3A_45 = tpu.memref_slice %arg4[%dma_start3A_44] : memref<320000xi32, #tpu.memory_space<hbm>> -> memref<640xi32, #tpu.memory_space<hbm>>
    tpu.enqueue_dma source(%dma_start3A_45 : memref<640xi32, #tpu.memory_space<hbm>>) target(%dma_start3A_43 : memref<640xi32, #tpu.memory_space<vmem>>) target_semaphore(%arg13 : memref<!tpu.dma_semaphore, #tpu.memory_space<semaphore_mem>>)
    %dma_start3A_46 = arith.constant 0 : i32
    %dma_start3A_47 = tpu.memref_slice %arg11[%dma_start3A_46] : memref<1280xi32, #tpu.memory_space<vmem>> -> memref<640xi32, #tpu.memory_space<vmem>>
    %dma_start3A_48 = arith.constant 160000 : i32
    %dma_start3A_49 = tpu.memref_slice %arg4[%dma_start3A_48] : memref<320000xi32, #tpu.memory_space<hbm>> -> memref<640xi32, #tpu.memory_space<hbm>>
    %dma_start3A_50 = arith.constant 0 : i32
    %dma_start3A_51 = tpu.memref_slice %arg11[%dma_start3A_50] : memref<1280xi32, #tpu.memory_space<vmem>> -> memref<640xi32, #tpu.memory_space<vmem>>
    %dma_start3A_52 = arith.constant 160000 : i32
    %dma_start3A_53 = tpu.memref_slice %arg4[%dma_start3A_52] : memref<320000xi32, #tpu.memory_space<hbm>> -> memref<640xi32, #tpu.memory_space<hbm>>
    tpu.enqueue_dma source(%dma_start3A_53 : memref<640xi32, #tpu.memory_space<hbm>>) target(%dma_start3A_51 : memref<640xi32, #tpu.memory_space<vmem>>) target_semaphore(%arg13 : memref<!tpu.dma_semaphore, #tpu.memory_space<semaphore_mem>>)
    %dma_start3A_54 = arith.constant 0 : i32
    %dma_start3A_55 = tpu.memref_slice %arg12[%dma_start3A_54] : memref<5120xi32, #tpu.memory_space<vmem>> -> memref<640xi32, #tpu.memory_space<vmem>>
    %dma_start3A_56 = tpu.memref_slice %arg3[%add3A_20] : memref<20480000xi32, #tpu.memory_space<hbm>> -> memref<640xi32, #tpu.memory_space<hbm>>
    %dma_start3A_57 = arith.constant 0 : i32
    %dma_start3A_58 = tpu.memref_slice %arg12[%dma_start3A_57] : memref<5120xi32, #tpu.memory_space<vmem>> -> memref<640xi32, #tpu.memory_space<vmem>>
    %dma_start3A_59 = tpu.memref_slice %arg3[%add3A_20] : memref<20480000xi32, #tpu.memory_space<hbm>> -> memref<640xi32, #tpu.memory_space<hbm>>
    tpu.enqueue_dma source(%dma_start3A_59 : memref<640xi32, #tpu.memory_space<hbm>>) target(%dma_start3A_58 : memref<640xi32, #tpu.memory_space<vmem>>) target_semaphore(%arg13 : memref<!tpu.dma_semaphore, #tpu.memory_space<semaphore_mem>>)
    %dma_start3A_60 = arith.constant 640 : i32
    %dma_start3A_61 = tpu.memref_slice %arg12[%dma_start3A_60] : memref<5120xi32, #tpu.memory_space<vmem>> -> memref<640xi32, #tpu.memory_space<vmem>>
    %dma_start3A_62 = tpu.memref_slice %arg3[%add3A_26] : memref<20480000xi32, #tpu.memory_space<hbm>> -> memref<640xi32, #tpu.memory_space<hbm>>
    %dma_start3A_63 = arith.constant 640 : i32
    %dma_start3A_64 = tpu.memref_slice %arg12[%dma_start3A_63] : memref<5120xi32, #tpu.memory_space<vmem>> -> memref<640xi32, #tpu.memory_space<vmem>>
    %dma_start3A_65 = tpu.memref_slice %arg3[%add3A_26] : memref<20480000xi32, #tpu.memory_space<hbm>> -> memref<640xi32, #tpu.memory_space<hbm>>
    tpu.enqueue_dma source(%dma_start3A_65 : memref<640xi32, #tpu.memory_space<hbm>>) target(%dma_start3A_64 : memref<640xi32, #tpu.memory_space<vmem>>) target_semaphore(%arg13 : memref<!tpu.dma_semaphore, #tpu.memory_space<semaphore_mem>>)
    %dma_start3A_66 = arith.constant 1280 : i32
    %dma_start3A_67 = tpu.memref_slice %arg12[%dma_start3A_66] : memref<5120xi32, #tpu.memory_space<vmem>> -> memref<640xi32, #tpu.memory_space<vmem>>
    %dma_start3A_68 = tpu.memref_slice %arg3[%add3A_32] : memref<20480000xi32, #tpu.memory_space<hbm>> -> memref<640xi32, #tpu.memory_space<hbm>>
    %dma_start3A_69 = arith.constant 1280 : i32
    %dma_start3A_70 = tpu.memref_slice %arg12[%dma_start3A_69] : memref<5120xi32, #tpu.memory_space<vmem>> -> memref<640xi32, #tpu.memory_space<vmem>>
    %dma_start3A_71 = tpu.memref_slice %arg3[%add3A_32] : memref<20480000xi32, #tpu.memory_space<hbm>> -> memref<640xi32, #tpu.memory_space<hbm>>
    tpu.enqueue_dma source(%dma_start3A_71 : memref<640xi32, #tpu.memory_space<hbm>>) target(%dma_start3A_70 : memref<640xi32, #tpu.memory_space<vmem>>) target_semaphore(%arg13 : memref<!tpu.dma_semaphore, #tpu.memory_space<semaphore_mem>>)
    %dma_start3A_72 = arith.constant 1920 : i32
    %dma_start3A_73 = tpu.memref_slice %arg12[%dma_start3A_72] : memref<5120xi32, #tpu.memory_space<vmem>> -> memref<640xi32, #tpu.memory_space<vmem>>
    %dma_start3A_74 = tpu.memref_slice %arg3[%add3A_38] : memref<20480000xi32, #tpu.memory_space<hbm>> -> memref<640xi32, #tpu.memory_space<hbm>>
    %dma_start3A_75 = arith.constant 1920 : i32
    %dma_start3A_76 = tpu.memref_slice %arg12[%dma_start3A_75] : memref<5120xi32, #tpu.memory_space<vmem>> -> memref<640xi32, #tpu.memory_space<vmem>>
    %dma_start3A_77 = tpu.memref_slice %arg3[%add3A_38] : memref<20480000xi32, #tpu.memory_space<hbm>> -> memref<640xi32, #tpu.memory_space<hbm>>
    tpu.enqueue_dma source(%dma_start3A_77 : memref<640xi32, #tpu.memory_space<hbm>>) target(%dma_start3A_76 : memref<640xi32, #tpu.memory_space<vmem>>) target_semaphore(%arg13 : memref<!tpu.dma_semaphore, #tpu.memory_space<semaphore_mem>>)
    %add3A_78 = arith.constant 0 : i32
    %add3A_79 = arith.addi %mul3A_2, %add3A_78 : i32
    %mul3A_80 = arith.constant 160000 : i32
    %mul3A_81 = arith.muli %add3A_79, %mul3A_80 : i32
    %add3A_82 = arith.constant 640 : i32
    %add3A_83 = arith.addi %mul3A_81, %add3A_82 : i32
    %add3A_84 = arith.constant 1 : i32
    %add3A_85 = arith.addi %mul3A_2, %add3A_84 : i32
    %mul3A_86 = arith.constant 160000 : i32
    %mul3A_87 = arith.muli %add3A_85, %mul3A_86 : i32
    %add3A_88 = arith.constant 640 : i32
    %add3A_89 = arith.addi %mul3A_87, %add3A_88 : i32
    %add3A_90 = arith.constant 2 : i32
    %add3A_91 = arith.addi %mul3A_2, %add3A_90 : i32
    %mul3A_92 = arith.constant 160000 : i32
    %mul3A_93 = arith.muli %add3A_91, %mul3A_92 : i32
    %add3A_94 = arith.constant 640 : i32
    %add3A_95 = arith.addi %mul3A_93, %add3A_94 : i32
    %add3A_96 = arith.constant 3 : i32
    %add3A_97 = arith.addi %mul3A_2, %add3A_96 : i32
    %mul3A_98 = arith.constant 160000 : i32
    %mul3A_99 = arith.muli %add3A_97, %mul3A_98 : i32
    %add3A_100 = arith.constant 640 : i32
    %add3A_101 = arith.addi %mul3A_99, %add3A_100 : i32
    %dma_start3A_102 = arith.constant 640 : i32
    %dma_start3A_103 = tpu.memref_slice %arg10[%dma_start3A_102] : memref<1280xi32, #tpu.memory_space<vmem>> -> memref<640xi32, #tpu.memory_space<vmem>>
    %dma_start3A_104 = arith.constant 640 : i32
    %dma_start3A_105 = tpu.memref_slice %arg4[%dma_start3A_104] : memref<320000xi32, #tpu.memory_space<hbm>> -> memref<640xi32, #tpu.memory_space<hbm>>
    %dma_start3A_106 = arith.constant 640 : i32
    %dma_start3A_107 = tpu.memref_slice %arg10[%dma_start3A_106] : memref<1280xi32, #tpu.memory_space<vmem>> -> memref<640xi32, #tpu.memory_space<vmem>>
    %dma_start3A_108 = arith.constant 640 : i32
    %dma_start3A_109 = tpu.memref_slice %arg4[%dma_start3A_108] : memref<320000xi32, #tpu.memory_space<hbm>> -> memref<640xi32, #tpu.memory_space<hbm>>
    tpu.enqueue_dma source(%dma_start3A_109 : memref<640xi32, #tpu.memory_space<hbm>>) target(%dma_start3A_107 : memref<640xi32, #tpu.memory_space<vmem>>) target_semaphore(%arg14 : memref<!tpu.dma_semaphore, #tpu.memory_space<semaphore_mem>>)
    %dma_start3A_110 = arith.constant 640 : i32
    %dma_start3A_111 = tpu.memref_slice %arg11[%dma_start3A_110] : memref<1280xi32, #tpu.memory_space<vmem>> -> memref<640xi32, #tpu.memory_space<vmem>>
    %dma_start3A_112 = arith.constant 160640 : i32
    %dma_start3A_113 = tpu.memref_slice %arg4[%dma_start3A_112] : memref<320000xi32, #tpu.memory_space<hbm>> -> memref<640xi32, #tpu.memory_space<hbm>>
    %dma_start3A_114 = arith.constant 640 : i32
    %dma_start3A_115 = tpu.memref_slice %arg11[%dma_start3A_114] : memref<1280xi32, #tpu.memory_space<vmem>> -> memref<640xi32, #tpu.memory_space<vmem>>
    %dma_start3A_116 = arith.constant 160640 : i32
    %dma_start3A_117 = tpu.memref_slice %arg4[%dma_start3A_116] : memref<320000xi32, #tpu.memory_space<hbm>> -> memref<640xi32, #tpu.memory_space<hbm>>
    tpu.enqueue_dma source(%dma_start3A_117 : memref<640xi32, #tpu.memory_space<hbm>>) target(%dma_start3A_115 : memref<640xi32, #tpu.memory_space<vmem>>) target_semaphore(%arg14 : memref<!tpu.dma_semaphore, #tpu.memory_space<semaphore_mem>>)
    %dma_start3A_118 = arith.constant 2560 : i32
    %dma_start3A_119 = tpu.memref_slice %arg12[%dma_start3A_118] : memref<5120xi32, #tpu.memory_space<vmem>> -> memref<640xi32, #tpu.memory_space<vmem>>
    %dma_start3A_120 = tpu.memref_slice %arg3[%add3A_83] : memref<20480000xi32, #tpu.memory_space<hbm>> -> memref<640xi32, #tpu.memory_space<hbm>>
    %dma_start3A_121 = arith.constant 2560 : i32
    %dma_start3A_122 = tpu.memref_slice %arg12[%dma_start3A_121] : memref<5120xi32, #tpu.memory_space<vmem>> -> memref<640xi32, #tpu.memory_space<vmem>>
    %dma_start3A_123 = tpu.memref_slice %arg3[%add3A_83] : memref<20480000xi32, #tpu.memory_space<hbm>> -> memref<640xi32, #tpu.memory_space<hbm>>
    tpu.enqueue_dma source(%dma_start3A_123 : memref<640xi32, #tpu.memory_space<hbm>>) target(%dma_start3A_122 : memref<640xi32, #tpu.memory_space<vmem>>) target_semaphore(%arg14 : memref<!tpu.dma_semaphore, #tpu.memory_space<semaphore_mem>>)
    %dma_start3A_124 = arith.constant 3200 : i32
    %dma_start3A_125 = tpu.memref_slice %arg12[%dma_start3A_124] : memref<5120xi32, #tpu.memory_space<vmem>> -> memref<640xi32, #tpu.memory_space<vmem>>
    %dma_start3A_126 = tpu.memref_slice %arg3[%add3A_89] : memref<20480000xi32, #tpu.memory_space<hbm>> -> memref<640xi32, #tpu.memory_space<hbm>>
    %dma_start3A_127 = arith.constant 3200 : i32
    %dma_start3A_128 = tpu.memref_slice %arg12[%dma_start3A_127] : memref<5120xi32, #tpu.memory_space<vmem>> -> memref<640xi32, #tpu.memory_space<vmem>>
    %dma_start3A_129 = tpu.memref_slice %arg3[%add3A_89] : memref<20480000xi32, #tpu.memory_space<hbm>> -> memref<640xi32, #tpu.memory_space<hbm>>
    tpu.enqueue_dma source(%dma_start3A_129 : memref<640xi32, #tpu.memory_space<hbm>>) target(%dma_start3A_128 : memref<640xi32, #tpu.memory_space<vmem>>) target_semaphore(%arg14 : memref<!tpu.dma_semaphore, #tpu.memory_space<semaphore_mem>>)
    %dma_start3A_130 = arith.constant 3840 : i32
    %dma_start3A_131 = tpu.memref_slice %arg12[%dma_start3A_130] : memref<5120xi32, #tpu.memory_space<vmem>> -> memref<640xi32, #tpu.memory_space<vmem>>
    %dma_start3A_132 = tpu.memref_slice %arg3[%add3A_95] : memref<20480000xi32, #tpu.memory_space<hbm>> -> memref<640xi32, #tpu.memory_space<hbm>>
    %dma_start3A_133 = arith.constant 3840 : i32
    %dma_start3A_134 = tpu.memref_slice %arg12[%dma_start3A_133] : memref<5120xi32, #tpu.memory_space<vmem>> -> memref<640xi32, #tpu.memory_space<vmem>>
    %dma_start3A_135 = tpu.memref_slice %arg3[%add3A_95] : memref<20480000xi32, #tpu.memory_space<hbm>> -> memref<640xi32, #tpu.memory_space<hbm>>
    tpu.enqueue_dma source(%dma_start3A_135 : memref<640xi32, #tpu.memory_space<hbm>>) target(%dma_start3A_134 : memref<640xi32, #tpu.memory_space<vmem>>) target_semaphore(%arg14 : memref<!tpu.dma_semaphore, #tpu.memory_space<semaphore_mem>>)
    %dma_start3A_136 = arith.constant 4480 : i32
    %dma_start3A_137 = tpu.memref_slice %arg12[%dma_start3A_136] : memref<5120xi32, #tpu.memory_space<vmem>> -> memref<640xi32, #tpu.memory_space<vmem>>
    %dma_start3A_138 = tpu.memref_slice %arg3[%add3A_101] : memref<20480000xi32, #tpu.memory_space<hbm>> -> memref<640xi32, #tpu.memory_space<hbm>>
    %dma_start3A_139 = arith.constant 4480 : i32
    %dma_start3A_140 = tpu.memref_slice %arg12[%dma_start3A_139] : memref<5120xi32, #tpu.memory_space<vmem>> -> memref<640xi32, #tpu.memory_space<vmem>>
    %dma_start3A_141 = tpu.memref_slice %arg3[%add3A_101] : memref<20480000xi32, #tpu.memory_space<hbm>> -> memref<640xi32, #tpu.memory_space<hbm>>
    tpu.enqueue_dma source(%dma_start3A_141 : memref<640xi32, #tpu.memory_space<hbm>>) target(%dma_start3A_140 : memref<640xi32, #tpu.memory_space<vmem>>) target_semaphore(%arg14 : memref<!tpu.dma_semaphore, #tpu.memory_space<semaphore_mem>>)
    %scan3A = arith.constant 0 : i32
    %scan3A_142 = arith.constant 0 : i32
    %scan3A_143 = arith.constant 125 : i32
    %scan3A_144 = arith.addi %scan3A_142, %scan3A_143 : i32
    %scan3A_145 = arith.constant 1 : i32
    scf.for %scan3A_158 = %scan3A_142 to %scan3A_144 step %scan3A_145  : i32 {
      %mul3A_159 = arith.constant 2 : i32
      %mul3A_160 = arith.muli %scan3A_158, %mul3A_159 : i32
      %mul3A_161 = arith.constant 640 : i32
      %mul3A_162 = arith.muli %mul3A_160, %mul3A_161 : i32
      %add3A_163 = arith.constant 160000 : i32
      %add3A_164 = arith.addi %add3A_163, %mul3A_162 : i32
      %add3A_165 = arith.constant 0 : i32
      %add3A_166 = arith.addi %mul3A_2, %add3A_165 : i32
      %mul3A_167 = arith.constant 160000 : i32
      %mul3A_168 = arith.muli %add3A_166, %mul3A_167 : i32
      %add3A_169 = arith.addi %mul3A_168, %mul3A_162 : i32
      %add3A_170 = arith.constant 1 : i32
      %add3A_171 = arith.addi %mul3A_2, %add3A_170 : i32
      %mul3A_172 = arith.constant 160000 : i32
      %mul3A_173 = arith.muli %add3A_171, %mul3A_172 : i32
      %add3A_174 = arith.addi %mul3A_173, %mul3A_162 : i32
      %add3A_175 = arith.constant 2 : i32
      %add3A_176 = arith.addi %mul3A_2, %add3A_175 : i32
      %mul3A_177 = arith.constant 160000 : i32
      %mul3A_178 = arith.muli %add3A_176, %mul3A_177 : i32
      %add3A_179 = arith.addi %mul3A_178, %mul3A_162 : i32
      %add3A_180 = arith.constant 3 : i32
      %add3A_181 = arith.addi %mul3A_2, %add3A_180 : i32
      %mul3A_182 = arith.constant 160000 : i32
      %mul3A_183 = arith.muli %add3A_181, %mul3A_182 : i32
      %add3A_184 = arith.addi %mul3A_183, %mul3A_162 : i32
      %dma_wait3A = arith.constant 0 : i32
      %dma_wait3A_185 = tpu.memref_slice %arg10[%dma_wait3A] : memref<1280xi32, #tpu.memory_space<vmem>> -> memref<640xi32, #tpu.memory_space<vmem>>
      %dma_wait3A_186 = tpu.memref_slice %arg4[%mul3A_162] : memref<320000xi32, #tpu.memory_space<hbm>> -> memref<640xi32, #tpu.memory_space<hbm>>
      %dma_wait3A_187 = arith.constant 0 : i32
      %dma_wait3A_188 = tpu.memref_slice %arg10[%dma_wait3A_187] : memref<1280xi32, #tpu.memory_space<vmem>> -> memref<640xi32, #tpu.memory_space<vmem>>
      %dma_wait3A_189 = tpu.memref_slice %arg4[%mul3A_162] : memref<320000xi32, #tpu.memory_space<hbm>> -> memref<640xi32, #tpu.memory_space<hbm>>
      tpu.wait_dma2 semaphore(%arg13 : memref<!tpu.dma_semaphore, #tpu.memory_space<semaphore_mem>>) src(%dma_wait3A_189 : memref<640xi32, #tpu.memory_space<hbm>>) dst(%dma_wait3A_188 : memref<640xi32, #tpu.memory_space<vmem>>)
      %dma_wait3A_190 = arith.constant 0 : i32
      %dma_wait3A_191 = tpu.memref_slice %arg11[%dma_wait3A_190] : memref<1280xi32, #tpu.memory_space<vmem>> -> memref<640xi32, #tpu.memory_space<vmem>>
      %dma_wait3A_192 = tpu.memref_slice %arg4[%add3A_164] : memref<320000xi32, #tpu.memory_space<hbm>> -> memref<640xi32, #tpu.memory_space<hbm>>
      %dma_wait3A_193 = arith.constant 0 : i32
      %dma_wait3A_194 = tpu.memref_slice %arg11[%dma_wait3A_193] : memref<1280xi32, #tpu.memory_space<vmem>> -> memref<640xi32, #tpu.memory_space<vmem>>
      %dma_wait3A_195 = tpu.memref_slice %arg4[%add3A_164] : memref<320000xi32, #tpu.memory_space<hbm>> -> memref<640xi32, #tpu.memory_space<hbm>>
      tpu.wait_dma2 semaphore(%arg13 : memref<!tpu.dma_semaphore, #tpu.memory_space<semaphore_mem>>) src(%dma_wait3A_195 : memref<640xi32, #tpu.memory_space<hbm>>) dst(%dma_wait3A_194 : memref<640xi32, #tpu.memory_space<vmem>>)
      %dma_wait3A_196 = arith.constant 0 : i32
      %dma_wait3A_197 = tpu.memref_slice %arg12[%dma_wait3A_196] : memref<5120xi32, #tpu.memory_space<vmem>> -> memref<640xi32, #tpu.memory_space<vmem>>
      %dma_wait3A_198 = tpu.memref_slice %arg3[%add3A_169] : memref<20480000xi32, #tpu.memory_space<hbm>> -> memref<640xi32, #tpu.memory_space<hbm>>
      %dma_wait3A_199 = arith.constant 0 : i32
      %dma_wait3A_200 = tpu.memref_slice %arg12[%dma_wait3A_199] : memref<5120xi32, #tpu.memory_space<vmem>> -> memref<640xi32, #tpu.memory_space<vmem>>
      %dma_wait3A_201 = tpu.memref_slice %arg3[%add3A_169] : memref<20480000xi32, #tpu.memory_space<hbm>> -> memref<640xi32, #tpu.memory_space<hbm>>
      tpu.wait_dma2 semaphore(%arg13 : memref<!tpu.dma_semaphore, #tpu.memory_space<semaphore_mem>>) src(%dma_wait3A_201 : memref<640xi32, #tpu.memory_space<hbm>>) dst(%dma_wait3A_200 : memref<640xi32, #tpu.memory_space<vmem>>)
      %dma_wait3A_202 = arith.constant 640 : i32
      %dma_wait3A_203 = tpu.memref_slice %arg12[%dma_wait3A_202] : memref<5120xi32, #tpu.memory_space<vmem>> -> memref<640xi32, #tpu.memory_space<vmem>>
      %dma_wait3A_204 = tpu.memref_slice %arg3[%add3A_174] : memref<20480000xi32, #tpu.memory_space<hbm>> -> memref<640xi32, #tpu.memory_space<hbm>>
      %dma_wait3A_205 = arith.constant 640 : i32
      %dma_wait3A_206 = tpu.memref_slice %arg12[%dma_wait3A_205] : memref<5120xi32, #tpu.memory_space<vmem>> -> memref<640xi32, #tpu.memory_space<vmem>>
      %dma_wait3A_207 = tpu.memref_slice %arg3[%add3A_174] : memref<20480000xi32, #tpu.memory_space<hbm>> -> memref<640xi32, #tpu.memory_space<hbm>>
      tpu.wait_dma2 semaphore(%arg13 : memref<!tpu.dma_semaphore, #tpu.memory_space<semaphore_mem>>) src(%dma_wait3A_207 : memref<640xi32, #tpu.memory_space<hbm>>) dst(%dma_wait3A_206 : memref<640xi32, #tpu.memory_space<vmem>>)
      %dma_wait3A_208 = arith.constant 1280 : i32
      %dma_wait3A_209 = tpu.memref_slice %arg12[%dma_wait3A_208] : memref<5120xi32, #tpu.memory_space<vmem>> -> memref<640xi32, #tpu.memory_space<vmem>>
      %dma_wait3A_210 = tpu.memref_slice %arg3[%add3A_179] : memref<20480000xi32, #tpu.memory_space<hbm>> -> memref<640xi32, #tpu.memory_space<hbm>>
      %dma_wait3A_211 = arith.constant 1280 : i32
      %dma_wait3A_212 = tpu.memref_slice %arg12[%dma_wait3A_211] : memref<5120xi32, #tpu.memory_space<vmem>> -> memref<640xi32, #tpu.memory_space<vmem>>
      %dma_wait3A_213 = tpu.memref_slice %arg3[%add3A_179] : memref<20480000xi32, #tpu.memory_space<hbm>> -> memref<640xi32, #tpu.memory_space<hbm>>
      tpu.wait_dma2 semaphore(%arg13 : memref<!tpu.dma_semaphore, #tpu.memory_space<semaphore_mem>>) src(%dma_wait3A_213 : memref<640xi32, #tpu.memory_space<hbm>>) dst(%dma_wait3A_212 : memref<640xi32, #tpu.memory_space<vmem>>)
      %dma_wait3A_214 = arith.constant 1920 : i32
      %dma_wait3A_215 = tpu.memref_slice %arg12[%dma_wait3A_214] : memref<5120xi32, #tpu.memory_space<vmem>> -> memref<640xi32, #tpu.memory_space<vmem>>
      %dma_wait3A_216 = tpu.memref_slice %arg3[%add3A_184] : memref<20480000xi32, #tpu.memory_space<hbm>> -> memref<640xi32, #tpu.memory_space<hbm>>
      %dma_wait3A_217 = arith.constant 1920 : i32
      %dma_wait3A_218 = tpu.memref_slice %arg12[%dma_wait3A_217] : memref<5120xi32, #tpu.memory_space<vmem>> -> memref<640xi32, #tpu.memory_space<vmem>>
      %dma_wait3A_219 = tpu.memref_slice %arg3[%add3A_184] : memref<20480000xi32, #tpu.memory_space<hbm>> -> memref<640xi32, #tpu.memory_space<hbm>>
      tpu.wait_dma2 semaphore(%arg13 : memref<!tpu.dma_semaphore, #tpu.memory_space<semaphore_mem>>) src(%dma_wait3A_219 : memref<640xi32, #tpu.memory_space<hbm>>) dst(%dma_wait3A_218 : memref<640xi32, #tpu.memory_space<vmem>>)
      %parallel_loop3A_220 = arith.constant 0 : i32
      %parallel_loop3A_221 = arith.constant 40 : i32
      %parallel_loop3A_222 = arith.constant 1 : i32
      scf.for %parallel_loop3A_299 = %parallel_loop3A_220 to %parallel_loop3A_221 step %parallel_loop3A_222  : i32 {
        %parallel_loop3A_300 = arith.constant 16 : i32
        %parallel_loop3A_301 = arith.muli %parallel_loop3A_299, %parallel_loop3A_300 : i32
        %parallel_loop3A_302 = arith.constant 0 : i32
        %parallel_loop3A_303 = arith.addi %parallel_loop3A_302, %parallel_loop3A_301 : i32
        %parallel_loop3A_304 = arith.index_cast %parallel_loop3A_303 : i32 to index
        %parallel_loop3A_305 = tpu.vector_load %arg10[%parallel_loop3A_304] {strides = array<i32>} : memref<1280xi32, #tpu.memory_space<vmem>>, vector<16xi32>,
        %parallel_loop3A_306 = arith.index_cast %parallel_loop3A_303 : i32 to index
        %parallel_loop3A_307 = tpu.vector_load %arg11[%parallel_loop3A_306] {strides = array<i32>} : memref<1280xi32, #tpu.memory_space<vmem>>, vector<16xi32>,
        %parallel_loop3A_308 = arith.constant 65535 : i32
        %parallel_loop3A_309 = vector.broadcast %parallel_loop3A_308 : i32 to vector<16xi32>
        %parallel_loop3A_310 = arith.andi %parallel_loop3A_305, %parallel_loop3A_309 : vector<16xi32>
        %parallel_loop3A_311 = arith.constant 16 : i32
        %parallel_loop3A_312 = vector.broadcast %parallel_loop3A_311 : i32 to vector<16xi32>
        %parallel_loop3A_313 = arith.shrsi %parallel_loop3A_305, %parallel_loop3A_312 : vector<16xi32>
        %parallel_loop3A_314 = arith.constant 65535 : i32
        %parallel_loop3A_315 = vector.broadcast %parallel_loop3A_314 : i32 to vector<16xi32>
        %parallel_loop3A_316 = arith.andi %parallel_loop3A_307, %parallel_loop3A_315 : vector<16xi32>
        %parallel_loop3A_317 = arith.constant 16 : i32
        %parallel_loop3A_318 = vector.broadcast %parallel_loop3A_317 : i32 to vector<16xi32>
        %parallel_loop3A_319 = arith.shrsi %parallel_loop3A_307, %parallel_loop3A_318 : vector<16xi32>
        %parallel_loop3A_320 = arith.constant 16 : i32
        %parallel_loop3A_321 = arith.muli %parallel_loop3A_299, %parallel_loop3A_320 : i32
        %parallel_loop3A_322 = arith.constant 0 : i32
        %parallel_loop3A_323 = arith.addi %parallel_loop3A_322, %parallel_loop3A_321 : i32
        %parallel_loop3A_324 = arith.index_cast %parallel_loop3A_323 : i32 to index
        %parallel_loop3A_325 = tpu.vector_load %arg12[%parallel_loop3A_324] {strides = array<i32>} : memref<5120xi32, #tpu.memory_space<vmem>>, vector<16xi32>,
        %parallel_loop3A_326 = vector.bitcast %parallel_loop3A_325 : vector<16xi32> to vector<32xbf16>
        %parallel_loop3A_327 = tpu.unpack_subelements %parallel_loop3A_326, 0 {pack_format = #tpu.pack_format<interleaved>} : vector<32xbf16> -> vector<16xf32>
        %parallel_loop3A_328 = tpu.unpack_subelements %parallel_loop3A_326, 1 {pack_format = #tpu.pack_format<interleaved>} : vector<32xbf16> -> vector<16xf32>
        %parallel_loop3A_329 = arith.constant 16 : i32
        %parallel_loop3A_330 = arith.muli %parallel_loop3A_299, %parallel_loop3A_329 : i32
        %parallel_loop3A_331 = arith.constant 640 : i32
        %parallel_loop3A_332 = arith.addi %parallel_loop3A_331, %parallel_loop3A_330 : i32
        %parallel_loop3A_333 = arith.index_cast %parallel_loop3A_332 : i32 to index
        %parallel_loop3A_334 = tpu.vector_load %arg12[%parallel_loop3A_333] {strides = array<i32>} : memref<5120xi32, #tpu.memory_space<vmem>>, vector<16xi32>,
        %parallel_loop3A_335 = vector.bitcast %parallel_loop3A_334 : vector<16xi32> to vector<32xbf16>
        %parallel_loop3A_336 = tpu.unpack_subelements %parallel_loop3A_335, 0 {pack_format = #tpu.pack_format<interleaved>} : vector<32xbf16> -> vector<16xf32>
        %parallel_loop3A_337 = tpu.unpack_subelements %parallel_loop3A_335, 1 {pack_format = #tpu.pack_format<interleaved>} : vector<32xbf16> -> vector<16xf32>
        %parallel_loop3A_338 = arith.constant 16 : i32
        %parallel_loop3A_339 = arith.muli %parallel_loop3A_299, %parallel_loop3A_338 : i32
        %parallel_loop3A_340 = arith.constant 1280 : i32
        %parallel_loop3A_341 = arith.addi %parallel_loop3A_340, %parallel_loop3A_339 : i32
        %parallel_loop3A_342 = arith.index_cast %parallel_loop3A_341 : i32 to index
        %parallel_loop3A_343 = tpu.vector_load %arg12[%parallel_loop3A_342] {strides = array<i32>} : memref<5120xi32, #tpu.memory_space<vmem>>, vector<16xi32>,
        %parallel_loop3A_344 = vector.bitcast %parallel_loop3A_343 : vector<16xi32> to vector<32xbf16>
        %parallel_loop3A_345 = tpu.unpack_subelements %parallel_loop3A_344, 0 {pack_format = #tpu.pack_format<interleaved>} : vector<32xbf16> -> vector<16xf32>
        %parallel_loop3A_346 = tpu.unpack_subelements %parallel_loop3A_344, 1 {pack_format = #tpu.pack_format<interleaved>} : vector<32xbf16> -> vector<16xf32>
        %parallel_loop3A_347 = arith.constant 16 : i32
        %parallel_loop3A_348 = arith.muli %parallel_loop3A_299, %parallel_loop3A_347 : i32
        %parallel_loop3A_349 = arith.constant 1920 : i32
        %parallel_loop3A_350 = arith.addi %parallel_loop3A_349, %parallel_loop3A_348 : i32
        %parallel_loop3A_351 = arith.index_cast %parallel_loop3A_350 : i32 to index
        %parallel_loop3A_352 = tpu.vector_load %arg12[%parallel_loop3A_351] {strides = array<i32>} : memref<5120xi32, #tpu.memory_space<vmem>>, vector<16xi32>,
        %parallel_loop3A_353 = vector.bitcast %parallel_loop3A_352 : vector<16xi32> to vector<32xbf16>
        %parallel_loop3A_354 = tpu.unpack_subelements %parallel_loop3A_353, 0 {pack_format = #tpu.pack_format<interleaved>} : vector<32xbf16> -> vector<16xf32>
        %parallel_loop3A_355 = tpu.unpack_subelements %parallel_loop3A_353, 1 {pack_format = #tpu.pack_format<interleaved>} : vector<32xbf16> -> vector<16xf32>
        %parallel_loop3A_356 = tpu.vector_load_idx %arg7[%parallel_loop3A_310] : memref<40960xf32, #tpu.memory_space<vmem>>[vector<16xi32>], vector<16xf32>,
        %parallel_loop3A_357 = arith.constant 10240 : i32
        %parallel_loop3A_358 = vector.broadcast %parallel_loop3A_357 : i32 to vector<16xi32>
        %parallel_loop3A_359 = arith.addi %parallel_loop3A_310, %parallel_loop3A_358 : vector<16xi32>
        %parallel_loop3A_360 = tpu.vector_load_idx %arg7[%parallel_loop3A_359] : memref<40960xf32, #tpu.memory_space<vmem>>[vector<16xi32>], vector<16xf32>,
        %parallel_loop3A_361 = arith.constant 20480 : i32
        %parallel_loop3A_362 = vector.broadcast %parallel_loop3A_361 : i32 to vector<16xi32>
        %parallel_loop3A_363 = arith.addi %parallel_loop3A_310, %parallel_loop3A_362 : vector<16xi32>
        %parallel_loop3A_364 = tpu.vector_load_idx %arg7[%parallel_loop3A_363] : memref<40960xf32, #tpu.memory_space<vmem>>[vector<16xi32>], vector<16xf32>,
        %parallel_loop3A_365 = arith.constant 30720 : i32
        %parallel_loop3A_366 = vector.broadcast %parallel_loop3A_365 : i32 to vector<16xi32>
        %parallel_loop3A_367 = arith.addi %parallel_loop3A_310, %parallel_loop3A_366 : vector<16xi32>
        %parallel_loop3A_368 = tpu.vector_load_idx %arg7[%parallel_loop3A_367] : memref<40960xf32, #tpu.memory_space<vmem>>[vector<16xi32>], vector<16xf32>,
        %parallel_loop3A_369 = arith.mulf %parallel_loop3A_360, %parallel_loop3A_336 : vector<16xf32>
        %parallel_loop3A_370 = arith.mulf %parallel_loop3A_356, %parallel_loop3A_327 : vector<16xf32>
        %parallel_loop3A_371 = vector.broadcast %select_n3A : f32 to vector<16xf32>
        %parallel_loop3A_372 = arith.mulf %parallel_loop3A_371, %parallel_loop3A_369 : vector<16xf32>
        %parallel_loop3A_373 = arith.subf %parallel_loop3A_370, %parallel_loop3A_372 : vector<16xf32>
        %parallel_loop3A_374 = arith.mulf %parallel_loop3A_356, %parallel_loop3A_336 : vector<16xf32>
        %parallel_loop3A_375 = arith.mulf %parallel_loop3A_360, %parallel_loop3A_327 : vector<16xf32>
        %parallel_loop3A_376 = arith.addf %parallel_loop3A_374, %parallel_loop3A_375 : vector<16xf32>
        %parallel_loop3A_377 = vector.broadcast %select_n3A : f32 to vector<16xf32>
        %parallel_loop3A_378 = arith.mulf %parallel_loop3A_377, %parallel_loop3A_376 : vector<16xf32>
        %parallel_loop3A_379 = arith.constant 1.000000e+00 : f32
        %parallel_loop3A_380 = arith.subf %parallel_loop3A_379, %select_n3A : f32
        %parallel_loop3A_381 = vector.broadcast %parallel_loop3A_380 : f32 to vector<16xf32>
        %parallel_loop3A_382 = arith.mulf %parallel_loop3A_381, %parallel_loop3A_369 : vector<16xf32>
        %parallel_loop3A_383 = arith.addf %parallel_loop3A_378, %parallel_loop3A_382 : vector<16xf32>
        %parallel_loop3A_384 = arith.mulf %parallel_loop3A_364, %parallel_loop3A_345 : vector<16xf32>
        %parallel_loop3A_385 = arith.mulf %parallel_loop3A_368, %parallel_loop3A_354 : vector<16xf32>
        %parallel_loop3A_386 = arith.subf %parallel_loop3A_384, %parallel_loop3A_385 : vector<16xf32>
        %parallel_loop3A_387 = arith.mulf %parallel_loop3A_364, %parallel_loop3A_354 : vector<16xf32>
        %parallel_loop3A_388 = arith.mulf %parallel_loop3A_368, %parallel_loop3A_345 : vector<16xf32>
        %parallel_loop3A_389 = arith.addf %parallel_loop3A_387, %parallel_loop3A_388 : vector<16xf32>
        tpu.vector_store_idx %arg8[%parallel_loop3A_313], %parallel_loop3A_373 {add = true} : memref<40960xf32, #tpu.memory_space<vmem>>[vector<16xi32>], vector<16xf32>,
        %parallel_loop3A_390 = arith.constant 10240 : i32
        %parallel_loop3A_391 = vector.broadcast %parallel_loop3A_390 : i32 to vector<16xi32>
        %parallel_loop3A_392 = arith.addi %parallel_loop3A_313, %parallel_loop3A_391 : vector<16xi32>
        tpu.vector_store_idx %arg8[%parallel_loop3A_392], %parallel_loop3A_383 {add = true} : memref<40960xf32, #tpu.memory_space<vmem>>[vector<16xi32>], vector<16xf32>,
        %parallel_loop3A_393 = arith.constant 20480 : i32
        %parallel_loop3A_394 = vector.broadcast %parallel_loop3A_393 : i32 to vector<16xi32>
        %parallel_loop3A_395 = arith.addi %parallel_loop3A_313, %parallel_loop3A_394 : vector<16xi32>
        tpu.vector_store_idx %arg8[%parallel_loop3A_395], %parallel_loop3A_386 {add = true} : memref<40960xf32, #tpu.memory_space<vmem>>[vector<16xi32>], vector<16xf32>,
        %parallel_loop3A_396 = arith.constant 30720 : i32
        %parallel_loop3A_397 = vector.broadcast %parallel_loop3A_396 : i32 to vector<16xi32>
        %parallel_loop3A_398 = arith.addi %parallel_loop3A_313, %parallel_loop3A_397 : vector<16xi32>
        tpu.vector_store_idx %arg8[%parallel_loop3A_398], %parallel_loop3A_389 {add = true} : memref<40960xf32, #tpu.memory_space<vmem>>[vector<16xi32>], vector<16xf32>,
        %parallel_loop3A_399 = tpu.vector_load_idx %arg7[%parallel_loop3A_316] : memref<40960xf32, #tpu.memory_space<vmem>>[vector<16xi32>], vector<16xf32>,
        %parallel_loop3A_400 = arith.constant 10240 : i32
        %parallel_loop3A_401 = vector.broadcast %parallel_loop3A_400 : i32 to vector<16xi32>
        %parallel_loop3A_402 = arith.addi %parallel_loop3A_316, %parallel_loop3A_401 : vector<16xi32>
        %parallel_loop3A_403 = tpu.vector_load_idx %arg7[%parallel_loop3A_402] : memref<40960xf32, #tpu.memory_space<vmem>>[vector<16xi32>], vector<16xf32>,
        %parallel_loop3A_404 = arith.constant 20480 : i32
        %parallel_loop3A_405 = vector.broadcast %parallel_loop3A_404 : i32 to vector<16xi32>
        %parallel_loop3A_406 = arith.addi %parallel_loop3A_316, %parallel_loop3A_405 : vector<16xi32>
        %parallel_loop3A_407 = tpu.vector_load_idx %arg7[%parallel_loop3A_406] : memref<40960xf32, #tpu.memory_space<vmem>>[vector<16xi32>], vector<16xf32>,
        %parallel_loop3A_408 = arith.constant 30720 : i32
        %parallel_loop3A_409 = vector.broadcast %parallel_loop3A_408 : i32 to vector<16xi32>
        %parallel_loop3A_410 = arith.addi %parallel_loop3A_316, %parallel_loop3A_409 : vector<16xi32>
        %parallel_loop3A_411 = tpu.vector_load_idx %arg7[%parallel_loop3A_410] : memref<40960xf32, #tpu.memory_space<vmem>>[vector<16xi32>], vector<16xf32>,
        %parallel_loop3A_412 = arith.mulf %parallel_loop3A_403, %parallel_loop3A_337 : vector<16xf32>
        %parallel_loop3A_413 = arith.mulf %parallel_loop3A_399, %parallel_loop3A_328 : vector<16xf32>
        %parallel_loop3A_414 = vector.broadcast %select_n3A : f32 to vector<16xf32>
        %parallel_loop3A_415 = arith.mulf %parallel_loop3A_414, %parallel_loop3A_412 : vector<16xf32>
        %parallel_loop3A_416 = arith.subf %parallel_loop3A_413, %parallel_loop3A_415 : vector<16xf32>
        %parallel_loop3A_417 = arith.mulf %parallel_loop3A_399, %parallel_loop3A_337 : vector<16xf32>
        %parallel_loop3A_418 = arith.mulf %parallel_loop3A_403, %parallel_loop3A_328 : vector<16xf32>
        %parallel_loop3A_419 = arith.addf %parallel_loop3A_417, %parallel_loop3A_418 : vector<16xf32>
        %parallel_loop3A_420 = vector.broadcast %select_n3A : f32 to vector<16xf32>
        %parallel_loop3A_421 = arith.mulf %parallel_loop3A_420, %parallel_loop3A_419 : vector<16xf32>
        %parallel_loop3A_422 = arith.constant 1.000000e+00 : f32
        %parallel_loop3A_423 = arith.subf %parallel_loop3A_422, %select_n3A : f32
        %parallel_loop3A_424 = vector.broadcast %parallel_loop3A_423 : f32 to vector<16xf32>
        %parallel_loop3A_425 = arith.mulf %parallel_loop3A_424, %parallel_loop3A_412 : vector<16xf32>
        %parallel_loop3A_426 = arith.addf %parallel_loop3A_421, %parallel_loop3A_425 : vector<16xf32>
        %parallel_loop3A_427 = arith.mulf %parallel_loop3A_407, %parallel_loop3A_346 : vector<16xf32>
        %parallel_loop3A_428 = arith.mulf %parallel_loop3A_411, %parallel_loop3A_355 : vector<16xf32>
        %parallel_loop3A_429 = arith.subf %parallel_loop3A_427, %parallel_loop3A_428 : vector<16xf32>
        %parallel_loop3A_430 = arith.mulf %parallel_loop3A_407, %parallel_loop3A_355 : vector<16xf32>
        %parallel_loop3A_431 = arith.mulf %parallel_loop3A_411, %parallel_loop3A_346 : vector<16xf32>
        %parallel_loop3A_432 = arith.addf %parallel_loop3A_430, %parallel_loop3A_431 : vector<16xf32>
        tpu.vector_store_idx %arg8[%parallel_loop3A_319], %parallel_loop3A_416 {add = true} : memref<40960xf32, #tpu.memory_space<vmem>>[vector<16xi32>], vector<16xf32>,
        %parallel_loop3A_433 = arith.constant 10240 : i32
        %parallel_loop3A_434 = vector.broadcast %parallel_loop3A_433 : i32 to vector<16xi32>
        %parallel_loop3A_435 = arith.addi %parallel_loop3A_319, %parallel_loop3A_434 : vector<16xi32>
        tpu.vector_store_idx %arg8[%parallel_loop3A_435], %parallel_loop3A_426 {add = true} : memref<40960xf32, #tpu.memory_space<vmem>>[vector<16xi32>], vector<16xf32>,
        %parallel_loop3A_436 = arith.constant 20480 : i32
        %parallel_loop3A_437 = vector.broadcast %parallel_loop3A_436 : i32 to vector<16xi32>
        %parallel_loop3A_438 = arith.addi %parallel_loop3A_319, %parallel_loop3A_437 : vector<16xi32>
        tpu.vector_store_idx %arg8[%parallel_loop3A_438], %parallel_loop3A_429 {add = true} : memref<40960xf32, #tpu.memory_space<vmem>>[vector<16xi32>], vector<16xf32>,
        %parallel_loop3A_439 = arith.constant 30720 : i32
        %parallel_loop3A_440 = vector.broadcast %parallel_loop3A_439 : i32 to vector<16xi32>
        %parallel_loop3A_441 = arith.addi %parallel_loop3A_319, %parallel_loop3A_440 : vector<16xi32>
        tpu.vector_store_idx %arg8[%parallel_loop3A_441], %parallel_loop3A_432 {add = true} : memref<40960xf32, #tpu.memory_space<vmem>>[vector<16xi32>], vector<16xf32>,
      } {sc.loop_unroll_factor = 4 : i64, sc.parallel_access}
      %add3A_223 = arith.constant 2 : i32
      %add3A_224 = arith.addi %mul3A_160, %add3A_223 : i32
      %lt3A = arith.constant 250 : i32
      %lt3A_225 = arith.cmpi slt, %add3A_224, %lt3A : i32
      %convert_element_type3A = arith.extui %lt3A_225 : i1 to i32
      %cond3A = arith.constant 0 : i32
      %cond3A_226 = arith.cmpi ne, %convert_element_type3A, %cond3A : i32
      scf.if %cond3A_226 {
        %add3A_299 = arith.constant 2 : i32
        %add3A_300 = arith.addi %mul3A_160, %add3A_299 : i32
        %mul3A_301 = arith.constant 640 : i32
        %mul3A_302 = arith.muli %add3A_300, %mul3A_301 : i32
        %add3A_303 = arith.constant 160000 : i32
        %add3A_304 = arith.addi %add3A_303, %mul3A_302 : i32
        %add3A_305 = arith.constant 0 : i32
        %add3A_306 = arith.addi %mul3A_2, %add3A_305 : i32
        %mul3A_307 = arith.constant 160000 : i32
        %mul3A_308 = arith.muli %add3A_306, %mul3A_307 : i32
        %add3A_309 = arith.addi %mul3A_308, %mul3A_302 : i32
        %add3A_310 = arith.constant 1 : i32
        %add3A_311 = arith.addi %mul3A_2, %add3A_310 : i32
        %mul3A_312 = arith.constant 160000 : i32
        %mul3A_313 = arith.muli %add3A_311, %mul3A_312 : i32
        %add3A_314 = arith.addi %mul3A_313, %mul3A_302 : i32
        %add3A_315 = arith.constant 2 : i32
        %add3A_316 = arith.addi %mul3A_2, %add3A_315 : i32
        %mul3A_317 = arith.constant 160000 : i32
        %mul3A_318 = arith.muli %add3A_316, %mul3A_317 : i32
        %add3A_319 = arith.addi %mul3A_318, %mul3A_302 : i32
        %add3A_320 = arith.constant 3 : i32
        %add3A_321 = arith.addi %mul3A_2, %add3A_320 : i32
        %mul3A_322 = arith.constant 160000 : i32
        %mul3A_323 = arith.muli %add3A_321, %mul3A_322 : i32
        %add3A_324 = arith.addi %mul3A_323, %mul3A_302 : i32
        %dma_start3A_325 = arith.constant 0 : i32
        %dma_start3A_326 = tpu.memref_slice %arg10[%dma_start3A_325] : memref<1280xi32, #tpu.memory_space<vmem>> -> memref<640xi32, #tpu.memory_space<vmem>>
        %dma_start3A_327 = tpu.memref_slice %arg4[%mul3A_302] : memref<320000xi32, #tpu.memory_space<hbm>> -> memref<640xi32, #tpu.memory_space<hbm>>
        %dma_start3A_328 = arith.constant 0 : i32
        %dma_start3A_329 = tpu.memref_slice %arg10[%dma_start3A_328] : memref<1280xi32, #tpu.memory_space<vmem>> -> memref<640xi32, #tpu.memory_space<vmem>>
        %dma_start3A_330 = tpu.memref_slice %arg4[%mul3A_302] : memref<320000xi32, #tpu.memory_space<hbm>> -> memref<640xi32, #tpu.memory_space<hbm>>
        tpu.enqueue_dma source(%dma_start3A_330 : memref<640xi32, #tpu.memory_space<hbm>>) target(%dma_start3A_329 : memref<640xi32, #tpu.memory_space<vmem>>) target_semaphore(%arg13 : memref<!tpu.dma_semaphore, #tpu.memory_space<semaphore_mem>>)
        %dma_start3A_331 = arith.constant 0 : i32
        %dma_start3A_332 = tpu.memref_slice %arg11[%dma_start3A_331] : memref<1280xi32, #tpu.memory_space<vmem>> -> memref<640xi32, #tpu.memory_space<vmem>>
        %dma_start3A_333 = tpu.memref_slice %arg4[%add3A_304] : memref<320000xi32, #tpu.memory_space<hbm>> -> memref<640xi32, #tpu.memory_space<hbm>>
        %dma_start3A_334 = arith.constant 0 : i32
        %dma_start3A_335 = tpu.memref_slice %arg11[%dma_start3A_334] : memref<1280xi32, #tpu.memory_space<vmem>> -> memref<640xi32, #tpu.memory_space<vmem>>
        %dma_start3A_336 = tpu.memref_slice %arg4[%add3A_304] : memref<320000xi32, #tpu.memory_space<hbm>> -> memref<640xi32, #tpu.memory_space<hbm>>
        tpu.enqueue_dma source(%dma_start3A_336 : memref<640xi32, #tpu.memory_space<hbm>>) target(%dma_start3A_335 : memref<640xi32, #tpu.memory_space<vmem>>) target_semaphore(%arg13 : memref<!tpu.dma_semaphore, #tpu.memory_space<semaphore_mem>>)
        %dma_start3A_337 = arith.constant 0 : i32
        %dma_start3A_338 = tpu.memref_slice %arg12[%dma_start3A_337] : memref<5120xi32, #tpu.memory_space<vmem>> -> memref<640xi32, #tpu.memory_space<vmem>>
        %dma_start3A_339 = tpu.memref_slice %arg3[%add3A_309] : memref<20480000xi32, #tpu.memory_space<hbm>> -> memref<640xi32, #tpu.memory_space<hbm>>
        %dma_start3A_340 = arith.constant 0 : i32
        %dma_start3A_341 = tpu.memref_slice %arg12[%dma_start3A_340] : memref<5120xi32, #tpu.memory_space<vmem>> -> memref<640xi32, #tpu.memory_space<vmem>>
        %dma_start3A_342 = tpu.memref_slice %arg3[%add3A_309] : memref<20480000xi32, #tpu.memory_space<hbm>> -> memref<640xi32, #tpu.memory_space<hbm>>
        tpu.enqueue_dma source(%dma_start3A_342 : memref<640xi32, #tpu.memory_space<hbm>>) target(%dma_start3A_341 : memref<640xi32, #tpu.memory_space<vmem>>) target_semaphore(%arg13 : memref<!tpu.dma_semaphore, #tpu.memory_space<semaphore_mem>>)
        %dma_start3A_343 = arith.constant 640 : i32
        %dma_start3A_344 = tpu.memref_slice %arg12[%dma_start3A_343] : memref<5120xi32, #tpu.memory_space<vmem>> -> memref<640xi32, #tpu.memory_space<vmem>>
        %dma_start3A_345 = tpu.memref_slice %arg3[%add3A_314] : memref<20480000xi32, #tpu.memory_space<hbm>> -> memref<640xi32, #tpu.memory_space<hbm>>
        %dma_start3A_346 = arith.constant 640 : i32
        %dma_start3A_347 = tpu.memref_slice %arg12[%dma_start3A_346] : memref<5120xi32, #tpu.memory_space<vmem>> -> memref<640xi32, #tpu.memory_space<vmem>>
        %dma_start3A_348 = tpu.memref_slice %arg3[%add3A_314] : memref<20480000xi32, #tpu.memory_space<hbm>> -> memref<640xi32, #tpu.memory_space<hbm>>
        tpu.enqueue_dma source(%dma_start3A_348 : memref<640xi32, #tpu.memory_space<hbm>>) target(%dma_start3A_347 : memref<640xi32, #tpu.memory_space<vmem>>) target_semaphore(%arg13 : memref<!tpu.dma_semaphore, #tpu.memory_space<semaphore_mem>>)
        %dma_start3A_349 = arith.constant 1280 : i32
        %dma_start3A_350 = tpu.memref_slice %arg12[%dma_start3A_349] : memref<5120xi32, #tpu.memory_space<vmem>> -> memref<640xi32, #tpu.memory_space<vmem>>
        %dma_start3A_351 = tpu.memref_slice %arg3[%add3A_319] : memref<20480000xi32, #tpu.memory_space<hbm>> -> memref<640xi32, #tpu.memory_space<hbm>>
        %dma_start3A_352 = arith.constant 1280 : i32
        %dma_start3A_353 = tpu.memref_slice %arg12[%dma_start3A_352] : memref<5120xi32, #tpu.memory_space<vmem>> -> memref<640xi32, #tpu.memory_space<vmem>>
        %dma_start3A_354 = tpu.memref_slice %arg3[%add3A_319] : memref<20480000xi32, #tpu.memory_space<hbm>> -> memref<640xi32, #tpu.memory_space<hbm>>
        tpu.enqueue_dma source(%dma_start3A_354 : memref<640xi32, #tpu.memory_space<hbm>>) target(%dma_start3A_353 : memref<640xi32, #tpu.memory_space<vmem>>) target_semaphore(%arg13 : memref<!tpu.dma_semaphore, #tpu.memory_space<semaphore_mem>>)
        %dma_start3A_355 = arith.constant 1920 : i32
        %dma_start3A_356 = tpu.memref_slice %arg12[%dma_start3A_355] : memref<5120xi32, #tpu.memory_space<vmem>> -> memref<640xi32, #tpu.memory_space<vmem>>
        %dma_start3A_357 = tpu.memref_slice %arg3[%add3A_324] : memref<20480000xi32, #tpu.memory_space<hbm>> -> memref<640xi32, #tpu.memory_space<hbm>>
        %dma_start3A_358 = arith.constant 1920 : i32
        %dma_start3A_359 = tpu.memref_slice %arg12[%dma_start3A_358] : memref<5120xi32, #tpu.memory_space<vmem>> -> memref<640xi32, #tpu.memory_space<vmem>>
        %dma_start3A_360 = tpu.memref_slice %arg3[%add3A_324] : memref<20480000xi32, #tpu.memory_space<hbm>> -> memref<640xi32, #tpu.memory_space<hbm>>
        tpu.enqueue_dma source(%dma_start3A_360 : memref<640xi32, #tpu.memory_space<hbm>>) target(%dma_start3A_359 : memref<640xi32, #tpu.memory_space<vmem>>) target_semaphore(%arg13 : memref<!tpu.dma_semaphore, #tpu.memory_space<semaphore_mem>>)
      } else {
      }
      %add3A_227 = arith.constant 1 : i32
      %add3A_228 = arith.addi %mul3A_160, %add3A_227 : i32
      %mul3A_229 = arith.constant 640 : i32
      %mul3A_230 = arith.muli %add3A_228, %mul3A_229 : i32
      %add3A_231 = arith.constant 160000 : i32
      %add3A_232 = arith.addi %add3A_231, %mul3A_230 : i32
      %add3A_233 = arith.constant 0 : i32
      %add3A_234 = arith.addi %mul3A_2, %add3A_233 : i32
      %mul3A_235 = arith.constant 160000 : i32
      %mul3A_236 = arith.muli %add3A_234, %mul3A_235 : i32
      %add3A_237 = arith.addi %mul3A_236, %mul3A_230 : i32
      %add3A_238 = arith.constant 1 : i32
      %add3A_239 = arith.addi %mul3A_2, %add3A_238 : i32
      %mul3A_240 = arith.constant 160000 : i32
      %mul3A_241 = arith.muli %add3A_239, %mul3A_240 : i32
      %add3A_242 = arith.addi %mul3A_241, %mul3A_230 : i32
      %add3A_243 = arith.constant 2 : i32
      %add3A_244 = arith.addi %mul3A_2, %add3A_243 : i32
      %mul3A_245 = arith.constant 160000 : i32
      %mul3A_246 = arith.muli %add3A_244, %mul3A_245 : i32
      %add3A_247 = arith.addi %mul3A_246, %mul3A_230 : i32
      %add3A_248 = arith.constant 3 : i32
      %add3A_249 = arith.addi %mul3A_2, %add3A_248 : i32
      %mul3A_250 = arith.constant 160000 : i32
      %mul3A_251 = arith.muli %add3A_249, %mul3A_250 : i32
      %add3A_252 = arith.addi %mul3A_251, %mul3A_230 : i32
      %dma_wait3A_253 = arith.constant 640 : i32
      %dma_wait3A_254 = tpu.memref_slice %arg10[%dma_wait3A_253] : memref<1280xi32, #tpu.memory_space<vmem>> -> memref<640xi32, #tpu.memory_space<vmem>>
      %dma_wait3A_255 = tpu.memref_slice %arg4[%mul3A_230] : memref<320000xi32, #tpu.memory_space<hbm>> -> memref<640xi32, #tpu.memory_space<hbm>>
      %dma_wait3A_256 = arith.constant 640 : i32
      %dma_wait3A_257 = tpu.memref_slice %arg10[%dma_wait3A_256] : memref<1280xi32, #tpu.memory_space<vmem>> -> memref<640xi32, #tpu.memory_space<vmem>>
      %dma_wait3A_258 = tpu.memref_slice %arg4[%mul3A_230] : memref<320000xi32, #tpu.memory_space<hbm>> -> memref<640xi32, #tpu.memory_space<hbm>>
      tpu.wait_dma2 semaphore(%arg14 : memref<!tpu.dma_semaphore, #tpu.memory_space<semaphore_mem>>) src(%dma_wait3A_258 : memref<640xi32, #tpu.memory_space<hbm>>) dst(%dma_wait3A_257 : memref<640xi32, #tpu.memory_space<vmem>>)
      %dma_wait3A_259 = arith.constant 640 : i32
      %dma_wait3A_260 = tpu.memref_slice %arg11[%dma_wait3A_259] : memref<1280xi32, #tpu.memory_space<vmem>> -> memref<640xi32, #tpu.memory_space<vmem>>
      %dma_wait3A_261 = tpu.memref_slice %arg4[%add3A_232] : memref<320000xi32, #tpu.memory_space<hbm>> -> memref<640xi32, #tpu.memory_space<hbm>>
      %dma_wait3A_262 = arith.constant 640 : i32
      %dma_wait3A_263 = tpu.memref_slice %arg11[%dma_wait3A_262] : memref<1280xi32, #tpu.memory_space<vmem>> -> memref<640xi32, #tpu.memory_space<vmem>>
      %dma_wait3A_264 = tpu.memref_slice %arg4[%add3A_232] : memref<320000xi32, #tpu.memory_space<hbm>> -> memref<640xi32, #tpu.memory_space<hbm>>
      tpu.wait_dma2 semaphore(%arg14 : memref<!tpu.dma_semaphore, #tpu.memory_space<semaphore_mem>>) src(%dma_wait3A_264 : memref<640xi32, #tpu.memory_space<hbm>>) dst(%dma_wait3A_263 : memref<640xi32, #tpu.memory_space<vmem>>)
      %dma_wait3A_265 = arith.constant 2560 : i32
      %dma_wait3A_266 = tpu.memref_slice %arg12[%dma_wait3A_265] : memref<5120xi32, #tpu.memory_space<vmem>> -> memref<640xi32, #tpu.memory_space<vmem>>
      %dma_wait3A_267 = tpu.memref_slice %arg3[%add3A_237] : memref<20480000xi32, #tpu.memory_space<hbm>> -> memref<640xi32, #tpu.memory_space<hbm>>
      %dma_wait3A_268 = arith.constant 2560 : i32
      %dma_wait3A_269 = tpu.memref_slice %arg12[%dma_wait3A_268] : memref<5120xi32, #tpu.memory_space<vmem>> -> memref<640xi32, #tpu.memory_space<vmem>>
      %dma_wait3A_270 = tpu.memref_slice %arg3[%add3A_237] : memref<20480000xi32, #tpu.memory_space<hbm>> -> memref<640xi32, #tpu.memory_space<hbm>>
      tpu.wait_dma2 semaphore(%arg14 : memref<!tpu.dma_semaphore, #tpu.memory_space<semaphore_mem>>) src(%dma_wait3A_270 : memref<640xi32, #tpu.memory_space<hbm>>) dst(%dma_wait3A_269 : memref<640xi32, #tpu.memory_space<vmem>>)
      %dma_wait3A_271 = arith.constant 3200 : i32
      %dma_wait3A_272 = tpu.memref_slice %arg12[%dma_wait3A_271] : memref<5120xi32, #tpu.memory_space<vmem>> -> memref<640xi32, #tpu.memory_space<vmem>>
      %dma_wait3A_273 = tpu.memref_slice %arg3[%add3A_242] : memref<20480000xi32, #tpu.memory_space<hbm>> -> memref<640xi32, #tpu.memory_space<hbm>>
      %dma_wait3A_274 = arith.constant 3200 : i32
      %dma_wait3A_275 = tpu.memref_slice %arg12[%dma_wait3A_274] : memref<5120xi32, #tpu.memory_space<vmem>> -> memref<640xi32, #tpu.memory_space<vmem>>
      %dma_wait3A_276 = tpu.memref_slice %arg3[%add3A_242] : memref<20480000xi32, #tpu.memory_space<hbm>> -> memref<640xi32, #tpu.memory_space<hbm>>
      tpu.wait_dma2 semaphore(%arg14 : memref<!tpu.dma_semaphore, #tpu.memory_space<semaphore_mem>>) src(%dma_wait3A_276 : memref<640xi32, #tpu.memory_space<hbm>>) dst(%dma_wait3A_275 : memref<640xi32, #tpu.memory_space<vmem>>)
      %dma_wait3A_277 = arith.constant 3840 : i32
      %dma_wait3A_278 = tpu.memref_slice %arg12[%dma_wait3A_277] : memref<5120xi32, #tpu.memory_space<vmem>> -> memref<640xi32, #tpu.memory_space<vmem>>
      %dma_wait3A_279 = tpu.memref_slice %arg3[%add3A_247] : memref<20480000xi32, #tpu.memory_space<hbm>> -> memref<640xi32, #tpu.memory_space<hbm>>
      %dma_wait3A_280 = arith.constant 3840 : i32
      %dma_wait3A_281 = tpu.memref_slice %arg12[%dma_wait3A_280] : memref<5120xi32, #tpu.memory_space<vmem>> -> memref<640xi32, #tpu.memory_space<vmem>>
      %dma_wait3A_282 = tpu.memref_slice %arg3[%add3A_247] : memref<20480000xi32, #tpu.memory_space<hbm>> -> memref<640xi32, #tpu.memory_space<hbm>>
      tpu.wait_dma2 semaphore(%arg14 : memref<!tpu.dma_semaphore, #tpu.memory_space<semaphore_mem>>) src(%dma_wait3A_282 : memref<640xi32, #tpu.memory_space<hbm>>) dst(%dma_wait3A_281 : memref<640xi32, #tpu.memory_space<vmem>>)
      %dma_wait3A_283 = arith.constant 4480 : i32
      %dma_wait3A_284 = tpu.memref_slice %arg12[%dma_wait3A_283] : memref<5120xi32, #tpu.memory_space<vmem>> -> memref<640xi32, #tpu.memory_space<vmem>>
      %dma_wait3A_285 = tpu.memref_slice %arg3[%add3A_252] : memref<20480000xi32, #tpu.memory_space<hbm>> -> memref<640xi32, #tpu.memory_space<hbm>>
      %dma_wait3A_286 = arith.constant 4480 : i32
      %dma_wait3A_287 = tpu.memref_slice %arg12[%dma_wait3A_286] : memref<5120xi32, #tpu.memory_space<vmem>> -> memref<640xi32, #tpu.memory_space<vmem>>
      %dma_wait3A_288 = tpu.memref_slice %arg3[%add3A_252] : memref<20480000xi32, #tpu.memory_space<hbm>> -> memref<640xi32, #tpu.memory_space<hbm>>
      tpu.wait_dma2 semaphore(%arg14 : memref<!tpu.dma_semaphore, #tpu.memory_space<semaphore_mem>>) src(%dma_wait3A_288 : memref<640xi32, #tpu.memory_space<hbm>>) dst(%dma_wait3A_287 : memref<640xi32, #tpu.memory_space<vmem>>)
      %parallel_loop3A_289 = arith.constant 0 : i32
      %parallel_loop3A_290 = arith.constant 40 : i32
      %parallel_loop3A_291 = arith.constant 1 : i32
      scf.for %parallel_loop3A_299 = %parallel_loop3A_289 to %parallel_loop3A_290 step %parallel_loop3A_291  : i32 {
        %parallel_loop3A_300 = arith.constant 16 : i32
        %parallel_loop3A_301 = arith.muli %parallel_loop3A_299, %parallel_loop3A_300 : i32
        %parallel_loop3A_302 = arith.constant 640 : i32
        %parallel_loop3A_303 = arith.addi %parallel_loop3A_302, %parallel_loop3A_301 : i32
        %parallel_loop3A_304 = arith.index_cast %parallel_loop3A_303 : i32 to index
        %parallel_loop3A_305 = tpu.vector_load %arg10[%parallel_loop3A_304] {strides = array<i32>} : memref<1280xi32, #tpu.memory_space<vmem>>, vector<16xi32>,
        %parallel_loop3A_306 = arith.index_cast %parallel_loop3A_303 : i32 to index
        %parallel_loop3A_307 = tpu.vector_load %arg11[%parallel_loop3A_306] {strides = array<i32>} : memref<1280xi32, #tpu.memory_space<vmem>>, vector<16xi32>,
        %parallel_loop3A_308 = arith.constant 65535 : i32
        %parallel_loop3A_309 = vector.broadcast %parallel_loop3A_308 : i32 to vector<16xi32>
        %parallel_loop3A_310 = arith.andi %parallel_loop3A_305, %parallel_loop3A_309 : vector<16xi32>
        %parallel_loop3A_311 = arith.constant 16 : i32
        %parallel_loop3A_312 = vector.broadcast %parallel_loop3A_311 : i32 to vector<16xi32>
        %parallel_loop3A_313 = arith.shrsi %parallel_loop3A_305, %parallel_loop3A_312 : vector<16xi32>
        %parallel_loop3A_314 = arith.constant 65535 : i32
        %parallel_loop3A_315 = vector.broadcast %parallel_loop3A_314 : i32 to vector<16xi32>
        %parallel_loop3A_316 = arith.andi %parallel_loop3A_307, %parallel_loop3A_315 : vector<16xi32>
        %parallel_loop3A_317 = arith.constant 16 : i32
        %parallel_loop3A_318 = vector.broadcast %parallel_loop3A_317 : i32 to vector<16xi32>
        %parallel_loop3A_319 = arith.shrsi %parallel_loop3A_307, %parallel_loop3A_318 : vector<16xi32>
        %parallel_loop3A_320 = arith.constant 16 : i32
        %parallel_loop3A_321 = arith.muli %parallel_loop3A_299, %parallel_loop3A_320 : i32
        %parallel_loop3A_322 = arith.constant 2560 : i32
        %parallel_loop3A_323 = arith.addi %parallel_loop3A_322, %parallel_loop3A_321 : i32
        %parallel_loop3A_324 = arith.index_cast %parallel_loop3A_323 : i32 to index
        %parallel_loop3A_325 = tpu.vector_load %arg12[%parallel_loop3A_324] {strides = array<i32>} : memref<5120xi32, #tpu.memory_space<vmem>>, vector<16xi32>,
        %parallel_loop3A_326 = vector.bitcast %parallel_loop3A_325 : vector<16xi32> to vector<32xbf16>
        %parallel_loop3A_327 = tpu.unpack_subelements %parallel_loop3A_326, 0 {pack_format = #tpu.pack_format<interleaved>} : vector<32xbf16> -> vector<16xf32>
        %parallel_loop3A_328 = tpu.unpack_subelements %parallel_loop3A_326, 1 {pack_format = #tpu.pack_format<interleaved>} : vector<32xbf16> -> vector<16xf32>
        %parallel_loop3A_329 = arith.constant 16 : i32
        %parallel_loop3A_330 = arith.muli %parallel_loop3A_299, %parallel_loop3A_329 : i32
        %parallel_loop3A_331 = arith.constant 3200 : i32
        %parallel_loop3A_332 = arith.addi %parallel_loop3A_331, %parallel_loop3A_330 : i32
        %parallel_loop3A_333 = arith.index_cast %parallel_loop3A_332 : i32 to index
        %parallel_loop3A_334 = tpu.vector_load %arg12[%parallel_loop3A_333] {strides = array<i32>} : memref<5120xi32, #tpu.memory_space<vmem>>, vector<16xi32>,
        %parallel_loop3A_335 = vector.bitcast %parallel_loop3A_334 : vector<16xi32> to vector<32xbf16>
        %parallel_loop3A_336 = tpu.unpack_subelements %parallel_loop3A_335, 0 {pack_format = #tpu.pack_format<interleaved>} : vector<32xbf16> -> vector<16xf32>
        %parallel_loop3A_337 = tpu.unpack_subelements %parallel_loop3A_335, 1 {pack_format = #tpu.pack_format<interleaved>} : vector<32xbf16> -> vector<16xf32>
        %parallel_loop3A_338 = arith.constant 16 : i32
        %parallel_loop3A_339 = arith.muli %parallel_loop3A_299, %parallel_loop3A_338 : i32
        %parallel_loop3A_340 = arith.constant 3840 : i32
        %parallel_loop3A_341 = arith.addi %parallel_loop3A_340, %parallel_loop3A_339 : i32
        %parallel_loop3A_342 = arith.index_cast %parallel_loop3A_341 : i32 to index
        %parallel_loop3A_343 = tpu.vector_load %arg12[%parallel_loop3A_342] {strides = array<i32>} : memref<5120xi32, #tpu.memory_space<vmem>>, vector<16xi32>,
        %parallel_loop3A_344 = vector.bitcast %parallel_loop3A_343 : vector<16xi32> to vector<32xbf16>
        %parallel_loop3A_345 = tpu.unpack_subelements %parallel_loop3A_344, 0 {pack_format = #tpu.pack_format<interleaved>} : vector<32xbf16> -> vector<16xf32>
        %parallel_loop3A_346 = tpu.unpack_subelements %parallel_loop3A_344, 1 {pack_format = #tpu.pack_format<interleaved>} : vector<32xbf16> -> vector<16xf32>
        %parallel_loop3A_347 = arith.constant 16 : i32
        %parallel_loop3A_348 = arith.muli %parallel_loop3A_299, %parallel_loop3A_347 : i32
        %parallel_loop3A_349 = arith.constant 4480 : i32
        %parallel_loop3A_350 = arith.addi %parallel_loop3A_349, %parallel_loop3A_348 : i32
        %parallel_loop3A_351 = arith.index_cast %parallel_loop3A_350 : i32 to index
        %parallel_loop3A_352 = tpu.vector_load %arg12[%parallel_loop3A_351] {strides = array<i32>} : memref<5120xi32, #tpu.memory_space<vmem>>, vector<16xi32>,
        %parallel_loop3A_353 = vector.bitcast %parallel_loop3A_352 : vector<16xi32> to vector<32xbf16>
        %parallel_loop3A_354 = tpu.unpack_subelements %parallel_loop3A_353, 0 {pack_format = #tpu.pack_format<interleaved>} : vector<32xbf16> -> vector<16xf32>
        %parallel_loop3A_355 = tpu.unpack_subelements %parallel_loop3A_353, 1 {pack_format = #tpu.pack_format<interleaved>} : vector<32xbf16> -> vector<16xf32>
        %parallel_loop3A_356 = tpu.vector_load_idx %arg7[%parallel_loop3A_310] : memref<40960xf32, #tpu.memory_space<vmem>>[vector<16xi32>], vector<16xf32>,
        %parallel_loop3A_357 = arith.constant 10240 : i32
        %parallel_loop3A_358 = vector.broadcast %parallel_loop3A_357 : i32 to vector<16xi32>
        %parallel_loop3A_359 = arith.addi %parallel_loop3A_310, %parallel_loop3A_358 : vector<16xi32>
        %parallel_loop3A_360 = tpu.vector_load_idx %arg7[%parallel_loop3A_359] : memref<40960xf32, #tpu.memory_space<vmem>>[vector<16xi32>], vector<16xf32>,
        %parallel_loop3A_361 = arith.constant 20480 : i32
        %parallel_loop3A_362 = vector.broadcast %parallel_loop3A_361 : i32 to vector<16xi32>
        %parallel_loop3A_363 = arith.addi %parallel_loop3A_310, %parallel_loop3A_362 : vector<16xi32>
        %parallel_loop3A_364 = tpu.vector_load_idx %arg7[%parallel_loop3A_363] : memref<40960xf32, #tpu.memory_space<vmem>>[vector<16xi32>], vector<16xf32>,
        %parallel_loop3A_365 = arith.constant 30720 : i32
        %parallel_loop3A_366 = vector.broadcast %parallel_loop3A_365 : i32 to vector<16xi32>
        %parallel_loop3A_367 = arith.addi %parallel_loop3A_310, %parallel_loop3A_366 : vector<16xi32>
        %parallel_loop3A_368 = tpu.vector_load_idx %arg7[%parallel_loop3A_367] : memref<40960xf32, #tpu.memory_space<vmem>>[vector<16xi32>], vector<16xf32>,
        %parallel_loop3A_369 = arith.mulf %parallel_loop3A_360, %parallel_loop3A_336 : vector<16xf32>
        %parallel_loop3A_370 = arith.mulf %parallel_loop3A_356, %parallel_loop3A_327 : vector<16xf32>
        %parallel_loop3A_371 = vector.broadcast %select_n3A : f32 to vector<16xf32>
        %parallel_loop3A_372 = arith.mulf %parallel_loop3A_371, %parallel_loop3A_369 : vector<16xf32>
        %parallel_loop3A_373 = arith.subf %parallel_loop3A_370, %parallel_loop3A_372 : vector<16xf32>
        %parallel_loop3A_374 = arith.mulf %parallel_loop3A_356, %parallel_loop3A_336 : vector<16xf32>
        %parallel_loop3A_375 = arith.mulf %parallel_loop3A_360, %parallel_loop3A_327 : vector<16xf32>
        %parallel_loop3A_376 = arith.addf %parallel_loop3A_374, %parallel_loop3A_375 : vector<16xf32>
        %parallel_loop3A_377 = vector.broadcast %select_n3A : f32 to vector<16xf32>
        %parallel_loop3A_378 = arith.mulf %parallel_loop3A_377, %parallel_loop3A_376 : vector<16xf32>
        %parallel_loop3A_379 = arith.constant 1.000000e+00 : f32
        %parallel_loop3A_380 = arith.subf %parallel_loop3A_379, %select_n3A : f32
        %parallel_loop3A_381 = vector.broadcast %parallel_loop3A_380 : f32 to vector<16xf32>
        %parallel_loop3A_382 = arith.mulf %parallel_loop3A_381, %parallel_loop3A_369 : vector<16xf32>
        %parallel_loop3A_383 = arith.addf %parallel_loop3A_378, %parallel_loop3A_382 : vector<16xf32>
        %parallel_loop3A_384 = arith.mulf %parallel_loop3A_364, %parallel_loop3A_345 : vector<16xf32>
        %parallel_loop3A_385 = arith.mulf %parallel_loop3A_368, %parallel_loop3A_354 : vector<16xf32>
        %parallel_loop3A_386 = arith.subf %parallel_loop3A_384, %parallel_loop3A_385 : vector<16xf32>
        %parallel_loop3A_387 = arith.mulf %parallel_loop3A_364, %parallel_loop3A_354 : vector<16xf32>
        %parallel_loop3A_388 = arith.mulf %parallel_loop3A_368, %parallel_loop3A_345 : vector<16xf32>
        %parallel_loop3A_389 = arith.addf %parallel_loop3A_387, %parallel_loop3A_388 : vector<16xf32>
        tpu.vector_store_idx %arg8[%parallel_loop3A_313], %parallel_loop3A_373 {add = true} : memref<40960xf32, #tpu.memory_space<vmem>>[vector<16xi32>], vector<16xf32>,
        %parallel_loop3A_390 = arith.constant 10240 : i32
        %parallel_loop3A_391 = vector.broadcast %parallel_loop3A_390 : i32 to vector<16xi32>
        %parallel_loop3A_392 = arith.addi %parallel_loop3A_313, %parallel_loop3A_391 : vector<16xi32>
        tpu.vector_store_idx %arg8[%parallel_loop3A_392], %parallel_loop3A_383 {add = true} : memref<40960xf32, #tpu.memory_space<vmem>>[vector<16xi32>], vector<16xf32>,
        %parallel_loop3A_393 = arith.constant 20480 : i32
        %parallel_loop3A_394 = vector.broadcast %parallel_loop3A_393 : i32 to vector<16xi32>
        %parallel_loop3A_395 = arith.addi %parallel_loop3A_313, %parallel_loop3A_394 : vector<16xi32>
        tpu.vector_store_idx %arg8[%parallel_loop3A_395], %parallel_loop3A_386 {add = true} : memref<40960xf32, #tpu.memory_space<vmem>>[vector<16xi32>], vector<16xf32>,
        %parallel_loop3A_396 = arith.constant 30720 : i32
        %parallel_loop3A_397 = vector.broadcast %parallel_loop3A_396 : i32 to vector<16xi32>
        %parallel_loop3A_398 = arith.addi %parallel_loop3A_313, %parallel_loop3A_397 : vector<16xi32>
        tpu.vector_store_idx %arg8[%parallel_loop3A_398], %parallel_loop3A_389 {add = true} : memref<40960xf32, #tpu.memory_space<vmem>>[vector<16xi32>], vector<16xf32>,
        %parallel_loop3A_399 = tpu.vector_load_idx %arg7[%parallel_loop3A_316] : memref<40960xf32, #tpu.memory_space<vmem>>[vector<16xi32>], vector<16xf32>,
        %parallel_loop3A_400 = arith.constant 10240 : i32
        %parallel_loop3A_401 = vector.broadcast %parallel_loop3A_400 : i32 to vector<16xi32>
        %parallel_loop3A_402 = arith.addi %parallel_loop3A_316, %parallel_loop3A_401 : vector<16xi32>
        %parallel_loop3A_403 = tpu.vector_load_idx %arg7[%parallel_loop3A_402] : memref<40960xf32, #tpu.memory_space<vmem>>[vector<16xi32>], vector<16xf32>,
        %parallel_loop3A_404 = arith.constant 20480 : i32
        %parallel_loop3A_405 = vector.broadcast %parallel_loop3A_404 : i32 to vector<16xi32>
        %parallel_loop3A_406 = arith.addi %parallel_loop3A_316, %parallel_loop3A_405 : vector<16xi32>
        %parallel_loop3A_407 = tpu.vector_load_idx %arg7[%parallel_loop3A_406] : memref<40960xf32, #tpu.memory_space<vmem>>[vector<16xi32>], vector<16xf32>,
        %parallel_loop3A_408 = arith.constant 30720 : i32
        %parallel_loop3A_409 = vector.broadcast %parallel_loop3A_408 : i32 to vector<16xi32>
        %parallel_loop3A_410 = arith.addi %parallel_loop3A_316, %parallel_loop3A_409 : vector<16xi32>
        %parallel_loop3A_411 = tpu.vector_load_idx %arg7[%parallel_loop3A_410] : memref<40960xf32, #tpu.memory_space<vmem>>[vector<16xi32>], vector<16xf32>,
        %parallel_loop3A_412 = arith.mulf %parallel_loop3A_403, %parallel_loop3A_337 : vector<16xf32>
        %parallel_loop3A_413 = arith.mulf %parallel_loop3A_399, %parallel_loop3A_328 : vector<16xf32>
        %parallel_loop3A_414 = vector.broadcast %select_n3A : f32 to vector<16xf32>
        %parallel_loop3A_415 = arith.mulf %parallel_loop3A_414, %parallel_loop3A_412 : vector<16xf32>
        %parallel_loop3A_416 = arith.subf %parallel_loop3A_413, %parallel_loop3A_415 : vector<16xf32>
        %parallel_loop3A_417 = arith.mulf %parallel_loop3A_399, %parallel_loop3A_337 : vector<16xf32>
        %parallel_loop3A_418 = arith.mulf %parallel_loop3A_403, %parallel_loop3A_328 : vector<16xf32>
        %parallel_loop3A_419 = arith.addf %parallel_loop3A_417, %parallel_loop3A_418 : vector<16xf32>
        %parallel_loop3A_420 = vector.broadcast %select_n3A : f32 to vector<16xf32>
        %parallel_loop3A_421 = arith.mulf %parallel_loop3A_420, %parallel_loop3A_419 : vector<16xf32>
        %parallel_loop3A_422 = arith.constant 1.000000e+00 : f32
        %parallel_loop3A_423 = arith.subf %parallel_loop3A_422, %select_n3A : f32
        %parallel_loop3A_424 = vector.broadcast %parallel_loop3A_423 : f32 to vector<16xf32>
        %parallel_loop3A_425 = arith.mulf %parallel_loop3A_424, %parallel_loop3A_412 : vector<16xf32>
        %parallel_loop3A_426 = arith.addf %parallel_loop3A_421, %parallel_loop3A_425 : vector<16xf32>
        %parallel_loop3A_427 = arith.mulf %parallel_loop3A_407, %parallel_loop3A_346 : vector<16xf32>
        %parallel_loop3A_428 = arith.mulf %parallel_loop3A_411, %parallel_loop3A_355 : vector<16xf32>
        %parallel_loop3A_429 = arith.subf %parallel_loop3A_427, %parallel_loop3A_428 : vector<16xf32>
        %parallel_loop3A_430 = arith.mulf %parallel_loop3A_407, %parallel_loop3A_355 : vector<16xf32>
        %parallel_loop3A_431 = arith.mulf %parallel_loop3A_411, %parallel_loop3A_346 : vector<16xf32>
        %parallel_loop3A_432 = arith.addf %parallel_loop3A_430, %parallel_loop3A_431 : vector<16xf32>
        tpu.vector_store_idx %arg8[%parallel_loop3A_319], %parallel_loop3A_416 {add = true} : memref<40960xf32, #tpu.memory_space<vmem>>[vector<16xi32>], vector<16xf32>,
        %parallel_loop3A_433 = arith.constant 10240 : i32
        %parallel_loop3A_434 = vector.broadcast %parallel_loop3A_433 : i32 to vector<16xi32>
        %parallel_loop3A_435 = arith.addi %parallel_loop3A_319, %parallel_loop3A_434 : vector<16xi32>
        tpu.vector_store_idx %arg8[%parallel_loop3A_435], %parallel_loop3A_426 {add = true} : memref<40960xf32, #tpu.memory_space<vmem>>[vector<16xi32>], vector<16xf32>,
        %parallel_loop3A_436 = arith.constant 20480 : i32
        %parallel_loop3A_437 = vector.broadcast %parallel_loop3A_436 : i32 to vector<16xi32>
        %parallel_loop3A_438 = arith.addi %parallel_loop3A_319, %parallel_loop3A_437 : vector<16xi32>
        tpu.vector_store_idx %arg8[%parallel_loop3A_438], %parallel_loop3A_429 {add = true} : memref<40960xf32, #tpu.memory_space<vmem>>[vector<16xi32>], vector<16xf32>,
        %parallel_loop3A_439 = arith.constant 30720 : i32
        %parallel_loop3A_440 = vector.broadcast %parallel_loop3A_439 : i32 to vector<16xi32>
        %parallel_loop3A_441 = arith.addi %parallel_loop3A_319, %parallel_loop3A_440 : vector<16xi32>
        tpu.vector_store_idx %arg8[%parallel_loop3A_441], %parallel_loop3A_432 {add = true} : memref<40960xf32, #tpu.memory_space<vmem>>[vector<16xi32>], vector<16xf32>,
      } {sc.loop_unroll_factor = 4 : i64, sc.parallel_access}
      %add3A_292 = arith.constant 2 : i32
      %add3A_293 = arith.addi %add3A_228, %add3A_292 : i32
      %lt3A_294 = arith.constant 250 : i32
      %lt3A_295 = arith.cmpi slt, %add3A_293, %lt3A_294 : i32
      %convert_element_type3A_296 = arith.extui %lt3A_295 : i1 to i32
      %cond3A_297 = arith.constant 0 : i32
      %cond3A_298 = arith.cmpi ne, %convert_element_type3A_296, %cond3A_297 : i32
      scf.if %cond3A_298 {
        %add3A_299 = arith.constant 2 : i32
        %add3A_300 = arith.addi %add3A_228, %add3A_299 : i32
        %mul3A_301 = arith.constant 640 : i32
        %mul3A_302 = arith.muli %add3A_300, %mul3A_301 : i32
        %add3A_303 = arith.constant 160000 : i32
        %add3A_304 = arith.addi %add3A_303, %mul3A_302 : i32
        %add3A_305 = arith.constant 0 : i32
        %add3A_306 = arith.addi %mul3A_2, %add3A_305 : i32
        %mul3A_307 = arith.constant 160000 : i32
        %mul3A_308 = arith.muli %add3A_306, %mul3A_307 : i32
        %add3A_309 = arith.addi %mul3A_308, %mul3A_302 : i32
        %add3A_310 = arith.constant 1 : i32
        %add3A_311 = arith.addi %mul3A_2, %add3A_310 : i32
        %mul3A_312 = arith.constant 160000 : i32
        %mul3A_313 = arith.muli %add3A_311, %mul3A_312 : i32
        %add3A_314 = arith.addi %mul3A_313, %mul3A_302 : i32
        %add3A_315 = arith.constant 2 : i32
        %add3A_316 = arith.addi %mul3A_2, %add3A_315 : i32
        %mul3A_317 = arith.constant 160000 : i32
        %mul3A_318 = arith.muli %add3A_316, %mul3A_317 : i32
        %add3A_319 = arith.addi %mul3A_318, %mul3A_302 : i32
        %add3A_320 = arith.constant 3 : i32
        %add3A_321 = arith.addi %mul3A_2, %add3A_320 : i32
        %mul3A_322 = arith.constant 160000 : i32
        %mul3A_323 = arith.muli %add3A_321, %mul3A_322 : i32
        %add3A_324 = arith.addi %mul3A_323, %mul3A_302 : i32
        %dma_start3A_325 = arith.constant 640 : i32
        %dma_start3A_326 = tpu.memref_slice %arg10[%dma_start3A_325] : memref<1280xi32, #tpu.memory_space<vmem>> -> memref<640xi32, #tpu.memory_space<vmem>>
        %dma_start3A_327 = tpu.memref_slice %arg4[%mul3A_302] : memref<320000xi32, #tpu.memory_space<hbm>> -> memref<640xi32, #tpu.memory_space<hbm>>
        %dma_start3A_328 = arith.constant 640 : i32
        %dma_start3A_329 = tpu.memref_slice %arg10[%dma_start3A_328] : memref<1280xi32, #tpu.memory_space<vmem>> -> memref<640xi32, #tpu.memory_space<vmem>>
        %dma_start3A_330 = tpu.memref_slice %arg4[%mul3A_302] : memref<320000xi32, #tpu.memory_space<hbm>> -> memref<640xi32, #tpu.memory_space<hbm>>
        tpu.enqueue_dma source(%dma_start3A_330 : memref<640xi32, #tpu.memory_space<hbm>>) target(%dma_start3A_329 : memref<640xi32, #tpu.memory_space<vmem>>) target_semaphore(%arg14 : memref<!tpu.dma_semaphore, #tpu.memory_space<semaphore_mem>>)
        %dma_start3A_331 = arith.constant 640 : i32
        %dma_start3A_332 = tpu.memref_slice %arg11[%dma_start3A_331] : memref<1280xi32, #tpu.memory_space<vmem>> -> memref<640xi32, #tpu.memory_space<vmem>>
        %dma_start3A_333 = tpu.memref_slice %arg4[%add3A_304] : memref<320000xi32, #tpu.memory_space<hbm>> -> memref<640xi32, #tpu.memory_space<hbm>>
        %dma_start3A_334 = arith.constant 640 : i32
        %dma_start3A_335 = tpu.memref_slice %arg11[%dma_start3A_334] : memref<1280xi32, #tpu.memory_space<vmem>> -> memref<640xi32, #tpu.memory_space<vmem>>
        %dma_start3A_336 = tpu.memref_slice %arg4[%add3A_304] : memref<320000xi32, #tpu.memory_space<hbm>> -> memref<640xi32, #tpu.memory_space<hbm>>
        tpu.enqueue_dma source(%dma_start3A_336 : memref<640xi32, #tpu.memory_space<hbm>>) target(%dma_start3A_335 : memref<640xi32, #tpu.memory_space<vmem>>) target_semaphore(%arg14 : memref<!tpu.dma_semaphore, #tpu.memory_space<semaphore_mem>>)
        %dma_start3A_337 = arith.constant 2560 : i32
        %dma_start3A_338 = tpu.memref_slice %arg12[%dma_start3A_337] : memref<5120xi32, #tpu.memory_space<vmem>> -> memref<640xi32, #tpu.memory_space<vmem>>
        %dma_start3A_339 = tpu.memref_slice %arg3[%add3A_309] : memref<20480000xi32, #tpu.memory_space<hbm>> -> memref<640xi32, #tpu.memory_space<hbm>>
        %dma_start3A_340 = arith.constant 2560 : i32
        %dma_start3A_341 = tpu.memref_slice %arg12[%dma_start3A_340] : memref<5120xi32, #tpu.memory_space<vmem>> -> memref<640xi32, #tpu.memory_space<vmem>>
        %dma_start3A_342 = tpu.memref_slice %arg3[%add3A_309] : memref<20480000xi32, #tpu.memory_space<hbm>> -> memref<640xi32, #tpu.memory_space<hbm>>
        tpu.enqueue_dma source(%dma_start3A_342 : memref<640xi32, #tpu.memory_space<hbm>>) target(%dma_start3A_341 : memref<640xi32, #tpu.memory_space<vmem>>) target_semaphore(%arg14 : memref<!tpu.dma_semaphore, #tpu.memory_space<semaphore_mem>>)
        %dma_start3A_343 = arith.constant 3200 : i32
        %dma_start3A_344 = tpu.memref_slice %arg12[%dma_start3A_343] : memref<5120xi32, #tpu.memory_space<vmem>> -> memref<640xi32, #tpu.memory_space<vmem>>
        %dma_start3A_345 = tpu.memref_slice %arg3[%add3A_314] : memref<20480000xi32, #tpu.memory_space<hbm>> -> memref<640xi32, #tpu.memory_space<hbm>>
        %dma_start3A_346 = arith.constant 3200 : i32
        %dma_start3A_347 = tpu.memref_slice %arg12[%dma_start3A_346] : memref<5120xi32, #tpu.memory_space<vmem>> -> memref<640xi32, #tpu.memory_space<vmem>>
        %dma_start3A_348 = tpu.memref_slice %arg3[%add3A_314] : memref<20480000xi32, #tpu.memory_space<hbm>> -> memref<640xi32, #tpu.memory_space<hbm>>
        tpu.enqueue_dma source(%dma_start3A_348 : memref<640xi32, #tpu.memory_space<hbm>>) target(%dma_start3A_347 : memref<640xi32, #tpu.memory_space<vmem>>) target_semaphore(%arg14 : memref<!tpu.dma_semaphore, #tpu.memory_space<semaphore_mem>>)
        %dma_start3A_349 = arith.constant 3840 : i32
        %dma_start3A_350 = tpu.memref_slice %arg12[%dma_start3A_349] : memref<5120xi32, #tpu.memory_space<vmem>> -> memref<640xi32, #tpu.memory_space<vmem>>
        %dma_start3A_351 = tpu.memref_slice %arg3[%add3A_319] : memref<20480000xi32, #tpu.memory_space<hbm>> -> memref<640xi32, #tpu.memory_space<hbm>>
        %dma_start3A_352 = arith.constant 3840 : i32
        %dma_start3A_353 = tpu.memref_slice %arg12[%dma_start3A_352] : memref<5120xi32, #tpu.memory_space<vmem>> -> memref<640xi32, #tpu.memory_space<vmem>>
        %dma_start3A_354 = tpu.memref_slice %arg3[%add3A_319] : memref<20480000xi32, #tpu.memory_space<hbm>> -> memref<640xi32, #tpu.memory_space<hbm>>
        tpu.enqueue_dma source(%dma_start3A_354 : memref<640xi32, #tpu.memory_space<hbm>>) target(%dma_start3A_353 : memref<640xi32, #tpu.memory_space<vmem>>) target_semaphore(%arg14 : memref<!tpu.dma_semaphore, #tpu.memory_space<semaphore_mem>>)
        %dma_start3A_355 = arith.constant 4480 : i32
        %dma_start3A_356 = tpu.memref_slice %arg12[%dma_start3A_355] : memref<5120xi32, #tpu.memory_space<vmem>> -> memref<640xi32, #tpu.memory_space<vmem>>
        %dma_start3A_357 = tpu.memref_slice %arg3[%add3A_324] : memref<20480000xi32, #tpu.memory_space<hbm>> -> memref<640xi32, #tpu.memory_space<hbm>>
        %dma_start3A_358 = arith.constant 4480 : i32
        %dma_start3A_359 = tpu.memref_slice %arg12[%dma_start3A_358] : memref<5120xi32, #tpu.memory_space<vmem>> -> memref<640xi32, #tpu.memory_space<vmem>>
        %dma_start3A_360 = tpu.memref_slice %arg3[%add3A_324] : memref<20480000xi32, #tpu.memory_space<hbm>> -> memref<640xi32, #tpu.memory_space<hbm>>
        tpu.enqueue_dma source(%dma_start3A_360 : memref<640xi32, #tpu.memory_space<hbm>>) target(%dma_start3A_359 : memref<640xi32, #tpu.memory_space<vmem>>) target_semaphore(%arg14 : memref<!tpu.dma_semaphore, #tpu.memory_space<semaphore_mem>>)
      } else {
      }
    }
    %scan3A_146 = arith.constant 125 : i32
    %parallel_loop3A_147 = arith.constant 0 : i32
    %parallel_loop3A_148 = arith.constant 640 : i32
    %parallel_loop3A_149 = arith.constant 1 : i32
    scf.for %parallel_loop3A_158 = %parallel_loop3A_147 to %parallel_loop3A_148 step %parallel_loop3A_149  : i32 {
      %parallel_loop3A_159 = arith.constant 16 : i32
      %parallel_loop3A_160 = arith.muli %parallel_loop3A_158, %parallel_loop3A_159 : i32
      %parallel_loop3A_161 = arith.index_cast %parallel_loop3A_160 : i32 to index
      %parallel_loop3A_162 = tpu.vector_load %arg9[%parallel_loop3A_161] {strides = array<i32>} : memref<10240xf32, #tpu.memory_space<vmem>>, vector<16xf32>,
      %parallel_loop3A_163 = arith.constant 16 : i32
      %parallel_loop3A_164 = arith.muli %parallel_loop3A_158, %parallel_loop3A_163 : i32
      %parallel_loop3A_165 = arith.constant 0 : i32
      %parallel_loop3A_166 = arith.addi %parallel_loop3A_165, %parallel_loop3A_164 : i32
      %parallel_loop3A_167 = arith.index_cast %parallel_loop3A_166 : i32 to index
      %parallel_loop3A_168 = tpu.vector_load %arg8[%parallel_loop3A_167] {strides = array<i32>} : memref<40960xf32, #tpu.memory_space<vmem>>, vector<16xf32>,
      %parallel_loop3A_169 = arith.mulf %parallel_loop3A_168, %parallel_loop3A_162 : vector<16xf32>
      %parallel_loop3A_170 = arith.index_cast %parallel_loop3A_166 : i32 to index
      %parallel_loop3A_171 = tpu.vector_load %arg8[%parallel_loop3A_170] {strides = array<i32>} : memref<40960xf32, #tpu.memory_space<vmem>>, vector<16xf32>,
      tpu.vector_store %arg8[%parallel_loop3A_170], %parallel_loop3A_169 {strides = array<i32>} : memref<40960xf32, #tpu.memory_space<vmem>>, vector<16xf32>,
      %parallel_loop3A_172 = arith.constant 16 : i32
      %parallel_loop3A_173 = arith.muli %parallel_loop3A_158, %parallel_loop3A_172 : i32
      %parallel_loop3A_174 = arith.constant 10240 : i32
      %parallel_loop3A_175 = arith.addi %parallel_loop3A_174, %parallel_loop3A_173 : i32
      %parallel_loop3A_176 = arith.index_cast %parallel_loop3A_175 : i32 to index
      %parallel_loop3A_177 = tpu.vector_load %arg8[%parallel_loop3A_176] {strides = array<i32>} : memref<40960xf32, #tpu.memory_space<vmem>>, vector<16xf32>,
      %parallel_loop3A_178 = arith.mulf %parallel_loop3A_177, %parallel_loop3A_162 : vector<16xf32>
      %parallel_loop3A_179 = arith.index_cast %parallel_loop3A_175 : i32 to index
      %parallel_loop3A_180 = tpu.vector_load %arg8[%parallel_loop3A_179] {strides = array<i32>} : memref<40960xf32, #tpu.memory_space<vmem>>, vector<16xf32>,
      tpu.vector_store %arg8[%parallel_loop3A_179], %parallel_loop3A_178 {strides = array<i32>} : memref<40960xf32, #tpu.memory_space<vmem>>, vector<16xf32>,
      %parallel_loop3A_181 = arith.constant 16 : i32
      %parallel_loop3A_182 = arith.muli %parallel_loop3A_158, %parallel_loop3A_181 : i32
      %parallel_loop3A_183 = arith.constant 20480 : i32
      %parallel_loop3A_184 = arith.addi %parallel_loop3A_183, %parallel_loop3A_182 : i32
      %parallel_loop3A_185 = arith.index_cast %parallel_loop3A_184 : i32 to index
      %parallel_loop3A_186 = tpu.vector_load %arg8[%parallel_loop3A_185] {strides = array<i32>} : memref<40960xf32, #tpu.memory_space<vmem>>, vector<16xf32>,
      %parallel_loop3A_187 = arith.mulf %parallel_loop3A_186, %parallel_loop3A_162 : vector<16xf32>
      %parallel_loop3A_188 = arith.index_cast %parallel_loop3A_184 : i32 to index
      %parallel_loop3A_189 = tpu.vector_load %arg8[%parallel_loop3A_188] {strides = array<i32>} : memref<40960xf32, #tpu.memory_space<vmem>>, vector<16xf32>,
      tpu.vector_store %arg8[%parallel_loop3A_188], %parallel_loop3A_187 {strides = array<i32>} : memref<40960xf32, #tpu.memory_space<vmem>>, vector<16xf32>,
      %parallel_loop3A_190 = arith.constant 16 : i32
      %parallel_loop3A_191 = arith.muli %parallel_loop3A_158, %parallel_loop3A_190 : i32
      %parallel_loop3A_192 = arith.constant 30720 : i32
      %parallel_loop3A_193 = arith.addi %parallel_loop3A_192, %parallel_loop3A_191 : i32
      %parallel_loop3A_194 = arith.index_cast %parallel_loop3A_193 : i32 to index
      %parallel_loop3A_195 = tpu.vector_load %arg8[%parallel_loop3A_194] {strides = array<i32>} : memref<40960xf32, #tpu.memory_space<vmem>>, vector<16xf32>,
      %parallel_loop3A_196 = arith.mulf %parallel_loop3A_195, %parallel_loop3A_162 : vector<16xf32>
      %parallel_loop3A_197 = arith.index_cast %parallel_loop3A_193 : i32 to index
      %parallel_loop3A_198 = tpu.vector_load %arg8[%parallel_loop3A_197] {strides = array<i32>} : memref<40960xf32, #tpu.memory_space<vmem>>, vector<16xf32>,
      tpu.vector_store %arg8[%parallel_loop3A_197], %parallel_loop3A_196 {strides = array<i32>} : memref<40960xf32, #tpu.memory_space<vmem>>, vector<16xf32>,
    } {sc.loop_unroll_factor = 2 : i64, sc.parallel_access}
    %add3A_150 = arith.constant 0 : i32
    %add3A_151 = arith.addi %mul3A_2, %add3A_150 : i32
    "tpu.region"() ({
      %run_scoped3A = tpu.sem_alloc : memref<!tpu.dma_semaphore, #tpu.memory_space<semaphore_mem>>
      %dma_start3A_158 = arith.constant 0 : i32
      %dma_start3A_159 = tpu.memref_slice %arg8[%dma_start3A_158] : memref<40960xf32, #tpu.memory_space<vmem>> -> memref<10240xf32, #tpu.memory_space<vmem>>
      %dma_start3A_160 = arith.constant 0 : i32
      %dma_start3A_161 = tpu.memref_slice %arg6[%add3A_151, %dma_start3A_160] : memref<128x10240xf32, #tpu.memory_space<hbm>> -> memref<1x10240xf32, #tpu.memory_space<hbm>>
      %dma_start3A_162 = tpu.memref_squeeze %dma_start3A_161 : memref<1x10240xf32, #tpu.memory_space<hbm>> -> memref<10240xf32, #tpu.memory_space<hbm>>
      %dma_start3A_163 = arith.constant 0 : i32
      %dma_start3A_164 = tpu.memref_slice %arg6[%add3A_151, %dma_start3A_163] : memref<128x10240xf32, #tpu.memory_space<hbm>> -> memref<1x10240xf32, #tpu.memory_space<hbm>>
      %dma_start3A_165 = tpu.memref_squeeze %dma_start3A_164 : memref<1x10240xf32, #tpu.memory_space<hbm>> -> memref<10240xf32, #tpu.memory_space<hbm>>
      %dma_start3A_166 = arith.constant 0 : i32
      %dma_start3A_167 = tpu.memref_slice %arg8[%dma_start3A_166] : memref<40960xf32, #tpu.memory_space<vmem>> -> memref<10240xf32, #tpu.memory_space<vmem>>
      tpu.enqueue_dma source(%dma_start3A_167 : memref<10240xf32, #tpu.memory_space<vmem>>) target(%dma_start3A_165 : memref<10240xf32, #tpu.memory_space<hbm>>) target_semaphore(%run_scoped3A : memref<!tpu.dma_semaphore, #tpu.memory_space<semaphore_mem>>)
      %dma_wait3A = arith.constant 0 : i32
      %dma_wait3A_168 = tpu.memref_slice %arg8[%dma_wait3A] : memref<40960xf32, #tpu.memory_space<vmem>> -> memref<10240xf32, #tpu.memory_space<vmem>>
      %dma_wait3A_169 = arith.constant 0 : i32
      %dma_wait3A_170 = tpu.memref_slice %arg6[%add3A_151, %dma_wait3A_169] : memref<128x10240xf32, #tpu.memory_space<hbm>> -> memref<1x10240xf32, #tpu.memory_space<hbm>>
      %dma_wait3A_171 = tpu.memref_squeeze %dma_wait3A_170 : memref<1x10240xf32, #tpu.memory_space<hbm>> -> memref<10240xf32, #tpu.memory_space<hbm>>
      %dma_wait3A_172 = arith.constant 0 : i32
      %dma_wait3A_173 = tpu.memref_slice %arg6[%add3A_151, %dma_wait3A_172] : memref<128x10240xf32, #tpu.memory_space<hbm>> -> memref<1x10240xf32, #tpu.memory_space<hbm>>
      %dma_wait3A_174 = tpu.memref_squeeze %dma_wait3A_173 : memref<1x10240xf32, #tpu.memory_space<hbm>> -> memref<10240xf32, #tpu.memory_space<hbm>>
      %dma_wait3A_175 = arith.constant 0 : i32
      %dma_wait3A_176 = tpu.memref_slice %arg8[%dma_wait3A_175] : memref<40960xf32, #tpu.memory_space<vmem>> -> memref<10240xf32, #tpu.memory_space<vmem>>
      tpu.wait_dma2 semaphore(%run_scoped3A : memref<!tpu.dma_semaphore, #tpu.memory_space<semaphore_mem>>) src(%dma_wait3A_176 : memref<10240xf32, #tpu.memory_space<vmem>>) dst(%dma_wait3A_174 : memref<10240xf32, #tpu.memory_space<hbm>>)
      tpu.yield
    }) : () -> ()
    %add3A_152 = arith.constant 1 : i32
    %add3A_153 = arith.addi %mul3A_2, %add3A_152 : i32
    "tpu.region"() ({
      %run_scoped3A = tpu.sem_alloc : memref<!tpu.dma_semaphore, #tpu.memory_space<semaphore_mem>>
      %dma_start3A_158 = arith.constant 10240 : i32
      %dma_start3A_159 = tpu.memref_slice %arg8[%dma_start3A_158] : memref<40960xf32, #tpu.memory_space<vmem>> -> memref<10240xf32, #tpu.memory_space<vmem>>
      %dma_start3A_160 = arith.constant 0 : i32
      %dma_start3A_161 = tpu.memref_slice %arg6[%add3A_153, %dma_start3A_160] : memref<128x10240xf32, #tpu.memory_space<hbm>> -> memref<1x10240xf32, #tpu.memory_space<hbm>>
      %dma_start3A_162 = tpu.memref_squeeze %dma_start3A_161 : memref<1x10240xf32, #tpu.memory_space<hbm>> -> memref<10240xf32, #tpu.memory_space<hbm>>
      %dma_start3A_163 = arith.constant 0 : i32
      %dma_start3A_164 = tpu.memref_slice %arg6[%add3A_153, %dma_start3A_163] : memref<128x10240xf32, #tpu.memory_space<hbm>> -> memref<1x10240xf32, #tpu.memory_space<hbm>>
      %dma_start3A_165 = tpu.memref_squeeze %dma_start3A_164 : memref<1x10240xf32, #tpu.memory_space<hbm>> -> memref<10240xf32, #tpu.memory_space<hbm>>
      %dma_start3A_166 = arith.constant 10240 : i32
      %dma_start3A_167 = tpu.memref_slice %arg8[%dma_start3A_166] : memref<40960xf32, #tpu.memory_space<vmem>> -> memref<10240xf32, #tpu.memory_space<vmem>>
      tpu.enqueue_dma source(%dma_start3A_167 : memref<10240xf32, #tpu.memory_space<vmem>>) target(%dma_start3A_165 : memref<10240xf32, #tpu.memory_space<hbm>>) target_semaphore(%run_scoped3A : memref<!tpu.dma_semaphore, #tpu.memory_space<semaphore_mem>>)
      %dma_wait3A = arith.constant 10240 : i32
      %dma_wait3A_168 = tpu.memref_slice %arg8[%dma_wait3A] : memref<40960xf32, #tpu.memory_space<vmem>> -> memref<10240xf32, #tpu.memory_space<vmem>>
      %dma_wait3A_169 = arith.constant 0 : i32
      %dma_wait3A_170 = tpu.memref_slice %arg6[%add3A_153, %dma_wait3A_169] : memref<128x10240xf32, #tpu.memory_space<hbm>> -> memref<1x10240xf32, #tpu.memory_space<hbm>>
      %dma_wait3A_171 = tpu.memref_squeeze %dma_wait3A_170 : memref<1x10240xf32, #tpu.memory_space<hbm>> -> memref<10240xf32, #tpu.memory_space<hbm>>
      %dma_wait3A_172 = arith.constant 0 : i32
      %dma_wait3A_173 = tpu.memref_slice %arg6[%add3A_153, %dma_wait3A_172] : memref<128x10240xf32, #tpu.memory_space<hbm>> -> memref<1x10240xf32, #tpu.memory_space<hbm>>
      %dma_wait3A_174 = tpu.memref_squeeze %dma_wait3A_173 : memref<1x10240xf32, #tpu.memory_space<hbm>> -> memref<10240xf32, #tpu.memory_space<hbm>>
      %dma_wait3A_175 = arith.constant 10240 : i32
      %dma_wait3A_176 = tpu.memref_slice %arg8[%dma_wait3A_175] : memref<40960xf32, #tpu.memory_space<vmem>> -> memref<10240xf32, #tpu.memory_space<vmem>>
      tpu.wait_dma2 semaphore(%run_scoped3A : memref<!tpu.dma_semaphore, #tpu.memory_space<semaphore_mem>>) src(%dma_wait3A_176 : memref<10240xf32, #tpu.memory_space<vmem>>) dst(%dma_wait3A_174 : memref<10240xf32, #tpu.memory_space<hbm>>)
      tpu.yield
    }) : () -> ()
    %add3A_154 = arith.constant 2 : i32
    %add3A_155 = arith.addi %mul3A_2, %add3A_154 : i32
    "tpu.region"() ({
      %run_scoped3A = tpu.sem_alloc : memref<!tpu.dma_semaphore, #tpu.memory_space<semaphore_mem>>
      %dma_start3A_158 = arith.constant 20480 : i32
      %dma_start3A_159 = tpu.memref_slice %arg8[%dma_start3A_158] : memref<40960xf32, #tpu.memory_space<vmem>> -> memref<10240xf32, #tpu.memory_space<vmem>>
      %dma_start3A_160 = arith.constant 0 : i32
      %dma_start3A_161 = tpu.memref_slice %arg6[%add3A_155, %dma_start3A_160] : memref<128x10240xf32, #tpu.memory_space<hbm>> -> memref<1x10240xf32, #tpu.memory_space<hbm>>
      %dma_start3A_162 = tpu.memref_squeeze %dma_start3A_161 : memref<1x10240xf32, #tpu.memory_space<hbm>> -> memref<10240xf32, #tpu.memory_space<hbm>>
      %dma_start3A_163 = arith.constant 0 : i32
      %dma_start3A_164 = tpu.memref_slice %arg6[%add3A_155, %dma_start3A_163] : memref<128x10240xf32, #tpu.memory_space<hbm>> -> memref<1x10240xf32, #tpu.memory_space<hbm>>
      %dma_start3A_165 = tpu.memref_squeeze %dma_start3A_164 : memref<1x10240xf32, #tpu.memory_space<hbm>> -> memref<10240xf32, #tpu.memory_space<hbm>>
      %dma_start3A_166 = arith.constant 20480 : i32
      %dma_start3A_167 = tpu.memref_slice %arg8[%dma_start3A_166] : memref<40960xf32, #tpu.memory_space<vmem>> -> memref<10240xf32, #tpu.memory_space<vmem>>
      tpu.enqueue_dma source(%dma_start3A_167 : memref<10240xf32, #tpu.memory_space<vmem>>) target(%dma_start3A_165 : memref<10240xf32, #tpu.memory_space<hbm>>) target_semaphore(%run_scoped3A : memref<!tpu.dma_semaphore, #tpu.memory_space<semaphore_mem>>)
      %dma_wait3A = arith.constant 20480 : i32
      %dma_wait3A_168 = tpu.memref_slice %arg8[%dma_wait3A] : memref<40960xf32, #tpu.memory_space<vmem>> -> memref<10240xf32, #tpu.memory_space<vmem>>
      %dma_wait3A_169 = arith.constant 0 : i32
      %dma_wait3A_170 = tpu.memref_slice %arg6[%add3A_155, %dma_wait3A_169] : memref<128x10240xf32, #tpu.memory_space<hbm>> -> memref<1x10240xf32, #tpu.memory_space<hbm>>
      %dma_wait3A_171 = tpu.memref_squeeze %dma_wait3A_170 : memref<1x10240xf32, #tpu.memory_space<hbm>> -> memref<10240xf32, #tpu.memory_space<hbm>>
      %dma_wait3A_172 = arith.constant 0 : i32
      %dma_wait3A_173 = tpu.memref_slice %arg6[%add3A_155, %dma_wait3A_172] : memref<128x10240xf32, #tpu.memory_space<hbm>> -> memref<1x10240xf32, #tpu.memory_space<hbm>>
      %dma_wait3A_174 = tpu.memref_squeeze %dma_wait3A_173 : memref<1x10240xf32, #tpu.memory_space<hbm>> -> memref<10240xf32, #tpu.memory_space<hbm>>
      %dma_wait3A_175 = arith.constant 20480 : i32
      %dma_wait3A_176 = tpu.memref_slice %arg8[%dma_wait3A_175] : memref<40960xf32, #tpu.memory_space<vmem>> -> memref<10240xf32, #tpu.memory_space<vmem>>
      tpu.wait_dma2 semaphore(%run_scoped3A : memref<!tpu.dma_semaphore, #tpu.memory_space<semaphore_mem>>) src(%dma_wait3A_176 : memref<10240xf32, #tpu.memory_space<vmem>>) dst(%dma_wait3A_174 : memref<10240xf32, #tpu.memory_space<hbm>>)
      tpu.yield
    }) : () -> ()
    %add3A_156 = arith.constant 3 : i32
    %add3A_157 = arith.addi %mul3A_2, %add3A_156 : i32
    "tpu.region"() ({
      %run_scoped3A = tpu.sem_alloc : memref<!tpu.dma_semaphore, #tpu.memory_space<semaphore_mem>>
      %dma_start3A_158 = arith.constant 30720 : i32
      %dma_start3A_159 = tpu.memref_slice %arg8[%dma_start3A_158] : memref<40960xf32, #tpu.memory_space<vmem>> -> memref<10240xf32, #tpu.memory_space<vmem>>
      %dma_start3A_160 = arith.constant 0 : i32
      %dma_start3A_161 = tpu.memref_slice %arg6[%add3A_157, %dma_start3A_160] : memref<128x10240xf32, #tpu.memory_space<hbm>> -> memref<1x10240xf32, #tpu.memory_space<hbm>>
      %dma_start3A_162 = tpu.memref_squeeze %dma_start3A_161 : memref<1x10240xf32, #tpu.memory_space<hbm>> -> memref<10240xf32, #tpu.memory_space<hbm>>
      %dma_start3A_163 = arith.constant 0 : i32
      %dma_start3A_164 = tpu.memref_slice %arg6[%add3A_157, %dma_start3A_163] : memref<128x10240xf32, #tpu.memory_space<hbm>> -> memref<1x10240xf32, #tpu.memory_space<hbm>>
      %dma_start3A_165 = tpu.memref_squeeze %dma_start3A_164 : memref<1x10240xf32, #tpu.memory_space<hbm>> -> memref<10240xf32, #tpu.memory_space<hbm>>
      %dma_start3A_166 = arith.constant 30720 : i32
      %dma_start3A_167 = tpu.memref_slice %arg8[%dma_start3A_166] : memref<40960xf32, #tpu.memory_space<vmem>> -> memref<10240xf32, #tpu.memory_space<vmem>>
      tpu.enqueue_dma source(%dma_start3A_167 : memref<10240xf32, #tpu.memory_space<vmem>>) target(%dma_start3A_165 : memref<10240xf32, #tpu.memory_space<hbm>>) target_semaphore(%run_scoped3A : memref<!tpu.dma_semaphore, #tpu.memory_space<semaphore_mem>>)
      %dma_wait3A = arith.constant 30720 : i32
      %dma_wait3A_168 = tpu.memref_slice %arg8[%dma_wait3A] : memref<40960xf32, #tpu.memory_space<vmem>> -> memref<10240xf32, #tpu.memory_space<vmem>>
      %dma_wait3A_169 = arith.constant 0 : i32
      %dma_wait3A_170 = tpu.memref_slice %arg6[%add3A_157, %dma_wait3A_169] : memref<128x10240xf32, #tpu.memory_space<hbm>> -> memref<1x10240xf32, #tpu.memory_space<hbm>>
      %dma_wait3A_171 = tpu.memref_squeeze %dma_wait3A_170 : memref<1x10240xf32, #tpu.memory_space<hbm>> -> memref<10240xf32, #tpu.memory_space<hbm>>
      %dma_wait3A_172 = arith.constant 0 : i32
      %dma_wait3A_173 = tpu.memref_slice %arg6[%add3A_157, %dma_wait3A_172] : memref<128x10240xf32, #tpu.memory_space<hbm>> -> memref<1x10240xf32, #tpu.memory_space<hbm>>
      %dma_wait3A_174 = tpu.memref_squeeze %dma_wait3A_173 : memref<1x10240xf32, #tpu.memory_space<hbm>> -> memref<10240xf32, #tpu.memory_space<hbm>>
      %dma_wait3A_175 = arith.constant 30720 : i32
      %dma_wait3A_176 = tpu.memref_slice %arg8[%dma_wait3A_175] : memref<40960xf32, #tpu.memory_space<vmem>> -> memref<10240xf32, #tpu.memory_space<vmem>>
      tpu.wait_dma2 semaphore(%run_scoped3A : memref<!tpu.dma_semaphore, #tpu.memory_space<semaphore_mem>>) src(%dma_wait3A_176 : memref<10240xf32, #tpu.memory_space<vmem>>) dst(%dma_wait3A_174 : memref<10240xf32, #tpu.memory_space<hbm>>)
      tpu.yield
    }) : () -> ()
    return
  }
}

module attributes {stable_mosaic.version = 14 : i64} {
  func.func @_packfb_body(%arg0: i32, %arg1: memref<128x128xf32, #tpu.memory_space<vmem>>, %arg2: memref<6400x128xf32, #tpu.memory_space<vmem>>, %arg3: memref<6400x128xf32, #tpu.memory_space<vmem>>, %arg4: memref<128x6400xi32, #tpu.memory_space<vmem>>) attributes {dimension_semantics = [#tpu.dimension_semantics<arbitrary>], iteration_bounds = array<i64: 25>, scalar_prefetch = 0 : i64, scratch_operands = 0 : i64, tpu.core_type = #tpu.core_type<tc>, window_params = [{pipeline_mode = #tpu.pipeline_mode<synchronous>, transform_indices = @transform_0, window_bounds = array<i64: 128, 128>}, {transform_indices = @transform_1, window_bounds = array<i64: 6400, 128>}, {transform_indices = @transform_2, window_bounds = array<i64: 6400, 128>}, {transform_indices = @transform_3, window_bounds = array<i64: 128, 6400>}]} {
    %get3A = arith.constant 0 : index
    %get3A_0 = arith.constant 0 : index
    %get3A_1 = vector.load %arg1[%get3A, %get3A_0] : memref<128x128xf32, #tpu.memory_space<vmem>>, vector<128x128xf32>
    %get3A_2 = arith.constant 0 : index
    %get3A_3 = arith.constant 0 : index
    %get3A_4 = vector.load %arg2[%get3A_2, %get3A_3] : memref<6400x128xf32, #tpu.memory_space<vmem>>, vector<6400x128xf32>
    %dot_general3A = arith.constant dense<0.000000e+00> : vector<128x6400xf32>
    %dot_general3A_5 = tpu.matmul %get3A_1, %get3A_4, %dot_general3A {dimension_numbers = #tpu.dot_dimension_numbers<[1], [1], [0], [0], [0, 0, 1, 0], [], []>, transpose_lhs_hint = false} : vector<128x128xf32>, vector<6400x128xf32>, vector<128x6400xf32> -> vector<128x6400xf32>
    %get3A_6 = arith.constant 0 : index
    %get3A_7 = arith.constant 0 : index
    %get3A_8 = vector.load %arg1[%get3A_6, %get3A_7] : memref<128x128xf32, #tpu.memory_space<vmem>>, vector<128x128xf32>
    %get3A_9 = arith.constant 0 : index
    %get3A_10 = arith.constant 0 : index
    %get3A_11 = vector.load %arg3[%get3A_9, %get3A_10] : memref<6400x128xf32, #tpu.memory_space<vmem>>, vector<6400x128xf32>
    %dot_general3A_12 = arith.constant dense<0.000000e+00> : vector<128x6400xf32>
    %dot_general3A_13 = tpu.matmul %get3A_8, %get3A_11, %dot_general3A_12 {dimension_numbers = #tpu.dot_dimension_numbers<[1], [1], [0], [0], [0, 0, 1, 0], [], []>, transpose_lhs_hint = false} : vector<128x128xf32>, vector<6400x128xf32>, vector<128x6400xf32> -> vector<128x6400xf32>
    %convert_element_type3A = arith.truncf %dot_general3A_5 : vector<128x6400xf32> to vector<128x6400xbf16>
    %bitcast_convert_type3A = tpu.bitcast %convert_element_type3A : vector<128x6400xbf16> -> vector<128x6400xi16>
    %convert_element_type3A_14 = arith.extui %bitcast_convert_type3A : vector<128x6400xi16> to vector<128x6400xi32>
    %convert_element_type3A_15 = arith.truncf %dot_general3A_13 : vector<128x6400xf32> to vector<128x6400xbf16>
    %bitcast_convert_type3A_16 = tpu.bitcast %convert_element_type3A_15 : vector<128x6400xbf16> -> vector<128x6400xi16>
    %convert_element_type3A_17 = arith.extui %bitcast_convert_type3A_16 : vector<128x6400xi16> to vector<128x6400xi32>
    %shift_left3A = arith.constant 16 : i32
    %shift_left3A_18 = vector.broadcast %shift_left3A : i32 to vector<128x6400xi32>
    %shift_left3A_19 = arith.shli %convert_element_type3A_17, %shift_left3A_18 : vector<128x6400xi32>
    %or3A = arith.ori %shift_left3A_19, %convert_element_type3A_14 : vector<128x6400xi32>
    %bitcast_convert_type3A_20 = tpu.bitcast %or3A : vector<128x6400xi32> -> vector<128x6400xi32>
    %swap3A = arith.constant 0 : index
    %swap3A_21 = arith.constant 0 : index
    %swap3A_22 = vector.load %arg4[%swap3A, %swap3A_21] : memref<128x6400xi32, #tpu.memory_space<vmem>>, vector<128x6400xi32>
    tpu.vector_store %arg4[%swap3A, %swap3A_21], %bitcast_convert_type3A_20 {strides = array<i32>} : memref<128x6400xi32, #tpu.memory_space<vmem>>, vector<128x6400xi32>,
    return
  }
  func.func @transform_0(%arg0: i32) -> (i32, i32) {
    %c0_i32 = arith.constant 0 : i32
    %c0_i32_0 = arith.constant 0 : i32
    %c0_i32_1 = arith.constant 0 : i32
    return %c0_i32, %c0_i32_0 : i32, i32
  }
  func.func @transform_1(%arg0: i32) -> (i32, i32) {
    %c0_i32 = arith.constant 0 : i32
    %c0_i32_0 = arith.constant 0 : i32
    return %arg0, %c0_i32 : i32, i32
  }
  func.func @transform_2(%arg0: i32) -> (i32, i32) {
    %add3A = arith.constant 25 : i32
    %add3A_0 = arith.addi %arg0, %add3A : i32
    %c0_i32 = arith.constant 0 : i32
    %c0_i32_1 = arith.constant 0 : i32
    return %add3A_0, %c0_i32 : i32, i32
  }
  func.func @transform_3(%arg0: i32) -> (i32, i32) {
    %c0_i32 = arith.constant 0 : i32
    %c0_i32_0 = arith.constant 0 : i32
    return %c0_i32, %arg0 : i32, i32
  }
}

module attributes {stable_mosaic.version = 14 : i64} {
  func.func @_transform_body(%arg0: i32, %arg1: memref<128x128xf32, #tpu.memory_space<vmem>>, %arg2: memref<2048x128xf32, #tpu.memory_space<vmem>>, %arg3: memref<128x2048xf32, #tpu.memory_space<vmem>>) attributes {dimension_semantics = [#tpu.dimension_semantics<arbitrary>], iteration_bounds = array<i64: 5>, scalar_prefetch = 0 : i64, scratch_operands = 0 : i64, tpu.core_type = #tpu.core_type<tc>, window_params = [{pipeline_mode = #tpu.pipeline_mode<synchronous>, transform_indices = @transform_0, window_bounds = array<i64: 128, 128>}, {transform_indices = @transform_1, window_bounds = array<i64: 2048, 128>}, {transform_indices = @transform_2, window_bounds = array<i64: 128, 2048>}]} {
    %get3A = arith.constant 0 : index
    %get3A_0 = arith.constant 0 : index
    %get3A_1 = vector.load %arg1[%get3A, %get3A_0] : memref<128x128xf32, #tpu.memory_space<vmem>>, vector<128x128xf32>
    %get3A_2 = arith.constant 0 : index
    %get3A_3 = arith.constant 0 : index
    %get3A_4 = vector.load %arg2[%get3A_2, %get3A_3] : memref<2048x128xf32, #tpu.memory_space<vmem>>, vector<2048x128xf32>
    %dot_general3A = arith.constant dense<0.000000e+00> : vector<128x2048xf32>
    %dot_general3A_5 = tpu.matmul %get3A_1, %get3A_4, %dot_general3A {dimension_numbers = #tpu.dot_dimension_numbers<[1], [1], [0], [0], [0, 0, 1, 0], [], []>, precision = #tpu.contract_precision<fp32>, transpose_lhs_hint = false} : vector<128x128xf32>, vector<2048x128xf32>, vector<128x2048xf32> -> vector<128x2048xf32>
    %swap3A = arith.constant 0 : index
    %swap3A_6 = arith.constant 0 : index
    %swap3A_7 = vector.load %arg3[%swap3A, %swap3A_6] : memref<128x2048xf32, #tpu.memory_space<vmem>>, vector<128x2048xf32>
    tpu.vector_store %arg3[%swap3A, %swap3A_6], %dot_general3A_5 {strides = array<i32>} : memref<128x2048xf32, #tpu.memory_space<vmem>>, vector<128x2048xf32>,
    return
  }
  func.func @transform_0(%arg0: i32) -> (i32, i32) {
    %c0_i32 = arith.constant 0 : i32
    %c0_i32_0 = arith.constant 0 : i32
    %c0_i32_1 = arith.constant 0 : i32
    return %c0_i32, %c0_i32_0 : i32, i32
  }
  func.func @transform_1(%arg0: i32) -> (i32, i32) {
    %c0_i32 = arith.constant 0 : i32
    %c0_i32_0 = arith.constant 0 : i32
    return %arg0, %c0_i32 : i32, i32
  }
  func.func @transform_2(%arg0: i32) -> (i32, i32) {
    %c0_i32 = arith.constant 0 : i32
    %c0_i32_0 = arith.constant 0 : i32
    return %c0_i32, %arg0 : i32, i32
  }
}

module attributes {stable_mosaic.version = 14 : i64} {
  func.func @_nodes_body(%arg0: i32, %arg1: memref<128x2048xf32, #tpu.memory_space<vmem>>, %arg2: memref<128x128xf32, #tpu.memory_space<vmem>>, %arg3: memref<2048x128xf32, #tpu.memory_space<vmem>>, %arg4: memref<128x128xf32, #tpu.memory_space<vmem>>, %arg5: memref<1x128xf32, #tpu.memory_space<vmem>>, %arg6: memref<2048x128xf32, #tpu.memory_space<vmem>>, %arg7: memref<2x128xf32, #tpu.memory_space<vmem>>) attributes {dimension_semantics = [#tpu.dimension_semantics<arbitrary>], iteration_bounds = array<i64: 5>, scalar_prefetch = 0 : i64, scratch_operands = 0 : i64, tpu.core_type = #tpu.core_type<tc>, window_params = [{transform_indices = @transform_0, window_bounds = array<i64: 128, 2048>}, {pipeline_mode = #tpu.pipeline_mode<synchronous>, transform_indices = @transform_1, window_bounds = array<i64: 128, 128>}, {transform_indices = @transform_2, window_bounds = array<i64: 2048, 128>}, {pipeline_mode = #tpu.pipeline_mode<synchronous>, transform_indices = @transform_3, window_bounds = array<i64: 128, 128>}, {pipeline_mode = #tpu.pipeline_mode<synchronous>, transform_indices = @transform_4, window_bounds = array<i64: 1, 128>}, {transform_indices = @transform_5, window_bounds = array<i64: 2048, 128>}, {pipeline_mode = #tpu.pipeline_mode<synchronous>, transform_indices = @transform_6, window_bounds = array<i64: 2, 128>}]} {
    %get3A = arith.constant 0 : index
    %get3A_0 = arith.constant 0 : index
    %get3A_1 = vector.load %arg1[%get3A, %get3A_0] : memref<128x2048xf32, #tpu.memory_space<vmem>>, vector<128x2048xf32>
    %get3A_2 = arith.constant 0 : index
    %get3A_3 = arith.constant 0 : index
    %get3A_4 = vector.load %arg2[%get3A_2, %get3A_3] : memref<128x128xf32, #tpu.memory_space<vmem>>, vector<128x128xf32>
    %dot_general3A = arith.constant dense<0.000000e+00> : vector<2048x128xf32>
    %dot_general3A_5 = tpu.matmul %get3A_1, %get3A_4, %dot_general3A {dimension_numbers = #tpu.dot_dimension_numbers<[0], [0], [1], [1], [0, 1, 1, 1], [], []>, precision = #tpu.contract_precision<fp32>, transpose_lhs_hint = false} : vector<128x2048xf32>, vector<128x128xf32>, vector<2048x128xf32> -> vector<2048x128xf32>
    %get3A_6 = arith.constant 0 : index
    %get3A_7 = arith.constant 0 : index
    %get3A_8 = vector.load %arg3[%get3A_6, %get3A_7] : memref<2048x128xf32, #tpu.memory_space<vmem>>, vector<2048x128xf32>
    %get3A_9 = arith.constant 0 : index
    %get3A_10 = arith.constant 0 : index
    %get3A_11 = vector.load %arg4[%get3A_9, %get3A_10] : memref<128x128xf32, #tpu.memory_space<vmem>>, vector<128x128xf32>
    %dot_general3A_12 = arith.constant dense<0.000000e+00> : vector<2048x128xf32>
    %dot_general3A_13 = tpu.matmul %get3A_8, %get3A_11, %dot_general3A_12 {dimension_numbers = #tpu.dot_dimension_numbers<[1], [0], [0], [1], [0, 0, 1, 1], [], []>, precision = #tpu.contract_precision<fp32>, transpose_lhs_hint = false} : vector<2048x128xf32>, vector<128x128xf32>, vector<2048x128xf32> -> vector<2048x128xf32>
    %add3A = arith.addf %dot_general3A_5, %dot_general3A_13 : vector<2048x128xf32>
    %get3A_14 = arith.constant 0 : index
    %get3A_15 = arith.constant 0 : index
    %get3A_16 = vector.load %arg5[%get3A_14, %get3A_15] : memref<1x128xf32, #tpu.memory_space<vmem>>, vector<1x128xf32>
    %add3A_17 = vector.broadcast %get3A_16 : vector<1x128xf32> to vector<2048x128xf32>
    %add3A_18 = arith.addf %add3A, %add3A_17 : vector<2048x128xf32>
    %swap3A = arith.constant 0 : index
    %swap3A_19 = arith.constant 0 : index
    %swap3A_20 = vector.load %arg6[%swap3A, %swap3A_19] : memref<2048x128xf32, #tpu.memory_space<vmem>>, vector<2048x128xf32>
    tpu.vector_store %arg6[%swap3A, %swap3A_19], %add3A_18 {strides = array<i32>} : memref<2048x128xf32, #tpu.memory_space<vmem>>, vector<2048x128xf32>,
    %iota3A = tpu.iota {dimensions = array<i32: 0>} : vector<2048x1xi32>
    %mul3A = arith.constant 2048 : i32
    %mul3A_21 = arith.muli %arg0, %mul3A : i32
    %add3A_22 = vector.broadcast %mul3A_21 : i32 to vector<2048x1xi32>
    %add3A_23 = arith.addi %iota3A, %add3A_22 : vector<2048x1xi32>
    %lt3A = arith.constant 10000 : i32
    %lt3A_24 = vector.broadcast %lt3A : i32 to vector<2048x1xi32>
    %lt3A_25 = arith.cmpi slt, %add3A_23, %lt3A_24 : vector<2048x1xi32>
    %jit3A = arith.constant 0.000000e+00 : f32
    %broadcast_in_dim3A = vector.shape_cast %lt3A_25 : vector<2048x1xi1> to vector<2048x1xi1>
    %broadcast_in_dim3A_26 = vector.broadcast %broadcast_in_dim3A : vector<2048x1xi1> to vector<2048x128xi1>
    %broadcast_in_dim3A_27 = vector.broadcast %jit3A : f32 to vector<2048x128xf32>
    %select_n3A = arith.select %broadcast_in_dim3A_26, %add3A_18, %broadcast_in_dim3A_27 : vector<2048x128xi1>, vector<2048x128xf32>
    %eq3A = arith.constant 0 : i32
    %eq3A_28 = arith.cmpi eq, %arg0, %eq3A : i32
    %convert_element_type3A = arith.extui %eq3A_28 : i1 to i32
    %cond3A = arith.constant 0 : i32
    %cond3A_29 = arith.cmpi ne, %convert_element_type3A, %cond3A : i32
    scf.if %cond3A_29 {
      %broadcast_in_dim3A_50 = arith.constant 0.000000e+00 : f32
      %broadcast_in_dim3A_51 = vector.broadcast %broadcast_in_dim3A_50 : f32 to vector<2x128xf32>
      %swap3A_52 = arith.constant 0 : index
      %swap3A_53 = arith.constant 0 : index
      %swap3A_54 = vector.load %arg7[%swap3A_52, %swap3A_53] : memref<2x128xf32, #tpu.memory_space<vmem>>, vector<2x128xf32>
      tpu.vector_store %arg7[%swap3A_52, %swap3A_53], %broadcast_in_dim3A_51 {strides = array<i32>} : memref<2x128xf32, #tpu.memory_space<vmem>>, vector<2x128xf32>,
    } else {
    }
    %get3A_30 = arith.constant 0 : index
    %get3A_31 = arith.constant 0 : index
    %get3A_32 = vector.load %arg7[%get3A_30, %get3A_31] : memref<2x128xf32, #tpu.memory_space<vmem>>, vector<1x128xf32>
    %reduce_sum3A = arith.constant dense<0.000000e+00> : vector<128xf32>
    %reduce_sum3A_33 = vector.multi_reduction <add>, %select_n3A, %reduce_sum3A [0] : vector<2048x128xf32> to vector<128xf32>
    %broadcast_in_dim3A_34 = vector.shape_cast %reduce_sum3A_33 : vector<128xf32> to vector<1x128xf32>
    %add3A_35 = arith.addf %get3A_32, %broadcast_in_dim3A_34 : vector<1x128xf32>
    %swap3A_36 = arith.constant 0 : index
    %swap3A_37 = arith.constant 0 : index
    %swap3A_38 = vector.load %arg7[%swap3A_36, %swap3A_37] : memref<2x128xf32, #tpu.memory_space<vmem>>, vector<1x128xf32>
    tpu.vector_store %arg7[%swap3A_36, %swap3A_37], %add3A_35 {strides = array<i32>} : memref<2x128xf32, #tpu.memory_space<vmem>>, vector<1x128xf32>,
    %get3A_39 = arith.constant 1 : index
    %get3A_40 = arith.constant 0 : index
    %get3A_41 = vector.load %arg7[%get3A_39, %get3A_40] : memref<2x128xf32, #tpu.memory_space<vmem>>, vector<1x128xf32>
    %mul3A_42 = arith.mulf %select_n3A, %select_n3A : vector<2048x128xf32>
    %reduce_sum3A_43 = arith.constant dense<0.000000e+00> : vector<128xf32>
    %reduce_sum3A_44 = vector.multi_reduction <add>, %mul3A_42, %reduce_sum3A_43 [0] : vector<2048x128xf32> to vector<128xf32>
    %broadcast_in_dim3A_45 = vector.shape_cast %reduce_sum3A_44 : vector<128xf32> to vector<1x128xf32>
    %add3A_46 = arith.addf %get3A_41, %broadcast_in_dim3A_45 : vector<1x128xf32>
    %swap3A_47 = arith.constant 1 : index
    %swap3A_48 = arith.constant 0 : index
    %swap3A_49 = vector.load %arg7[%swap3A_47, %swap3A_48] : memref<2x128xf32, #tpu.memory_space<vmem>>, vector<1x128xf32>
    tpu.vector_store %arg7[%swap3A_47, %swap3A_48], %add3A_46 {strides = array<i32>} : memref<2x128xf32, #tpu.memory_space<vmem>>, vector<1x128xf32>,
    return
  }
  func.func @transform_0(%arg0: i32) -> (i32, i32) {
    %c0_i32 = arith.constant 0 : i32
    %c0_i32_0 = arith.constant 0 : i32
    return %c0_i32, %arg0 : i32, i32
  }
  func.func @transform_1(%arg0: i32) -> (i32, i32) {
    %c0_i32 = arith.constant 0 : i32
    %c0_i32_0 = arith.constant 0 : i32
    %c0_i32_1 = arith.constant 0 : i32
    return %c0_i32, %c0_i32_0 : i32, i32
  }
  func.func @transform_2(%arg0: i32) -> (i32, i32) {
    %c0_i32 = arith.constant 0 : i32
    %c0_i32_0 = arith.constant 0 : i32
    return %arg0, %c0_i32 : i32, i32
  }
  func.func @transform_3(%arg0: i32) -> (i32, i32) {
    %c0_i32 = arith.constant 0 : i32
    %c0_i32_0 = arith.constant 0 : i32
    %c0_i32_1 = arith.constant 0 : i32
    return %c0_i32, %c0_i32_0 : i32, i32
  }
  func.func @transform_4(%arg0: i32) -> (i32, i32) {
    %c0_i32 = arith.constant 0 : i32
    %c0_i32_0 = arith.constant 0 : i32
    %c0_i32_1 = arith.constant 0 : i32
    return %c0_i32, %c0_i32_0 : i32, i32
  }
  func.func @transform_5(%arg0: i32) -> (i32, i32) {
    %c0_i32 = arith.constant 0 : i32
    %c0_i32_0 = arith.constant 0 : i32
    return %arg0, %c0_i32 : i32, i32
  }
  func.func @transform_6(%arg0: i32) -> (i32, i32) {
    %c0_i32 = arith.constant 0 : i32
    %c0_i32_0 = arith.constant 0 : i32
    %c0_i32_1 = arith.constant 0 : i32
    return %c0_i32, %c0_i32_0 : i32, i32
  }
}

module attributes {stable_mosaic.version = 14 : i64} {
  func.func @_bn_body(%arg0: i32, %arg1: memref<2048x128xf32, #tpu.memory_space<vmem>>, %arg2: memref<2x128xf32, #tpu.memory_space<vmem>>, %arg3: memref<1x128xf32, #tpu.memory_space<vmem>>, %arg4: memref<1x128xf32, #tpu.memory_space<vmem>>, %arg5: memref<2048x128xf32, #tpu.memory_space<vmem>>) attributes {dimension_semantics = [#tpu.dimension_semantics<arbitrary>], iteration_bounds = array<i64: 5>, scalar_prefetch = 0 : i64, scratch_operands = 0 : i64, tpu.core_type = #tpu.core_type<tc>, window_params = [{transform_indices = @transform_0, window_bounds = array<i64: 2048, 128>}, {pipeline_mode = #tpu.pipeline_mode<synchronous>, transform_indices = @transform_1, window_bounds = array<i64: 2, 128>}, {pipeline_mode = #tpu.pipeline_mode<synchronous>, transform_indices = @transform_2, window_bounds = array<i64: 1, 128>}, {pipeline_mode = #tpu.pipeline_mode<synchronous>, transform_indices = @transform_3, window_bounds = array<i64: 1, 128>}, {transform_indices = @transform_4, window_bounds = array<i64: 2048, 128>}]} {
    %get3A = arith.constant 0 : index
    %get3A_0 = arith.constant 0 : index
    %get3A_1 = vector.load %arg2[%get3A, %get3A_0] : memref<2x128xf32, #tpu.memory_space<vmem>>, vector<2x128xf32>
    %slice3A = vector.extract_strided_slice %get3A_1 {offsets = [0, 0], sizes = [1, 128], strides = [1, 1]} : vector<2x128xf32> to vector<1x128xf32>
    %mul3A = arith.constant 9.99999974E-5 : f32
    %mul3A_2 = vector.broadcast %mul3A : f32 to vector<1x128xf32>
    %mul3A_3 = arith.mulf %slice3A, %mul3A_2 : vector<1x128xf32>
    %slice3A_4 = vector.extract_strided_slice %get3A_1 {offsets = [1, 0], sizes = [1, 128], strides = [1, 1]} : vector<2x128xf32> to vector<1x128xf32>
    %mul3A_5 = arith.constant 9.99999974E-5 : f32
    %mul3A_6 = vector.broadcast %mul3A_5 : f32 to vector<1x128xf32>
    %mul3A_7 = arith.mulf %slice3A_4, %mul3A_6 : vector<1x128xf32>
    %mul3A_8 = arith.mulf %mul3A_3, %mul3A_3 : vector<1x128xf32>
    %sub3A = arith.subf %mul3A_7, %mul3A_8 : vector<1x128xf32>
    %add3A = arith.constant 9.99999974E-6 : f32
    %add3A_9 = vector.broadcast %add3A : f32 to vector<1x128xf32>
    %add3A_10 = arith.addf %sub3A, %add3A_9 : vector<1x128xf32>
    %rsqrt3A = math.rsqrt %add3A_10 : vector<1x128xf32>
    %get3A_11 = arith.constant 0 : index
    %get3A_12 = arith.constant 0 : index
    %get3A_13 = vector.load %arg1[%get3A_11, %get3A_12] : memref<2048x128xf32, #tpu.memory_space<vmem>>, vector<2048x128xf32>
    %sub3A_14 = vector.broadcast %mul3A_3 : vector<1x128xf32> to vector<2048x128xf32>
    %sub3A_15 = arith.subf %get3A_13, %sub3A_14 : vector<2048x128xf32>
    %get3A_16 = arith.constant 0 : index
    %get3A_17 = arith.constant 0 : index
    %get3A_18 = vector.load %arg3[%get3A_16, %get3A_17] : memref<1x128xf32, #tpu.memory_space<vmem>>, vector<1x128xf32>
    %mul3A_19 = arith.mulf %rsqrt3A, %get3A_18 : vector<1x128xf32>
    %mul3A_20 = vector.broadcast %mul3A_19 : vector<1x128xf32> to vector<2048x128xf32>
    %mul3A_21 = arith.mulf %sub3A_15, %mul3A_20 : vector<2048x128xf32>
    %get3A_22 = arith.constant 0 : index
    %get3A_23 = arith.constant 0 : index
    %get3A_24 = vector.load %arg4[%get3A_22, %get3A_23] : memref<1x128xf32, #tpu.memory_space<vmem>>, vector<1x128xf32>
    %add3A_25 = vector.broadcast %get3A_24 : vector<1x128xf32> to vector<2048x128xf32>
    %add3A_26 = arith.addf %mul3A_21, %add3A_25 : vector<2048x128xf32>
    %tanh3A = math.tanh %add3A_26 : vector<2048x128xf32>
    %swap3A = arith.constant 0 : index
    %swap3A_27 = arith.constant 0 : index
    %swap3A_28 = vector.load %arg5[%swap3A, %swap3A_27] : memref<2048x128xf32, #tpu.memory_space<vmem>>, vector<2048x128xf32>
    tpu.vector_store %arg5[%swap3A, %swap3A_27], %tanh3A {strides = array<i32>} : memref<2048x128xf32, #tpu.memory_space<vmem>>, vector<2048x128xf32>,
    return
  }
  func.func @transform_0(%arg0: i32) -> (i32, i32) {
    %c0_i32 = arith.constant 0 : i32
    %c0_i32_0 = arith.constant 0 : i32
    return %arg0, %c0_i32 : i32, i32
  }
  func.func @transform_1(%arg0: i32) -> (i32, i32) {
    %c0_i32 = arith.constant 0 : i32
    %c0_i32_0 = arith.constant 0 : i32
    %c0_i32_1 = arith.constant 0 : i32
    return %c0_i32, %c0_i32_0 : i32, i32
  }
  func.func @transform_2(%arg0: i32) -> (i32, i32) {
    %c0_i32 = arith.constant 0 : i32
    %c0_i32_0 = arith.constant 0 : i32
    %c0_i32_1 = arith.constant 0 : i32
    return %c0_i32, %c0_i32_0 : i32, i32
  }
  func.func @transform_3(%arg0: i32) -> (i32, i32) {
    %c0_i32 = arith.constant 0 : i32
    %c0_i32_0 = arith.constant 0 : i32
    %c0_i32_1 = arith.constant 0 : i32
    return %c0_i32, %c0_i32_0 : i32, i32
  }
  func.func @transform_4(%arg0: i32) -> (i32, i32) {
    %c0_i32 = arith.constant 0 : i32
    %c0_i32_0 = arith.constant 0 : i32
    return %arg0, %c0_i32 : i32, i32
  }
}

</mosaic_0001>

<sc_bundles>
// kernel: kernel.7.cloned.1.call-start
scs
__scs_entry_jumppad:
0x0: {  	(pc) =	sbr.rel $0x88, $3  }
0x1: {  	(tag) =	ssettag $0x0;
	lr =	simm.s32 $0x1  }
0x2: {  	[smem:$0x3F97] =	sst lr;
	_ =	strace $0xD0000000  }
0x3: {  	_ = 	snop  }
0x4: {  	_ = 	snop  }
0x5: {  	_ = 	snop  }
0x6: {  	_ = 	snop  }
0x7: {  	_ = 	snop  }
__scs_overlays_trampoline_lowered:
0x8: {  	[smem:$0x3FA6] =	sst s0  }
0x9: {  	[smem:$0x3FA7] =	sst s1  }
0xa: {  	[smem:$0x3FA8] =	sst s2  }
0xb: {  	[smem:$0x3FA9] =	sst s3  }
0xc: {  	[smem:$0x3FAA] =	sst s4  }
0xd: {  	[smem:$0x3FAB] =	sst s5  }
0xe: {  	[smem:$0x3FAC] =	sst s6  }
0xf: {  	[smem:$0x3FAD] =	sst s7  }
0x10: {  	[smem:$0x3FAE] =	sst s8  }
0x11: {  	[smem:$0x3FAF] =	sst s9;
	s0 =	simm.s32 @!p0 $0x0  }
0x12: {  	s1 =	sld [smem:$0x3F95];
	s0 =	simm.s32 @p0 $0x1  }
0x13: {  	[smem:$0x3FB0] =	sst s0;
	s0 =	simm.s32 @!p1 $0x0  }
0x14: {  	s2 =	sld [smem:$0x3F94];
	s0 =	simm.s32 @p1 $0x1  }
0x15: {  	[smem:$0x3FB1] =	sst s0;
	s0 =	simm.s32 @!p2 $0x0  }
0x16: {  	s3 =	sld [smem:$0x3FDB];
	s0 =	simm.s32 @p2 $0x1  }
0x17: {  	s4 =	simm.s32 $0x1BF5;
	[smem:$0x3FB3] =	sst s0  }
0x18: {  	s0 =	sld [smem:$0x3F96];
	_ =	swait.ge [sflag:s4], $0x0  }
0x19: {  	s7 =	sld [smem:$0x3F97]  }
0x1a: {  	s8 =	sadd.s32 $0xFFFFE003, lr  }
0x1b: {  	s9 =	sadd.s32 $0xFFFFFEF7, lr;
	s5 =	simm.s32 $0xFFFFFFFF;
	p2 =	slt.u32 s8, $0xFFFFF086  }
0x1c: {  	p1 =	slt.u32 s9, $0xF7A;
	s5 =	simm.s32 @!p2 $0x0  }
0x1d: {  	s5 =	simm.s32 @p1 $0x1;
	p0 =	seq.s32 s7, s2  }
0x1e: {  	s7 =	smul.u32 @!p0 $0xF7A, s2;
	p2 =	seq.s32 @!p0 s5, $0x0  }
0x1f: {  	s9 =	smul.u32 $0xF7A, s1;
	s8 =	simm.s32 @!p0 $0x1BF5;
	p2 =	por !p2, p0  }
0x20: {  	[sflag:s8] =	ssyncset.s32 @!p0 $0xFFFFF086;
	s6 =	sadd.s32 @!p0 s3, s7;
	s7 =	simm.s32 @!p0 $0x108  }
0x21: {  	s3 =	sadd.s32 s3, s9;
	s6 =	sadd.s32 @!p0 $0x88, s6;
	s7 =	simm.s32 @p2 $0x1082  }
0x22: {  	[simem:s7], [sflag:s8] =	dma.local @!p0 [hbm:s6], $0xF7A  }
0x23: {  	s9 =	sor.u32 $0xD0000000, s2;
	s6 =	simm.s32 $0x108;
	_ =	swait.ge @!p0 [sflag:s8], $0x0  }
0x24: {  	s3 =	sadd.s32 $0x88, s3;
	s6 =	simm.s32 @!p1 $0x1082;
	[sflag:s4] =	ssyncset.s32 $0xFFFFF086  }
0x25: {  	[simem:s6], [sflag:s4] =	dma.local [hbm:s3], $0xF7A  }
0x26: {  	[smem:$0x3F97] =	sst s1;
	(tag) =	ssettag s2;
	_ =	strace s9  }
0x27: {  	s1 =	sld [smem:$0x3FA7]  }
0x28: {  	s2 =	sld [smem:$0x3FA8]  }
0x29: {  	s4 =	sld [smem:$0x3FAA]  }
0x2a: {  	p0 =	seq.s32 s5, $0x0;
	s5 =	sld [smem:$0x3FAB]  }
0x2b: {  	s6 =	sld [smem:$0x3FAC]  }
0x2c: {  	s7 =	sld [smem:$0x3FAD]  }
0x2d: {  	s3 =	simm.s32 $0x108;
	s8 =	sld [smem:$0x3FAE]  }
0x2e: {  	s3 =	simm.s32 @!p0 $0x1082;
	s9 =	sld [smem:$0x3FAF]  }
0x2f: {  	lr =	sadd.s32 s0, s3;
	s0 =	sld [smem:$0x3FA6]  }
0x30: {  	s3 =	sld [smem:$0x3FA9]  }
0x31: {  	[smem:$0x3FB2] =	sst s10  }
0x32: {  	s10 =	sld [smem:$0x3FB0];
	_ =	sdelay $0x3  }
0x33: {  	p0 =	seq.s32 s10, $0x1;
	s10 =	sld [smem:$0x3FB2];
	_ =	sdelay $0x3  }
0x34: {  	[smem:$0x3FB2] =	sst s10  }
0x35: {  	s10 =	sld [smem:$0x3FB1];
	_ =	sdelay $0x3  }
0x36: {  	p1 =	seq.s32 s10, $0x1;
	s10 =	sld [smem:$0x3FB2];
	_ =	sdelay $0x3  }
0x37: {  	[smem:$0x3FB2] =	sst s10  }
0x38: {  	s10 =	sld [smem:$0x3FB3]  }
0x39: {  	_ = 	snop;
	(pc) =	sbr.ind lr, $3  }
0x3a: {  	_ = 	snop  }
0x3b: {  	_ = 	snop  }
0x3c: {  	p2 =	seq.s32 s10, $0x1;
	s10 =	sld [smem:$0x3FB2]  }
0x3d: {  	_ =	shalt  }
0x3e: {  	_ =	shalt  }
0x3f: {  	_ =	shalt  }
0x40: {  	_ =	shalt  }
0x41: {  	_ =	shalt  }
0x42: {  	_ =	shalt  }
0x43: {  	_ =	shalt  }
0x44: {  	_ =	shalt  }
0x45: {  	_ =	shalt  }
0x46: {  	_ =	shalt  }
0x47: {  	_ =	shalt  }
0x48: {  	_ =	shalt  }
0x49: {  	_ =	shalt  }
0x4a: {  	_ =	shalt  }
0x4b: {  	_ =	shalt  }
0x4c: {  	_ =	shalt  }
0x4d: {  	_ =	shalt  }
0x4e: {  	_ =	shalt  }
0x4f: {  	_ =	shalt  }
0x50: {  	_ =	shalt  }
0x51: {  	_ =	shalt  }
0x52: {  	_ =	shalt  }
0x53: {  	_ =	shalt  }
0x54: {  	_ =	shalt  }
0x55: {  	_ =	shalt  }
0x56: {  	_ =	shalt  }
0x57: {  	_ =	shalt  }
0x58: {  	_ =	shalt  }
0x59: {  	_ =	shalt  }
0x5a: {  	_ =	shalt  }
0x5b: {  	_ =	shalt  }
0x5c: {  	_ =	shalt  }
0x5d: {  	_ =	shalt  }
0x5e: {  	_ =	shalt  }
0x5f: {  	_ =	shalt  }
0x60: {  	_ =	shalt  }
0x61: {  	_ =	shalt  }
0x62: {  	_ =	shalt  }
0x63: {  	_ =	shalt  }
0x64: {  	_ =	shalt  }
0x65: {  	_ =	shalt  }
0x66: {  	_ =	shalt  }
0x67: {  	_ =	shalt  }
0x68: {  	_ =	shalt  }
0x69: {  	_ =	shalt  }
0x6a: {  	_ =	shalt  }
0x6b: {  	_ =	shalt  }
0x6c: {  	_ =	shalt  }
0x6d: {  	_ =	shalt  }
0x6e: {  	_ =	shalt  }
0x6f: {  	_ =	shalt  }
0x70: {  	_ =	shalt  }
0x71: {  	_ =	shalt  }
0x72: {  	_ =	shalt  }
0x73: {  	_ =	shalt  }
0x74: {  	_ =	shalt  }
0x75: {  	_ =	shalt  }
0x76: {  	_ =	shalt  }
0x77: {  	_ =	shalt  }
0x78: {  	_ =	shalt  }
0x79: {  	_ =	shalt  }
0x7a: {  	_ =	shalt  }
0x7b: {  	_ =	shalt  }
0x7c: {  	_ =	shalt  }
0x7d: {  	_ =	shalt  }
0x7e: {  	_ =	shalt  }
0x7f: {  	_ =	shalt  }
0x80: {  	_ =	shalt  }
0x81: {  	_ =	shalt  }
0x82: {  	_ =	shalt  }
0x83: {  	_ =	shalt  }
0x84: {  	_ =	shalt  }
0x85: {  	_ =	shalt  }
0x86: {  	_ =	shalt  }
0x87: {  	_ =	shalt  }
.Lfunc_end0:
.L_simem_size_0:
called_computation_lowered:
.L_overlay_start_0:
0x88: {  	s2 =	sld [smem:$0x3FD9]  }
0x89: {  	s3 =	sld [smem:$0x3FFE];
	_ =	sdelay $0x1  }
0x8a: {  	s1 =	srdreg.scid  }
0x8b: {  	s0 =	sand.u32 $0x1, s1  }
0x8c: {  	s17 =	sshll.u32 s0, $0xA;
	s2 =	sadd.s32 s3, s2  }
0x8d: {  	s2 =	sadd.s32 s2, s17  }
0x8e: {  	[smem:$0x3FBE] =	sst s2  }
0x8f: {  	_ = 	snop  }
0x90: {  	s2 =	sld [smem:$0x3FD0];
	(tm) =	ssettm $0x1  }
0x91: {  	s18 =	sld [smem:$0x3FFB];
	_ =	sdelay $0x3  }
0x92: {  	_ =	strace s18  }
0x93: {  	s3 =	sld [smem:$0x3FFC];
	_ =	sdelay $0x3  }
0x94: {  	_ =	strace s3  }
0x95: {  	s3 =	sld [smem:$0x3FFD];
	_ =	sdelay $0x3  }
0x96: {  	_ =	strace s3  }
0x97: {  	_ =	strace $0x8FFFFFFF  }
0x98: {  	s19 =	sld [smem:$0x3FDB];
	_ =	sdelay $0x1  }
0x99: {  	s4 =	simm.s32 $_scs_section_size  }
0x9a: {  	s5 =	simm.s32 $_size__tile_overlayer_lowered;
	s6 =	simm.s32 $_tile_overlayer_lowered  }
0x9b: {  	s22 =	simm.s32 $0x1BFF;
	s21 =	sshll.u32 s6, $0x1;
	s3 =	sadd.s32 s4, s19  }
0x9c: {  	s7 =	simm.s32 $0x0;
	s20 =	sshll.u32 s5, $0x1;
	s5 =	sadd.s32 s21, s3  }
0x9d: {  	[timem:s7], [sflag:s22] =	dma.local [hbm:s5], s20  }
0x9e: {  	_ =	swait.ge [sflag:s22], s20  }
0x9f: {  	s4 =	ssub.s32 $0x0, s20;
	[sflag:s22] =	ssyncset.done $0x0  }
0xa0: {  	[sflag:s22] =	ssyncadd.s32 s4;
	_ =	sdelay $0x1  }
0xa1: {  	s23 =	simm.s32 $0x1B8B  }
0xa2: {  	_ =	swait.ge [sflag:s23], $0x1  }
0xa3: {  	[sflag:s23] =	ssyncset.done $0x0  }
0xa4: {  	s25 =	simm.s32 $0x1B8E;
	s24 =	sld [smem:$0x3FFE];
	[sflag:s23] =	ssyncadd.s32 $0xFFFFFFFF  }
0xa5: {  	s26 =	simm.s32 $execute0_lowered;
	[smem:$0x3FD2] =	sst s25  }
0xa6: {  	s5 =	sshll.u32 s26, $0x1;
	_ =	strace $0x80000046;
	[dreg:$0x1] =	wrdreg $0xFFFFFFFF  }
0xa7: {  	s28 =	simm.s32 $_size_execute0_lowered;
	s3 =	sadd.s32 s3, s5;
	[dreg:$0x0] =	wrdreg $0x0  }
0xa8: {  	s5 =	sshll.u32 s28, $0x1;
	[dreg:$0x2] =	wrdreg s3  }
0xa9: {  	[dreg:$0x3] =	wrdreg s5  }
0xaa: {  	[dreg:$0x4] =	wrdreg $0xC0  }
0xab: {  	_ =	task [dreg:s7], $0x5FFFF  }
0xac: {  	[dreg:$0x1] =	wrdreg $0xFFFFFFFF  }
0xad: {  	[dreg:$0x0] =	wrdreg $0x60  }
0xae: {  	[dreg:$0x2] =	wrdreg s24  }
0xaf: {  	[dreg:$0x3] =	wrdreg s2  }
0xb0: {  	[dreg:$0x4] =	wrdreg $0x9  }
0xb1: {  	_ =	task.clear_ibuf [dreg:s7], $0x5FFFF;
	_ =	strace $0x90000046  }
0xb2: {  	s29 =	simm.s32 $0x9;
	_ =	strace $0x80000048  }
0xb3: {  	_ =	swait.ge [sflag:s29], $0x1  }
0xb4: {  	[sflag:s29] =	ssyncadd.s32 $0xFFFFFFFF  }
0xb5: {  	_ =	strace $0x90000048  }
0xb6: {  	_ =	sfence  }
0xb7: {  	s30 =	sld [smem:$0x0];
	_ =	sdelay $0x2  }
0xb8: {  	s31 =	sshll.u32 s1, $0xD;
	s1 =	sshrl.u32 s1, $0x2  }
0xb9: {  	s3 =	sand.u32 $0x4000, s31;
	s1 =	sadd.s32 s1, s30  }
0xba: {  	s0 =	sor.u32 s3, s0;
	s1 =	sshll.u32 s1, $0x11  }
0xbb: {  	s0 =	sor.u32 s1, s0  }
0xbc: {  	s0 =	sadd.s32 $0x8F2B, s0  }
0xbd: {  	[sflag:s0] =	ssyncadd.remote.s32 $0x1  }
0xbe: {  	_ =	sfence.sel $0xFFFF  }
0xbf: {  	[dreg:$0x0] =	wrdreg $0xFFFFFFFF;
	(pc) =	sbr.abs _section_cstart, $3  }
0xc0: {  	[dreg:$0x1] =	wrdreg $0xFFFFFFFF  }
0xc1: {  	_ =	task.clear_ibuf [dreg:s7], $0x2FFFF;
	_ =	strace $0x9FFFFFFF  }
0xc2: {  	(tm) =	ssettm $0x7FFFFFFF  }
0xc3: {  	_ =	shalt  }
tec
execute0_lowered:
.L_overlay_start_1:
0x0: {  	(tag) =	ssettag $0x1  }
0x1: {  	s0 =	rddreg [dreg:$0x0]  }
0x2: {  	s1 =	rddreg [dreg:$0x1];
	s2 =	simm.s32 $0x0  }
0x3: {  	s3 =	srdreg.scid;
	s10 =	stileid.u32;
	s18 =	simm.f32 $0.0e+00  }
0x4: {  	s31 =	simm.s32 $0x80;
	[smem:$0x7FF] =	sst s2;
	s5 =	sadd.s32 $0x2000, s0  }
0x5: {  	s3 =	sand.u32 $0x1, s3;
	s4 =	sadd.s32 $0x272A00, s0;
	s7 =	sadd.s32 $0x1A00, s0  }
0x6: {  	s25 =	sshll.u32 s10, $0x9;
	_ =	strace $0x80000047;
	s6 =	sshll.u32 s3, $0x4  }
0x7: {  	[dreg:$0x3] =	wrdreg s7;
	s3 =	ssub.s32 $0x2, s3;
	s7 =	sadd.s32 $0x2A000, s0  }
0x8: {  	s0 =	sadd.s32 $0x272A50, s0;
	s6 =	sor.u32 s10, s6;
	s8 =	sshrl.u32 s3, $0x1  }
0x9: {  	s9 =	sshrl.u32 s6, $0x1;
	s3 =	ssub.s32 s3, s8;
	s26 =	sshll.u32 s6, $0x2  }
0xa: {  	p0 =	seq.s32 s6, $0x0;
	s14 =	sshllo.u32 s6, $0x2;
	s8 =	smul.u32 $0x9C400, s6  }
0xb: {  	s24 =	smul.u32 $0x14000, s9;
	s9 =	sand.u32 $0x200, s25;
	s11 =	sor.u32 $0x1, s26  }
0xc: {  	s18 =	simm.s32 @!p0 $0x3F800000;
	s28 =	sor.u32 $0x2, s26;
	s21 =	sshll.u32 s14, $0x7  }
0xd: {  	s12 =	sshll.u32 s11, $0x7;
	s19 =	sshll.u32 s28, $0x7;
	s26 =	sshrl.u32 s8, $0x3  }
0xe: {  	s9 =	sor.u32 s9, s24;
	s12 =	sand.u32 $0x280, s12;
	s20 =	sand.u32 $0x300, s19  }
0xf: {  	s9 =	sshrl.u32 s9, $0x3;
	s17 =	sor.u32 s24, s12;
	s10 =	sor.u32 s24, s20  }
0x10: {  	s12 =	sand.u32 $0x380, s21;
	s13 =	sadd.s32 s5, s9;
	s15 =	sshrl.u32 s17, $0x3  }
0x11: {  	s22 =	sshrl.u32 s10, $0x3;
	s23 =	sor.u32 s24, s12;
	s10 =	smul.u32 $0x27100, s11  }
0x12: {  	s12 =	smul.u32 $0x27100, s28;
	s28 =	sadd.s32 s4, s26;
	[dreg:$0x4] =	wrdreg s13  }
0x13: {  	s9 =	sadd.s32 s7, s9;
	s11 =	simm.s32 $0x18100;
	[dreg:$0x8] =	wrdreg s28  }
0x14: {  	s16 =	sadd.s32 s5, s15;
	s24 =	sadd.s32 s5, s22;
	[dreg:$0x9] =	wrdreg s9  }
0x15: {  	s25 =	sshrl.u32 s23, $0x3;
	s13 =	smul.u32 $0x27100, s14;
	[dreg:$0x5] =	wrdreg s16  }
0x16: {  	s19 =	sadd.s32 s7, s15;
	s20 =	sadd.s32 s7, s22;
	[dreg:$0x6] =	wrdreg s24  }
0x17: {  	s28 =	sadd.s32 $0x4E70, s1;
	s9 =	simm.s32 $0x17E80;
	[dreg:$0xa] =	wrdreg s19  }
0x18: {  	s15 =	simm.s32 $0x1;
	s5 =	sadd.s32 s5, s25;
	[dreg:$0xb] =	wrdreg s20  }
0x19: {  	s14 =	sshrl.u32 s10, $0x3;
	s17 =	sshrl.u32 s12, $0x3;
	[dreg:$0x13] =	wrdreg s28  }
0x1a: {  	s6 =	sadd.s32 s7, s25;
	s24 =	smax.u32 s3, $0x1;
	s19 =	ssub.f32 $1.000000000e+00, s18  }
0x1b: {  	s25 =	sadd.s32 $0x4E20, s1;
	s3 =	simm.s32 $0x3;
	[dreg:$0x7] =	wrdreg s5  }
0x1c: {  	s7 =	simm.s32 $0x17C00;
	s16 =	simm.s32 $0xA000;
	[dreg:$0xc] =	wrdreg s6  }
0x1d: {  	v0 =	vmov s18;
	s18 =	simm.s32 $0x0;
	s21 =	sshrl.u32 s13, $0x3;
	[dreg:$0x10] =	wrdreg s24  }
0x1e: {  	s5 =	sadd.s32 s26, s0;
	s0 =	sadd.s32 s14, s0;
	[dreg:$0x11] =	wrdreg s25  }
0x1f: {  	s23 =	sadd.s32 s4, s14;
	s22 =	sadd.s32 s4, s17;
	[dreg:$0xd] =	wrdreg s5  }
0x20: {  	s26 =	sadd.s32 $0x50, s1;
	s6 =	simm.s32 $0x16F80;
	[dreg:$0xe] =	wrdreg s0  }
0x21: {  	s14 =	simm.s32 $0x18380;
	s17 =	simm.s32 $0x2;
	[dreg:$0xf] =	wrdreg s23  }
0x22: {  	s23 =	sadd.s32 s4, s21;
	[dreg:$0x12] =	wrdreg s26;
	s29 =	sadd.s32 $0x50, s22  }
0x23: {  	v2 =	vimm.f32 $0.0e+00;
	s0 =	simm.s32 $0x400;
	s5 =	simm.s32 $0x16A80;
	v1 =	vmov s19;
	s30 =	sadd.s32 $0x50, s23  }
.LBB2_1:
0x24: {  	s19 =	rddreg [dreg:$0x4]  }
0x25: {  	[tilespmem:s2], [sflag:$0x3] =	stream.strided.gather [hbm4b:s19+s31], $0x2800, s0, s31, $0x38;
	[tilespmem:$0x18600] =	vst v63  }
0x26: {  	_ =	swait.ge [sflag:s3], $0x2800  }
0x27: {  	[sflag:s3] =	ssyncset.done $0x0  }
0x28: {  	s20 =	simm.s32 $0x2800;
	s28 =	rddreg [dreg:$0x5];
	[sflag:s3] =	ssyncadd.s32 $0xFFFFD800  }
0x29: {  	[tilespmem:s20], [sflag:$0x3] =	stream.strided.gather [hbm4b:s28+s31], $0x2800, s0, s31, $0x38;
	[tilespmem:$0x18600] =	vst v63  }
0x2a: {  	_ =	swait.ge [sflag:s3], $0x2800  }
0x2b: {  	[sflag:s3] =	ssyncset.done $0x0  }
0x2c: {  	s21 =	simm.s32 $0x5000;
	s20 =	rddreg [dreg:$0x6];
	[sflag:s3] =	ssyncadd.s32 $0xFFFFD800  }
0x2d: {  	[tilespmem:s21], [sflag:$0x3] =	stream.strided.gather [hbm4b:s20+s31], $0x2800, s0, s31, $0x38;
	[tilespmem:$0x18600] =	vst v63  }
0x2e: {  	_ =	swait.ge [sflag:s3], $0x2800  }
0x2f: {  	[sflag:s3] =	ssyncset.done $0x0  }
0x30: {  	s25 =	simm.s32 $0x7800;
	s24 =	rddreg [dreg:$0x7];
	[sflag:s3] =	ssyncadd.s32 $0xFFFFD800  }
0x31: {  	[tilespmem:s25], [sflag:$0x3] =	stream.strided.gather [hbm4b:s24+s31], $0x2800, s0, s31, $0x38;
	[tilespmem:$0x18600] =	vst v63  }
0x32: {  	_ =	swait.ge [sflag:s3], $0x2800  }
0x33: {  	[sflag:s3] =	ssyncset.done $0x0  }
0x34: {  	s28 =	simm.s32 $0x14000;
	s26 =	rddreg [dreg:$0x3];
	[sflag:s3] =	ssyncadd.s32 $0xFFFFD800  }
0x35: {  	[tilespmem:s28], [sflag:$0x3] =	stream.linear.gather [hbm4b:s26+s2], $0x2800, $0x38;
	[tilespmem:$0x18600] =	vst v63  }
0x36: {  	_ =	swait.ge [sflag:s3], $0x2800  }
0x37: {  	[sflag:s3] =	ssyncset.done $0x0  }
0x38: {  	s19 =	simm.s32 $0xA020;
	[sflag:s3] =	ssyncadd.s32 $0xFFFFD800  }
0x39: {  	[tilespmem:s19+$0xFFFFFFE0] =	vst v2  }
0x3a: {  	[tilespmem:s19+$0x10] =	vst v2  }
0x3b: {  	s20 =	simm.s32 $0x0;
	[tilespmem:s19+$0x0] =	vst v2  }
.LBB2_2:
0x3c: {  	s20 =	sadd.s32 $0x4, s20  }
0x3d: {  	[tilespmem:s19+$0xFFFFFFF0] =	vst v2;
	s19 =	sadd.s32 $0x40, s19;
	p0 =	slt.u32 s20, $0x9FC  }
.Ltmp0:
0x3e: {  	[tilespmem:s19+$0xFFFFFFE0] =	vst v2;
	(pc) =	sbr.rel @p0 .LBB2_2-.Ltmp0, $3  }
0x3f: {  	_ =	sdelay $0x1  }
0x40: {  	[tilespmem:s19+$0x10] =	vst v2  }
0x41: {  	[tilespmem:s19+$0x0] =	vst v2  }
0x42: {  	[tilespmem:s19+$0xFFFFFFF0] =	vst v2;
	s19 =	simm.s32 $0x0;
	s20 =	simm.s32 $0x16800  }
0x43: {  	[tilespmem:s20], [sflag:$0x1] =	stream.linear.gather [hbm4b:s1+s19], $0x280, $0x38;
	[tilespmem:$0x18600] =	vst v63  }
0x44: {  	s21 =	simm.s32 $0x16D00;
	s28 =	rddreg [dreg:$0x11]  }
0x45: {  	[tilespmem:s21], [sflag:$0x1] =	stream.linear.gather [hbm4b:s28+s19], $0x280, $0x38;
	[tilespmem:$0x18600] =	vst v63  }
0x46: {  	s24 =	simm.s32 $0x17200;
	s21 =	rddreg [dreg:$0x8]  }
0x47: {  	[tilespmem:s24], [sflag:$0x1] =	stream.linear.gather [hbm4b:s21+s19], $0x280, $0x38;
	[tilespmem:$0x18600] =	vst v63  }
0x48: {  	s26 =	simm.s32 $0x17480;
	s25 =	rddreg [dreg:$0xf]  }
0x49: {  	[tilespmem:s26], [sflag:$0x1] =	stream.linear.gather [hbm4b:s25+s19], $0x280, $0x38;
	[tilespmem:$0x18600] =	vst v63  }
0x4a: {  	s28 =	simm.s32 $0x17700  }
0x4b: {  	[tilespmem:s28], [sflag:$0x1] =	stream.linear.gather [hbm4b:s22+s19], $0x280, $0x38;
	[tilespmem:$0x18600] =	vst v63  }
0x4c: {  	s21 =	simm.s32 $0x17980  }
0x4d: {  	[tilespmem:s21], [sflag:$0x1] =	stream.linear.gather [hbm4b:s23+s19], $0x280, $0x38;
	[tilespmem:$0x18600] =	vst v63  }
0x4e: {  	s24 =	rddreg [dreg:$0x12]  }
0x4f: {  	[tilespmem:s5], [sflag:$0x2] =	stream.linear.gather [hbm4b:s24+s19], $0x280, $0x38;
	[tilespmem:$0x18600] =	vst v63  }
0x50: {  	s25 =	rddreg [dreg:$0x13]  }
0x51: {  	[tilespmem:s6], [sflag:$0x2] =	stream.linear.gather [hbm4b:s25+s19], $0x280, $0x38;
	[tilespmem:$0x18600] =	vst v63  }
0x52: {  	s26 =	rddreg [dreg:$0xd]  }
0x53: {  	[tilespmem:s7], [sflag:$0x2] =	stream.linear.gather [hbm4b:s26+s19], $0x280, $0x38;
	[tilespmem:$0x18600] =	vst v63  }
0x54: {  	s28 =	rddreg [dreg:$0xe]  }
0x55: {  	[tilespmem:s9], [sflag:$0x2] =	stream.linear.gather [hbm4b:s28+s19], $0x280, $0x38;
	[tilespmem:$0x18600] =	vst v63  }
0x56: {  	_ = 	snop  }
0x57: {  	[tilespmem:s11], [sflag:$0x2] =	stream.linear.gather [hbm4b:s29+s19], $0x280, $0x38;
	[tilespmem:$0x18600] =	vst v63  }
0x58: {  	_ = 	snop  }
0x59: {  	[tilespmem:s14], [sflag:$0x2] =	stream.linear.gather [hbm4b:s30+s19], $0x280, $0x38;
	[tilespmem:$0x18600] =	vst v63  }
.LBB2_4:
0x5a: {  	_ =	swait.ge [sflag:s15], $0x280  }
0x5b: {  	[sflag:s15] =	ssyncset.done $0x0  }
0x5c: {  	[sflag:s15] =	ssyncadd.s32 $0xFFFFFD80  }
0x5d: {  	_ =	swait.ge [sflag:s15], $0x280  }
0x5e: {  	[sflag:s15] =	ssyncset.done $0x0  }
0x5f: {  	[sflag:s15] =	ssyncadd.s32 $0xFFFFFD80  }
0x60: {  	_ =	swait.ge [sflag:s15], $0x280  }
0x61: {  	[sflag:s15] =	ssyncset.done $0x0  }
0x62: {  	[sflag:s15] =	ssyncadd.s32 $0xFFFFFD80  }
0x63: {  	_ =	swait.ge [sflag:s15], $0x280  }
0x64: {  	[sflag:s15] =	ssyncset.done $0x0  }
0x65: {  	[sflag:s15] =	ssyncadd.s32 $0xFFFFFD80  }
0x66: {  	_ =	swait.ge [sflag:s15], $0x280  }
0x67: {  	[sflag:s15] =	ssyncset.done $0x0  }
0x68: {  	[sflag:s15] =	ssyncadd.s32 $0xFFFFFD80  }
0x69: {  	s20 =	simm.s32 $0xFFFFFFFC;
	_ =	swait.ge [sflag:s15], $0x280  }
0x6a: {  	s21 =	simm.s32 $0x17200;
	s24 =	simm.s32 $0x16D20;
	[sflag:s15] =	ssyncset.done $0x0  }
0x6b: {  	s25 =	simm.s32 $0x16820;
	s26 =	simm.s32 $0x0;
	[sflag:s15] =	ssyncadd.s32 $0xFFFFFD80  }
.LBB2_5:
0x6c: {  	v3 =	vld [tilespmem:s25+$0xFFFFFFE0];
	_ =	sdelay $0x3  }
0x6d: {  	v7 =	vld [tilespmem:s21+$0x0]  }
0x6e: {  	v56 =	vld [tilespmem:s25+$0xFFFFFFF0];
	v4 =	vand.u32 $0xFFFF, v3  }
0x6f: {  	v38 =	vld [tilespmem:s21+$0x10];
	v5 =	vadd.s32 $0x2800, v4  }
0x70: {  	v39 =	vld [tilespmem:s21+$0x290];
	v6 =	vand.u32 $0x7F, v3;
	v5 =	vand.u32 $0x1FF80, v5  }
0x71: {  	v24 =	vld [tilespmem:s21+$0x510];
	v5 =	vor.u32 v6, v5  }
0x72: {  	s28 =	sand.u32 $0x3C0, s26;
	v25 =	vld [tilespmem:s21+$0x790];
	v8 =	vadd.s32 $0x5000, v4  }
0x73: {  	v9 =	vld [tilespmem:s28+$0x17480];
	v10 =	vadd.s32 $0x7800, v4;
	v8 =	vand.u32 $0x1FF80, v8  }
0x74: {  	v11 =	vld [tilespmem:s28+$0x17700];
	v10 =	vand.u32 $0x1FF80, v10;
	v8 =	vor.u32 v6, v8  }
0x75: {  	v13 =	vld [tilespmem:s28+$0x17980];
	v6 =	vor.u32 v6, v10  }
0x76: {  	v5 =	vld.idx.msk [tilespmem:v5+s2+$0x0], $0xffff  }
0x77: {  	v4 =	vld.idx.msk [tilespmem:v4+s2+$0x0], $0xffff  }
0x78: {  	v14 =	vunpack.i.l.bf16.f32 v7;
	v3 =	vshra.s32 v3, $0x10;
	v35 =	vand.u32 $0x7F, v56  }
0x79: {  	v7 =	vunpack.i.u.bf16.f32 v7;
	v61 =	vunpack.i.l.bf16.f32 v38;
	v23 =	vunpack.i.l.bf16.f32 v39;
	v8 =	vld.idx.msk [tilespmem:v8+s2+$0x0], $0xffff  }
0x7a: {  	v40 =	vunpack.i.l.bf16.f32 v24;
	v41 =	vunpack.i.l.bf16.f32 v25;
	v12 =	vunpack.i.l.bf16.f32 v9;
	v6 =	vld.idx.msk [tilespmem:v6+s2+$0x0], $0xffff  }
0x7b: {  	v17 =	vunpack.i.l.bf16.f32 v11;
	v18 =	vunpack.i.l.bf16.f32 v13;
	v10 =	vld [tilespmem:s24+$0xFFFFFFE0];
	v15 =	vmul.f32 v5, v12  }
0x7c: {  	v30 =	vadd.s32 $0x2800, v3;
	v12 =	vmul.f32 v4, v12;
	v5 =	vmul.f32 v5, v14  }
0x7d: {  	v19 =	vadd.s32 $0x5000, v3;
	v22 =	vadd.s32 $0x7800, v3;
	v9 =	vunpack.i.u.bf16.f32 v9  }
0x7e: {  	v4 =	vmul.f32 v4, v14;
	v20 =	vmul.f32 v8, v17;
	v5 =	vadd.f32 v5, v12  }
0x7f: {  	v11 =	vunpack.i.u.bf16.f32 v11;
	v21 =	vmul.f32 v6, v18;
	v55 =	vmul.f32 v15, v0  }
0x80: {  	v16 =	vand.u32 $0xFFFF, v10;
	v15 =	vmul.f32 v15, v1;
	v5 =	vmul.f32 v5, v0  }
0x81: {  	v34 =	vadd.s32 $0x2800, v16;
	v8 =	vmul.f32 v8, v18;
	v4 =	vsub.f32 v4, v55  }
0x82: {  	v6 =	vmul.f32 v6, v17;
	v31 =	vsub.f32 v20, v21;
	v21 =	vld [tilespmem:s25+$0x0];
	v5 =	vadd.f32 v5, v15  }
0x83: {  	v37 =	vand.u32 $0x7F, v10;
	v36 =	vand.u32 $0x1FF80, v34;
	[tilespmem:v3+s16+$0x0] =	vst.idx.add.f32.msk $0xffff, v4;
	v3 =	vand.u32 $0xFFFF, v56  }
0x84: {  	v59 =	vadd.s32 $0x5000, v16;
	v32 =	vadd.f32 v6, v8;
	v4 =	vor.u32 v37, v36;
	[tilespmem:v30+s16+$0x0] =	vst.idx.add.f32.msk $0xffff, v5  }
0x85: {  	v13 =	vunpack.i.u.bf16.f32 v13;
	v17 =	vunpack.i.u.bf16.f32 v24;
	v20 =	vand.u32 $0x1FF80, v59;
	[tilespmem:v19+s16+$0x0] =	vst.idx.add.f32.msk $0xffff, v31  }
0x86: {  	v24 =	vunpack.i.u.bf16.f32 v25;
	v12 =	vshra.s32 v56, $0x10;
	v20 =	vor.u32 v37, v20;
	[tilespmem:v22+s16+$0x0] =	vst.idx.add.f32.msk $0xffff, v32  }
0x87: {  	v42 =	vadd.s32 $0x2800, v12;
	v29 =	vadd.s32 $0x5000, v12;
	v33 =	vadd.s32 $0x2800, v3;
	v14 =	vld.idx.msk [tilespmem:v16+s2+$0x0], $0xffff  }
0x88: {  	v45 =	vadd.s32 $0x7800, v12;
	v15 =	vunpack.i.u.bf16.f32 v38;
	v5 =	vand.u32 $0x1FF80, v33;
	v57 =	vld.idx.msk [tilespmem:v3+s2+$0x0], $0xffff  }
0x89: {  	v36 =	vunpack.i.u.bf16.f32 v39;
	v58 =	vadd.s32 $0x5000, v3;
	v5 =	vor.u32 v35, v5;
	v4 =	vld.idx.msk [tilespmem:v4+s2+$0x0], $0xffff  }
0x8a: {  	v49 =	vand.u32 $0xFFFF, v21;
	v19 =	vand.u32 $0x1FF80, v58;
	v3 =	vadd.s32 $0x7800, v3  }
0x8b: {  	v19 =	vor.u32 v35, v19;
	v16 =	vadd.s32 $0x7800, v16;
	v20 =	vld.idx.msk [tilespmem:v20+s2+$0x0], $0xffff;
	v3 =	vand.u32 $0x1FF80, v3  }
0x8c: {  	v54 =	vand.u32 $0x7F, v21;
	v16 =	vand.u32 $0x1FF80, v16;
	v8 =	vor.u32 v35, v3;
	v3 =	vld [tilespmem:s24+$0xFFFFFFF0]  }
0x8d: {  	v21 =	vshra.s32 v21, $0x10;
	v6 =	vor.u32 v37, v16;
	v60 =	vmul.f32 v14, v9  }
0x8e: {  	v52 =	vadd.s32 $0x2800, v49;
	v5 =	vld.idx.msk [tilespmem:v5+s2+$0x0], $0xffff;
	v26 =	vmul.f32 v57, v23;
	v28 =	vmul.f32 v4, v7  }
0x8f: {  	v53 =	vand.u32 $0x1FF80, v52;
	v4 =	vmul.f32 v4, v9;
	v18 =	vmul.f32 v57, v61  }
0x90: {  	v58 =	vor.u32 v54, v53;
	v19 =	vld.idx.msk [tilespmem:v19+s2+$0x0], $0xffff;
	v7 =	vmul.f32 v14, v7;
	v55 =	vmul.f32 v20, v11  }
0x91: {  	v59 =	vmul.f32 v20, v13;
	v63 =	vadd.f32 v28, v60;
	v34 =	vand.u32 $0xFFFF, v3  }
0x92: {  	v6 =	vld.idx.msk [tilespmem:v6+s2+$0x0], $0xffff;
	v47 =	vand.u32 $0x7F, v3;
	v50 =	vmul.f32 v4, v0;
	v4 =	vmul.f32 v4, v1  }
0x93: {  	v3 =	vshra.s32 v3, $0x10;
	v27 =	vmul.f32 v5, v61;
	v5 =	vmul.f32 v5, v23  }
0x94: {  	v8 =	vld.idx.msk [tilespmem:v8+s2+$0x0], $0xffff;
	v30 =	vadd.s32 $0x2800, v34;
	v61 =	vadd.s32 $0x5000, v49;
	v37 =	vadd.s32 $0x5000, v34  }
0x95: {  	v28 =	vld [tilespmem:s25+$0x10];
	v22 =	vadd.s32 $0x7800, v34;
	v43 =	vmul.f32 v19, v40;
	v33 =	vmul.f32 v5, v0  }
0x96: {  	v19 =	vmul.f32 v19, v41;
	v46 =	vand.u32 $0x1FF80, v30;
	v62 =	vadd.f32 v27, v26;
	v26 =	vld.idx.msk [tilespmem:v58+s2+$0x0], $0xffff  }
0x97: {  	v51 =	vmul.f32 v63, v0;
	v18 =	vsub.f32 v18, v33;
	v56 =	vmul.f32 v6, v13;
	v13 =	vld [tilespmem:s21+$0x20]  }
0x98: {  	v38 =	vand.u32 $0x1FF80, v37;
	v5 =	vmul.f32 v5, v1;
	v9 =	vmul.f32 v62, v0;
	v62 =	vld.idx.msk [tilespmem:v49+s2+$0x0], $0xffff  }
0x99: {  	v22 =	vand.u32 $0x1FF80, v22;
	v48 =	vor.u32 v47, v46;
	v44 =	vmul.f32 v8, v41;
	[tilespmem:v12+s16+$0x0] =	vst.idx.add.f32.msk $0xffff, v18  }
0x9a: {  	v8 =	vmul.f32 v8, v40;
	v5 =	vadd.f32 v9, v5;
	v9 =	vsub.f32 v7, v50;
	v18 =	vld [tilespmem:s21+$0x2A0]  }
0x9b: {  	v12 =	vshra.s32 v10, $0x10;
	v10 =	vadd.f32 v51, v4;
	v4 =	vand.u32 $0x1FF80, v61;
	v7 =	vld [tilespmem:s21+$0x7A0]  }
0x9c: {  	v6 =	vmul.f32 v6, v11;
	v27 =	vsub.f32 v43, v44;
	v63 =	vor.u32 v54, v4;
	v4 =	vld [tilespmem:s21+$0x520]  }
0x9d: {  	v39 =	vor.u32 v47, v38;
	v22 =	vor.u32 v47, v22;
	v38 =	vadd.s32 $0x5000, v3;
	[tilespmem:v42+s16+$0x0] =	vst.idx.add.f32.msk $0xffff, v5  }
0x9e: {  	v8 =	vadd.f32 v8, v19;
	v6 =	vadd.f32 v6, v59;
	v5 =	vadd.s32 $0x7800, v49;
	[tilespmem:v29+s16+$0x0] =	vst.idx.add.f32.msk $0xffff, v27  }
0x9f: {  	v51 =	vadd.s32 $0x5000, v21;
	v14 =	vadd.s32 $0x2800, v12;
	v35 =	vand.u32 $0x1FF80, v5;
	v5 =	vld [tilespmem:s24+$0x0]  }
0xa0: {  	v19 =	vadd.s32 $0x5000, v12;
	v49 =	vadd.s32 $0x2800, v21;
	v31 =	vunpack.i.l.bf16.f32 v13;
	[tilespmem:v45+s16+$0x0] =	vst.idx.add.f32.msk $0xffff, v8  }
0xa1: {  	v13 =	vunpack.i.u.bf16.f32 v13;
	v8 =	vsub.f32 v55, v56;
	v16 =	vor.u32 v54, v35;
	v57 =	vld.idx.msk [tilespmem:v34+s2+$0x0], $0xffff  }
0xa2: {  	v20 =	vmul.f32 v62, v31;
	v35 =	vadd.s32 $0x7800, v21;
	v55 =	vand.u32 $0x7F, v28;
	v60 =	vld.idx.msk [tilespmem:v48+s2+$0x0], $0xffff  }
0xa3: {  	v32 =	vunpack.i.l.bf16.f32 v18;
	v34 =	vmul.f32 v26, v31;
	v48 =	vunpack.i.l.bf16.f32 v7;
	v25 =	vld.idx.msk [tilespmem:v39+s2+$0x0], $0xffff  }
0xa4: {  	v22 =	vld.idx.msk [tilespmem:v22+s2+$0x0], $0xffff;
	v18 =	vunpack.i.u.bf16.f32 v18;
	v33 =	vmul.f32 v62, v32;
	v42 =	vmul.f32 v26, v32  }
0xa5: {  	v7 =	vunpack.i.u.bf16.f32 v7;
	v27 =	vld.idx.msk [tilespmem:v63+s2+$0x0], $0xffff;
	v46 =	vunpack.i.l.bf16.f32 v4;
	v63 =	vadd.s32 $0x7800, v12  }
0xa6: {  	v30 =	vld [tilespmem:s24+$0x10];
	v4 =	vunpack.i.u.bf16.f32 v4;
	v44 =	vadd.f32 v34, v33;
	v45 =	vmul.f32 v42, v0  }
0xa7: {  	[tilespmem:v12+s16+$0x0] =	vst.idx.add.f32.msk $0xffff, v9;
	v47 =	vmul.f32 v42, v1;
	v56 =	vand.u32 $0xFFFF, v5;
	v40 =	vmul.f32 v57, v36  }
0xa8: {  	v32 =	vld [tilespmem:s21+$0x30];
	v58 =	vadd.s32 $0x2800, v56;
	v41 =	vmul.f32 v60, v15;
	v11 =	vmul.f32 v60, v36  }
0xa9: {  	v16 =	vld.idx.msk [tilespmem:v16+s2+$0x0], $0xffff;
	v15 =	vmul.f32 v57, v15;
	v26 =	vmul.f32 v44, v0;
	v20 =	vsub.f32 v20, v45  }
0xaa: {  	[tilespmem:v14+s16+$0x0] =	vst.idx.add.f32.msk $0xffff, v10;
	v36 =	vand.u32 $0xFFFF, v28;
	v61 =	vmul.f32 v25, v17;
	v62 =	vmul.f32 v22, v24  }
0xab: {  	[tilespmem:v19+s16+$0x0] =	vst.idx.add.f32.msk $0xffff, v8;
	v59 =	vand.u32 $0x1FF80, v58;
	v24 =	vmul.f32 v25, v24;
	v50 =	vmul.f32 v27, v46  }
0xac: {  	v27 =	vmul.f32 v27, v48;
	v53 =	vadd.s32 $0x2800, v36;
	[tilespmem:v63+s16+$0x0] =	vst.idx.add.f32.msk $0xffff, v6;
	v26 =	vadd.f32 v26, v47  }
0xad: {  	v43 =	vadd.f32 v41, v40;
	[tilespmem:v21+s16+$0x0] =	vst.idx.add.f32.msk $0xffff, v20;
	v54 =	vand.u32 $0x1FF80, v53;
	v57 =	vmul.f32 v11, v0  }
0xae: {  	v42 =	vadd.s32 $0x7800, v36;
	v20 =	vor.u32 v55, v54;
	v52 =	vmul.f32 v16, v48;
	[tilespmem:v49+s16+$0x0] =	vst.idx.add.f32.msk $0xffff, v26  }
0xaf: {  	v11 =	vmul.f32 v11, v1;
	v40 =	vadd.s32 $0x5000, v36;
	v23 =	vmul.f32 v43, v0;
	v41 =	vld.idx.msk [tilespmem:v36+s2+$0x0], $0xffff  }
0xb0: {  	v29 =	vand.u32 $0x1FF80, v42;
	v16 =	vmul.f32 v16, v46;
	v36 =	vld [tilespmem:s21+$0x530];
	v31 =	vsub.f32 v50, v52  }
0xb1: {  	v25 =	vand.u32 $0x1FF80, v40;
	v21 =	vor.u32 v55, v29;
	v11 =	vadd.f32 v23, v11;
	v23 =	vld [tilespmem:s21+$0x2B0]  }
0xb2: {  	v60 =	vand.u32 $0x7F, v5;
	v25 =	vor.u32 v55, v25;
	v16 =	vadd.f32 v16, v27;
	[tilespmem:v51+s16+$0x0] =	vst.idx.add.f32.msk $0xffff, v31  }
0xb3: {  	v17 =	vmul.f32 v22, v17;
	v44 =	vadd.s32 $0x5000, v56;
	v46 =	vadd.s32 $0x7800, v56;
	v20 =	vld.idx.msk [tilespmem:v20+s2+$0x0], $0xffff  }
0xb4: {  	v28 =	vshra.s32 v28, $0x10;
	v29 =	vand.u32 $0x1FF80, v46;
	[tilespmem:v35+s16+$0x0] =	vst.idx.add.f32.msk $0xffff, v16;
	v16 =	vor.u32 v60, v59  }
0xb5: {  	v45 =	vand.u32 $0x1FF80, v44;
	v63 =	vadd.s32 $0x7800, v28;
	v27 =	vor.u32 v60, v29;
	v29 =	vld [tilespmem:s21+$0x7B0]  }
0xb6: {  	v17 =	vadd.f32 v17, v24;
	v24 =	vor.u32 v60, v45;
	v53 =	vadd.s32 $0x2800, v28;
	v21 =	vld.idx.msk [tilespmem:v21+s2+$0x0], $0xffff  }
0xb7: {  	v15 =	vsub.f32 v15, v57;
	v26 =	vsub.f32 v61, v62;
	v25 =	vld.idx.msk [tilespmem:v25+s2+$0x0], $0xffff;
	v47 =	vunpack.i.l.bf16.f32 v23  }
0xb8: {  	v48 =	vunpack.i.l.bf16.f32 v32;
	v61 =	vadd.s32 $0x5000, v28;
	v34 =	vmul.f32 v41, v47  }
0xb9: {  	v59 =	vand.u32 $0xFFFF, v30;
	v37 =	vmul.f32 v20, v47;
	v20 =	vmul.f32 v20, v48;
	v16 =	vld.idx.msk [tilespmem:v16+s2+$0x0], $0xffff  }
0xba: {  	v43 =	vld.idx.msk [tilespmem:v56+s2+$0x0], $0xffff;
	v22 =	vmul.f32 v41, v48;
	v56 =	vunpack.i.l.bf16.f32 v36;
	v57 =	vunpack.i.l.bf16.f32 v29  }
0xbb: {  	v8 =	vmul.f32 v21, v57;
	v20 =	vadd.f32 v20, v34;
	v50 =	vmul.f32 v37, v0  }
0xbc: {  	[tilespmem:v3+s16+$0x0] =	vst.idx.add.f32.msk $0xffff, v15;
	v62 =	vadd.s32 $0x2800, v59;
	v58 =	vmul.f32 v25, v56;
	v60 =	vmul.f32 v25, v57  }
0xbd: {  	v52 =	vmul.f32 v37, v1;
	v51 =	vmul.f32 v20, v0;
	v55 =	vsub.f32 v22, v50  }
0xbe: {  	v31 =	vld.idx.msk [tilespmem:v24+s2+$0x0], $0xffff;
	v25 =	vand.u32 $0x1FF80, v62;
	v49 =	vmul.f32 v16, v18;
	v54 =	vmul.f32 v16, v13  }
0xbf: {  	v9 =	vadd.f32 v51, v52;
	v16 =	vmul.f32 v21, v56;
	[tilespmem:v28+s16+$0x0] =	vst.idx.add.f32.msk $0xffff, v55;
	v28 =	vand.u32 $0x7F, v30  }
0xc0: {  	v5 =	vshra.s32 v5, $0x10;
	v37 =	vld.idx.msk [tilespmem:v27+s2+$0x0], $0xffff;
	v8 =	vsub.f32 v58, v8;
	v20 =	vor.u32 v28, v25  }
0xc1: {  	v35 =	vadd.s32 $0x2800, v3;
	v42 =	vadd.s32 $0x7800, v59;
	[tilespmem:v53+s16+$0x0] =	vst.idx.add.f32.msk $0xffff, v9;
	v33 =	vadd.f32 v16, v60  }
0xc2: {  	v3 =	vadd.s32 $0x7800, v3;
	v40 =	vadd.s32 $0x5000, v59;
	v12 =	vand.u32 $0x1FF80, v42;
	[tilespmem:v61+s16+$0x0] =	vst.idx.add.f32.msk $0xffff, v8  }
0xc3: {  	v41 =	vand.u32 $0x1FF80, v40;
	v47 =	vadd.s32 $0x2800, v5;
	v48 =	vunpack.i.u.bf16.f32 v23;
	[tilespmem:v63+s16+$0x0] =	vst.idx.add.f32.msk $0xffff, v33  }
0xc4: {  	v57 =	vunpack.i.u.bf16.f32 v29;
	v18 =	vmul.f32 v43, v18;
	v12 =	vor.u32 v28, v12;
	v6 =	vld.idx.msk [tilespmem:v59+s2+$0x0], $0xffff  }
0xc5: {  	v44 =	vmul.f32 v31, v4;
	v50 =	vunpack.i.u.bf16.f32 v32;
	v9 =	vor.u32 v28, v41;
	v20 =	vld.idx.msk [tilespmem:v20+s2+$0x0], $0xffff  }
0xc6: {  	[tilespmem:v35+s16+$0x0] =	vst.idx.add.f32.msk $0xffff, v11;
	v13 =	vmul.f32 v43, v13;
	v52 =	vadd.s32 $0x7800, v5;
	v10 =	vadd.f32 v54, v18  }
0xc7: {  	[tilespmem:v38+s16+$0x0] =	vst.idx.add.f32.msk $0xffff, v26;
	v55 =	vshra.s32 v30, $0x10;
	v45 =	vmul.f32 v37, v7;
	v39 =	vmul.f32 v49, v0  }
0xc8: {  	[tilespmem:v3+s16+$0x0] =	vst.idx.add.f32.msk $0xffff, v17;
	v43 =	vmul.f32 v49, v1;
	v49 =	vadd.s32 $0x5000, v5;
	v10 =	vmul.f32 v10, v0  }
0xc9: {  	v7 =	vmul.f32 v31, v7;
	v3 =	vmul.f32 v37, v4;
	v8 =	vsub.f32 v13, v39;
	v12 =	vld.idx.msk [tilespmem:v12+s2+$0x0], $0xffff  }
0xca: {  	v10 =	vadd.f32 v10, v43;
	v9 =	vld.idx.msk [tilespmem:v9+s2+$0x0], $0xffff;
	v13 =	vmul.f32 v6, v48;
	v53 =	vmul.f32 v20, v50  }
0xcb: {  	v56 =	vunpack.i.u.bf16.f32 v36;
	v46 =	vsub.f32 v44, v45;
	[tilespmem:v5+s16+$0x0] =	vst.idx.add.f32.msk $0xffff, v8;
	v51 =	vmul.f32 v20, v48  }
0xcc: {  	v58 =	vadd.s32 $0x2800, v55;
	v3 =	vadd.f32 v3, v7;
	[tilespmem:v47+s16+$0x0] =	vst.idx.add.f32.msk $0xffff, v10;
	v13 =	vadd.f32 v53, v13  }
0xcd: {  	v61 =	vadd.s32 $0x5000, v55;
	[tilespmem:v49+s16+$0x0] =	vst.idx.add.f32.msk $0xffff, v46;
	v6 =	vmul.f32 v6, v50;
	v54 =	vmul.f32 v51, v0  }
0xce: {  	s20 =	sadd.s32 $0x4, s20;
	v63 =	vadd.s32 $0x7800, v55;
	[tilespmem:v52+s16+$0x0] =	vst.idx.add.f32.msk $0xffff, v3;
	v60 =	vmul.f32 v51, v1;
	v59 =	vmul.f32 v13, v0  }
0xcf: {  	p0 =	slt.u32 s20, $0x24;
	v62 =	vmul.f32 v12, v57;
	v3 =	vmul.f32 v9, v56;
	v6 =	vsub.f32 v6, v54  }
.Ltmp1:
0xd0: {  	v8 =	vmul.f32 v12, v56;
	v4 =	vmul.f32 v9, v57;
	v10 =	vadd.f32 v59, v60;
	(pc) =	sbr.rel @p0 .LBB2_5-.Ltmp1, $4  }
0xd1: {  	v3 =	vsub.f32 v3, v62;
	[tilespmem:v55+s16+$0x0] =	vst.idx.add.f32.msk $0xffff, v6  }
0xd2: {  	v4 =	vadd.f32 v8, v4;
	[tilespmem:v58+s16+$0x0] =	vst.idx.add.f32.msk $0xffff, v10  }
0xd3: {  	s26 =	sadd.s32 $0x40, s26;
	[tilespmem:v61+s16+$0x0] =	vst.idx.add.f32.msk $0xffff, v3  }
0xd4: {  	s25 =	sadd.s32 $0x40, s25;
	s24 =	sadd.s32 $0x40, s24;
	s21 =	sadd.s32 $0x40, s21;
	[tilespmem:v63+s16+$0x0] =	vst.idx.add.f32.msk $0xffff, v4  }
0xd5: {  	p0 =	seq.s32 s19, $0x7C  }
0xd6: {  	s20 =	smul.u32 @!p0 $0x500, s19;
	_ =	sdelay $0x1  }
0xd7: {  	s21 =	sadd.s32 @!p0 $0x500, s20  }
0xd8: {  	s25 =	simm.s32 @!p0 $0x0;
	s20 =	sshrl.u32 @!p0 s20, $0x3;
	s24 =	sshrl.u32 @!p0 s21, $0x3  }
0xd9: {  	s26 =	simm.s32 @!p0 $0x16800;
	s20 =	sadd.s32 @!p0 s1, s20;
	s24 =	sadd.s32 @!p0 s1, s24  }
0xda: {  	[tilespmem:s26], [sflag:$0x1] =	stream.linear.gather @!p0 [hbm4b:s24+s25], $0x280, $0x38;
	[tilespmem:$0x18600] =	vst v63  }
0xdb: {  	s20 =	sadd.s32 @!p0 $0x4EC0, s20;
	s24 =	sadd.s32 @!p0 s8, s21;
	s26 =	simm.s32 @!p0 $0x16D00  }
0xdc: {  	[tilespmem:s26], [sflag:$0x1] =	stream.linear.gather @!p0 [hbm4b:s20+s25], $0x280, $0x38;
	[tilespmem:$0x18600] =	vst v63  }
0xdd: {  	s20 =	sshrl.u32 @!p0 s24, $0x3  }
0xde: {  	s24 =	sadd.s32 @!p0 s10, s21;
	s26 =	simm.s32 @!p0 $0x17200;
	s20 =	sadd.s32 @!p0 s4, s20  }
0xdf: {  	[tilespmem:s26], [sflag:$0x1] =	stream.linear.gather @!p0 [hbm4b:s20+s25], $0x280, $0x38;
	[tilespmem:$0x18600] =	vst v63  }
0xe0: {  	s20 =	sshrl.u32 @!p0 s24, $0x3  }
0xe1: {  	s24 =	sadd.s32 @!p0 s12, s21;
	s26 =	simm.s32 @!p0 $0x17480;
	s20 =	sadd.s32 @!p0 s4, s20  }
0xe2: {  	[tilespmem:s26], [sflag:$0x1] =	stream.linear.gather @!p0 [hbm4b:s20+s25], $0x280, $0x38;
	[tilespmem:$0x18600] =	vst v63  }
0xe3: {  	s20 =	sshrl.u32 @!p0 s24, $0x3  }
0xe4: {  	s21 =	sadd.s32 @!p0 s13, s21;
	s24 =	simm.s32 @!p0 $0x17700;
	s20 =	sadd.s32 @!p0 s4, s20  }
0xe5: {  	[tilespmem:s24], [sflag:$0x1] =	stream.linear.gather @!p0 [hbm4b:s20+s25], $0x280, $0x38;
	[tilespmem:$0x18600] =	vst v63  }
0xe6: {  	s20 =	sshrl.u32 @!p0 s21, $0x3  }
0xe7: {  	s21 =	simm.s32 @!p0 $0x17980;
	s20 =	sadd.s32 @!p0 s4, s20  }
0xe8: {  	[tilespmem:s21], [sflag:$0x1] =	stream.linear.gather @!p0 [hbm4b:s20+s25], $0x280, $0x38;
	[tilespmem:$0x18600] =	vst v63  }
0xe9: {  	_ =	swait.ge [sflag:s17], $0x280  }
0xea: {  	[sflag:s17] =	ssyncset.done $0x0  }
0xeb: {  	[sflag:s17] =	ssyncadd.s32 $0xFFFFFD80  }
0xec: {  	_ =	swait.ge [sflag:s17], $0x280  }
0xed: {  	[sflag:s17] =	ssyncset.done $0x0  }
0xee: {  	[sflag:s17] =	ssyncadd.s32 $0xFFFFFD80  }
0xef: {  	_ =	swait.ge [sflag:s17], $0x280  }
0xf0: {  	[sflag:s17] =	ssyncset.done $0x0  }
0xf1: {  	[sflag:s17] =	ssyncadd.s32 $0xFFFFFD80  }
0xf2: {  	_ =	swait.ge [sflag:s17], $0x280  }
0xf3: {  	[sflag:s17] =	ssyncset.done $0x0  }
0xf4: {  	[sflag:s17] =	ssyncadd.s32 $0xFFFFFD80  }
0xf5: {  	_ =	swait.ge [sflag:s17], $0x280  }
0xf6: {  	[sflag:s17] =	ssyncset.done $0x0  }
0xf7: {  	[sflag:s17] =	ssyncadd.s32 $0xFFFFFD80  }
0xf8: {  	_ =	swait.ge [sflag:s17], $0x280  }
0xf9: {  	[sflag:s17] =	ssyncset.done $0x0  }
0xfa: {  	s26 =	simm.s32 $0x16AB0;
	[sflag:s17] =	ssyncadd.s32 $0xFFFFFD80  }
0xfb: {  	v10 =	vld [tilespmem:s26+$0x0]  }
0xfc: {  	v4 =	vld [tilespmem:s26+$0xFFFFFFE0]  }
0xfd: {  	s21 =	simm.s32 $0x16FB0;
	v3 =	vld [tilespmem:s26+$0xFFFFFFF0]  }
0xfe: {  	s20 =	simm.s32 $0x183B0;
	v14 =	vld [tilespmem:s21+$0x0]  }
0xff: {  	s24 =	simm.s32 $0x0;
	v16 =	vld [tilespmem:s20+$0xFFFFF880]  }
0x100: {  	s28 =	sand.u32 $0x3C0, s24;
	v18 =	vld [tilespmem:s20+$0xFFFFFB00]  }
0x101: {  	v20 =	vld [tilespmem:s28+$0x16A80]  }
0x102: {  	v35 =	vld [tilespmem:s28+$0x18100]  }
0x103: {  	v38 =	vld [tilespmem:s28+$0x16F80]  }
0x104: {  	v36 =	vld [tilespmem:s28+$0x18380];
	v11 =	vand.u32 $0xFFFF, v10  }
0x105: {  	v6 =	vand.u32 $0xFFFF, v4;
	v5 =	vand.u32 $0x7F, v4;
	v15 =	vand.u32 $0x7F, v10  }
0x106: {  	v23 =	vand.u32 $0x7F, v14;
	v10 =	vshra.s32 v10, $0x10;
	v24 =	vand.u32 $0xFFFF, v14  }
0x107: {  	v25 =	vunpack.i.l.bf16.f32 v16;
	v26 =	vunpack.i.l.bf16.f32 v18;
	v29 =	vand.u32 $0xFFFF, v20  }
0x108: {  	v34 =	vand.u32 $0x7F, v20;
	v61 =	vand.u32 $0x7F, v38;
	v20 =	vshra.s32 v20, $0x10  }
0x109: {  	v48 =	vunpack.i.u.bf16.f32 v35;
	v49 =	vunpack.i.u.bf16.f32 v36;
	v57 =	vand.u32 $0x7F, v3  }
0x10a: {  	v4 =	vshra.s32 v4, $0x10;
	v7 =	vadd.s32 $0x5000, v11;
	v8 =	vadd.s32 $0x2800, v11  }
0x10b: {  	v27 =	vadd.s32 $0x5000, v24;
	v28 =	vadd.s32 $0x7800, v24;
	v8 =	vand.u32 $0x1FF80, v8  }
0x10c: {  	v30 =	vadd.s32 $0x2800, v10;
	v31 =	vadd.s32 $0x5000, v10;
	v19 =	vor.u32 v15, v8  }
0x10d: {  	v32 =	vadd.s32 $0x2800, v29;
	v33 =	vadd.s32 $0x2800, v24;
	v39 =	vadd.s32 $0x5000, v29  }
0x10e: {  	v42 =	vadd.s32 $0x7800, v29;
	v9 =	vand.u32 $0x1FF80, v7;
	v8 =	vadd.s32 $0x7800, v11  }
0x10f: {  	v44 =	vadd.s32 $0x5000, v20;
	v17 =	vor.u32 v15, v9;
	v22 =	vand.u32 $0x1FF80, v8  }
0x110: {  	v45 =	vadd.s32 $0x7800, v20;
	v7 =	vand.u32 $0xFFFF, v3;
	v15 =	vor.u32 v15, v22;
	v11 =	vld.idx.msk [tilespmem:v11+s2+$0x0], $0xffff  }
0x111: {  	v27 =	vand.u32 $0x1FF80, v27;
	v32 =	vand.u32 $0x1FF80, v32;
	v28 =	vand.u32 $0x1FF80, v28;
	v19 =	vld.idx.msk [tilespmem:v19+s2+$0x0], $0xffff  }
0x112: {  	v12 =	vld [tilespmem:s20+$0xFFFFFD80];
	v33 =	vand.u32 $0x1FF80, v33;
	v39 =	vand.u32 $0x1FF80, v39;
	v42 =	vand.u32 $0x1FF80, v42  }
0x113: {  	v13 =	vld [tilespmem:s20+$0x0];
	v3 =	vshra.s32 v3, $0x10;
	v9 =	vadd.s32 $0x2800, v6;
	v21 =	vadd.s32 $0x2800, v7  }
0x114: {  	v32 =	vor.u32 v34, v32;
	v27 =	vor.u32 v23, v27;
	v28 =	vor.u32 v23, v28;
	v17 =	vld.idx.msk [tilespmem:v17+s2+$0x0], $0xffff  }
0x115: {  	v39 =	vor.u32 v34, v39;
	v34 =	vor.u32 v34, v42;
	v15 =	vld.idx.msk [tilespmem:v15+s2+$0x0], $0xffff;
	v37 =	vmul.f32 v11, v25  }
0x116: {  	v41 =	vld [tilespmem:s28+$0x17C00];
	v58 =	vadd.s32 $0x5000, v7;
	v11 =	vmul.f32 v11, v26;
	v26 =	vmul.f32 v19, v26  }
0x117: {  	v9 =	vand.u32 $0x1FF80, v9;
	v8 =	vand.u32 $0x1FF80, v21;
	v29 =	vld.idx.msk [tilespmem:v29+s2+$0x0], $0xffff;
	v19 =	vmul.f32 v19, v25  }
0x118: {  	v21 =	vunpack.i.u.bf16.f32 v12;
	v12 =	vunpack.i.l.bf16.f32 v12;
	v55 =	vld.idx.msk [tilespmem:v7+s2+$0x0], $0xffff;
	v43 =	vmul.f32 v26, v0  }
0x119: {  	v22 =	vunpack.i.l.bf16.f32 v13;
	v32 =	vld.idx.msk [tilespmem:v32+s2+$0x0], $0xffff;
	v40 =	vmul.f32 v17, v12;
	v11 =	vadd.f32 v19, v11  }
0x11a: {  	v25 =	vld [tilespmem:s28+$0x17E80];
	v19 =	vmul.f32 v15, v22;
	v12 =	vmul.f32 v15, v12;
	v37 =	vsub.f32 v37, v43  }
0x11b: {  	v56 =	vor.u32 v5, v9;
	v34 =	vld.idx.msk [tilespmem:v34+s2+$0x0], $0xffff;
	v15 =	vmul.f32 v26, v1;
	v11 =	vmul.f32 v11, v0  }
0x11c: {  	v13 =	vunpack.i.u.bf16.f32 v13;
	v8 =	vor.u32 v57, v8;
	v17 =	vmul.f32 v17, v22;
	[tilespmem:v10+s16+$0x0] =	vst.idx.add.f32.msk $0xffff, v37  }
0x11d: {  	v7 =	vadd.s32 $0x7800, v7;
	v26 =	vunpack.i.l.bf16.f32 v41;
	v11 =	vadd.f32 v11, v15;
	v15 =	vld.idx.msk [tilespmem:v39+s2+$0x0], $0xffff  }
0x11e: {  	v12 =	vadd.f32 v12, v17;
	v17 =	vadd.s32 $0x7800, v10;
	v10 =	vunpack.i.l.bf16.f32 v35;
	v35 =	vld [tilespmem:s20+$0xFFFFFFE0]  }
0x11f: {  	v22 =	vor.u32 v23, v33;
	v63 =	vmul.f32 v32, v26;
	v60 =	vunpack.i.l.bf16.f32 v25;
	v39 =	vld [tilespmem:s21+$0xFFFFFFE0]  }
0x120: {  	v23 =	vunpack.i.l.bf16.f32 v36;
	v19 =	vsub.f32 v40, v19;
	v62 =	vmul.f32 v29, v60;
	[tilespmem:v30+s16+$0x0] =	vst.idx.add.f32.msk $0xffff, v11  }
0x121: {  	v47 =	vmul.f32 v34, v23;
	v42 =	vmul.f32 v32, v60;
	v37 =	vand.u32 $0x1FF80, v58;
	v30 =	vld [tilespmem:s20+$0xFFFFFD60]  }
0x122: {  	v43 =	vadd.s32 $0x2800, v20;
	v37 =	vor.u32 v57, v37;
	[tilespmem:v31+s16+$0x0] =	vst.idx.add.f32.msk $0xffff, v19;
	v19 =	vadd.f32 v63, v62  }
0x123: {  	v11 =	vand.u32 $0xFFFF, v38;
	[tilespmem:v17+s16+$0x0] =	vst.idx.add.f32.msk $0xffff, v12;
	v12 =	vmul.f32 v29, v26;
	v17 =	vmul.f32 v42, v0  }
0x124: {  	v46 =	vmul.f32 v42, v1;
	v26 =	vadd.s32 $0x2800, v11;
	v27 =	vld.idx.msk [tilespmem:v27+s2+$0x0], $0xffff;
	v19 =	vmul.f32 v19, v0  }
0x125: {  	v26 =	vand.u32 $0x1FF80, v26;
	v22 =	vld.idx.msk [tilespmem:v22+s2+$0x0], $0xffff;
	v12 =	vsub.f32 v12, v17;
	v17 =	vmul.f32 v15, v10  }
0x126: {  	v24 =	vld.idx.msk [tilespmem:v24+s2+$0x0], $0xffff;
	v15 =	vmul.f32 v15, v23;
	v10 =	vmul.f32 v34, v10;
	v23 =	vor.u32 v61, v26  }
0x127: {  	v28 =	vld.idx.msk [tilespmem:v28+s2+$0x0], $0xffff;
	v19 =	vadd.f32 v19, v46;
	v62 =	vunpack.i.l.bf16.f32 v30;
	v46 =	vunpack.i.l.bf16.f32 v35  }
0x128: {  	v17 =	vsub.f32 v17, v47;
	[tilespmem:v20+s16+$0x0] =	vst.idx.add.f32.msk $0xffff, v12;
	v10 =	vadd.f32 v10, v15;
	v20 =	vshra.s32 v14, $0x10  }
0x129: {  	v12 =	vunpack.i.u.bf16.f32 v16;
	v14 =	vadd.s32 $0x5000, v11;
	v15 =	vunpack.i.u.bf16.f32 v18;
	[tilespmem:v43+s16+$0x0] =	vst.idx.add.f32.msk $0xffff, v19  }
0x12a: {  	v16 =	vadd.s32 $0x7800, v11;
	v14 =	vand.u32 $0x1FF80, v14;
	[tilespmem:v44+s16+$0x0] =	vst.idx.add.f32.msk $0xffff, v17;
	v26 =	vmul.f32 v22, v12  }
0x12b: {  	v12 =	vmul.f32 v24, v12;
	[tilespmem:v45+s16+$0x0] =	vst.idx.add.f32.msk $0xffff, v10;
	v10 =	vor.u32 v61, v14;
	v14 =	vand.u32 $0x1FF80, v16  }
0x12c: {  	v16 =	vmul.f32 v27, v21;
	v21 =	vmul.f32 v28, v21;
	v19 =	vld.idx.msk [tilespmem:v11+s2+$0x0], $0xffff;
	v11 =	vor.u32 v61, v14  }
0x12d: {  	v18 =	vadd.s32 $0x2800, v20;
	v14 =	vmul.f32 v24, v15;
	v23 =	vld.idx.msk [tilespmem:v23+s2+$0x0], $0xffff;
	v15 =	vmul.f32 v22, v15  }
0x12e: {  	v29 =	vadd.s32 $0x7800, v20;
	v44 =	vld [tilespmem:s21+$0xFFFFFFF0];
	v22 =	vmul.f32 v28, v13;
	v13 =	vmul.f32 v27, v13  }
0x12f: {  	v28 =	vshra.s32 v38, $0x10;
	v38 =	vld [tilespmem:s20+$0xFFFFFFF0];
	v14 =	vadd.f32 v26, v14;
	v24 =	vmul.f32 v15, v0  }
0x130: {  	v22 =	vsub.f32 v16, v22;
	v15 =	vmul.f32 v15, v1;
	v16 =	vunpack.i.u.bf16.f32 v25;
	v26 =	vld.idx.msk [tilespmem:v10+s2+$0x0], $0xffff  }
0x131: {  	v14 =	vmul.f32 v14, v0;
	v10 =	vunpack.i.u.bf16.f32 v41;
	v25 =	vld.idx.msk [tilespmem:v11+s2+$0x0], $0xffff;
	v11 =	vmul.f32 v19, v16  }
0x132: {  	v24 =	vsub.f32 v12, v24;
	v12 =	vmul.f32 v23, v10;
	v23 =	vmul.f32 v23, v16;
	v16 =	vld [tilespmem:s20+$0xFFFFF870]  }
0x133: {  	v17 =	vadd.s32 $0x5000, v20;
	v21 =	vadd.f32 v21, v13;
	v27 =	vadd.f32 v14, v15;
	v14 =	vld [tilespmem:s20+$0xFFFFFAE0]  }
0x134: {  	v19 =	vmul.f32 v19, v10;
	v10 =	vadd.s32 $0x7800, v28;
	[tilespmem:v20+s16+$0x0] =	vst.idx.add.f32.msk $0xffff, v24;
	v20 =	vand.u32 $0xFFFF, v39  }
0x135: {  	v15 =	vld [tilespmem:s20+$0xFFFFFAF0];
	v50 =	vadd.f32 v12, v11;
	v11 =	vadd.s32 $0x2800, v28;
	v51 =	vmul.f32 v23, v0  }
0x136: {  	v12 =	vadd.s32 $0x5000, v28;
	v23 =	vmul.f32 v23, v1;
	[tilespmem:v18+s16+$0x0] =	vst.idx.add.f32.msk $0xffff, v27;
	v27 =	vand.u32 $0xFFFF, v44  }
0x137: {  	v32 =	vmul.f32 v50, v0;
	v19 =	vsub.f32 v19, v51;
	v53 =	vmul.f32 v26, v48  }
0x138: {  	v26 =	vmul.f32 v26, v49;
	[tilespmem:v17+s16+$0x0] =	vst.idx.add.f32.msk $0xffff, v22;
	v22 =	vadd.s32 $0x2800, v4;
	v54 =	vmul.f32 v25, v49  }
0x139: {  	v8 =	vld.idx.msk [tilespmem:v8+s2+$0x0], $0xffff;
	v25 =	vmul.f32 v25, v48;
	v60 =	vunpack.i.l.bf16.f32 v16;
	v48 =	vunpack.i.l.bf16.f32 v38  }
0x13a: {  	v52 =	vld.idx.msk [tilespmem:v6+s2+$0x0], $0xffff;
	v23 =	vadd.f32 v32, v23;
	v59 =	vunpack.i.l.bf16.f32 v14;
	v61 =	vunpack.i.l.bf16.f32 v15  }
0x13b: {  	v13 =	vld [tilespmem:s20+$0xFFFFF860];
	v51 =	vmul.f32 v55, v60;
	v9 =	vadd.f32 v25, v26;
	v25 =	vadd.s32 $0x5000, v6  }
0x13c: {  	v32 =	vld.idx.msk [tilespmem:v56+s2+$0x0], $0xffff;
	v15 =	vunpack.i.u.bf16.f32 v15;
	v6 =	vadd.s32 $0x7800, v6;
	v25 =	vand.u32 $0x1FF80, v25  }
0x13d: {  	v31 =	vsub.f32 v53, v54;
	v6 =	vand.u32 $0x1FF80, v6;
	v25 =	vor.u32 v5, v25  }
0x13e: {  	[tilespmem:v29+s16+$0x0] =	vst.idx.add.f32.msk $0xffff, v21;
	v18 =	vmul.f32 v8, v61;
	v5 =	vor.u32 v5, v6;
	v6 =	vand.u32 $0x1FF80, v7  }
0x13f: {  	v45 =	vmul.f32 v55, v61;
	v8 =	vmul.f32 v8, v60;
	v53 =	vld.idx.msk [tilespmem:v37+s2+$0x0], $0xffff;
	v6 =	vor.u32 v57, v6  }
0x140: {  	v26 =	vld [tilespmem:s20+$0xFFFFFD70];
	v63 =	vmul.f32 v52, v59;
	v7 =	vunpack.i.l.bf16.f32 v13;
	v55 =	vmul.f32 v18, v0  }
0x141: {  	v8 =	vadd.f32 v8, v45;
	v24 =	vmul.f32 v52, v7;
	v7 =	vmul.f32 v32, v7  }
0x142: {  	v60 =	vadd.s32 $0x2800, v3;
	v18 =	vmul.f32 v18, v1;
	v33 =	vmul.f32 v32, v59;
	v25 =	vld.idx.msk [tilespmem:v25+s2+$0x0], $0xffff  }
0x143: {  	v52 =	vadd.s32 $0x2800, v20;
	v8 =	vmul.f32 v8, v0;
	v7 =	vadd.f32 v7, v63;
	v5 =	vld.idx.msk [tilespmem:v5+s2+$0x0], $0xffff  }
0x144: {  	v34 =	vsub.f32 v51, v55;
	v59 =	vmul.f32 v53, v48;
	v54 =	vmul.f32 v33, v0;
	v6 =	vld.idx.msk [tilespmem:v6+s2+$0x0], $0xffff  }
0x145: {  	[tilespmem:v28+s16+$0x0] =	vst.idx.add.f32.msk $0xffff, v19;
	v47 =	vunpack.i.l.bf16.f32 v26;
	v33 =	vmul.f32 v33, v1;
	v7 =	vmul.f32 v7, v0  }
0x146: {  	[tilespmem:v11+s16+$0x0] =	vst.idx.add.f32.msk $0xffff, v23;
	v8 =	vadd.f32 v8, v18;
	v18 =	vadd.s32 $0x5000, v4;
	v19 =	vmul.f32 v53, v47  }
0x147: {  	v24 =	vsub.f32 v24, v54;
	v7 =	vadd.f32 v7, v33;
	v56 =	vmul.f32 v25, v62  }
0x148: {  	[tilespmem:v3+s16+$0x0] =	vst.idx.add.f32.msk $0xffff, v34;
	v57 =	vmul.f32 v5, v46;
	v17 =	vmul.f32 v25, v46;
	v25 =	vadd.s32 $0x7800, v4  }
0x149: {  	[tilespmem:v4+s16+$0x0] =	vst.idx.add.f32.msk $0xffff, v24;
	v5 =	vmul.f32 v5, v62;
	v4 =	vadd.s32 $0x5000, v3;
	v21 =	vmul.f32 v6, v48  }
0x14a: {  	[tilespmem:v60+s16+$0x0] =	vst.idx.add.f32.msk $0xffff, v8;
	v3 =	vadd.s32 $0x7800, v3;
	v6 =	vmul.f32 v6, v47;
	v58 =	vsub.f32 v56, v57  }
0x14b: {  	[tilespmem:v22+s16+$0x0] =	vst.idx.add.f32.msk $0xffff, v7;
	v5 =	vadd.f32 v5, v17;
	v17 =	vsub.f32 v19, v21;
	v19 =	vadd.s32 $0x2800, v27  }
0x14c: {  	v32 =	vand.u32 $0x1FF80, v52;
	v7 =	vand.u32 $0x1FF80, v19;
	v19 =	vand.u32 $0x7F, v39;
	[tilespmem:v18+s16+$0x0] =	vst.idx.add.f32.msk $0xffff, v58  }
0x14d: {  	v22 =	vand.u32 $0x7F, v44;
	v6 =	vadd.f32 v6, v59;
	v18 =	vor.u32 v19, v32;
	[tilespmem:v25+s16+$0x0] =	vst.idx.add.f32.msk $0xffff, v5  }
0x14e: {  	v24 =	vadd.s32 $0x5000, v27;
	v21 =	vadd.s32 $0x5000, v20;
	v7 =	vor.u32 v22, v7;
	[tilespmem:v4+s16+$0x0] =	vst.idx.add.f32.msk $0xffff, v17  }
0x14f: {  	v8 =	vand.u32 $0x1FF80, v21;
	v21 =	vadd.s32 $0x7800, v27;
	v5 =	vadd.s32 $0x7800, v20;
	[tilespmem:v3+s16+$0x0] =	vst.idx.add.f32.msk $0xffff, v6  }
0x150: {  	v4 =	vor.u32 v19, v8;
	v8 =	vand.u32 $0x1FF80, v24;
	v17 =	vand.u32 $0x1FF80, v21;
	v6 =	vld.idx.msk [tilespmem:v20+s2+$0x0], $0xffff  }
0x151: {  	v25 =	vunpack.i.u.bf16.f32 v16;
	v16 =	vshra.s32 v39, $0x10;
	v5 =	vand.u32 $0x1FF80, v5;
	v27 =	vld.idx.msk [tilespmem:v27+s2+$0x0], $0xffff  }
0x152: {  	v3 =	vunpack.i.u.bf16.f32 v13;
	v24 =	vor.u32 v22, v8;
	v20 =	vunpack.i.u.bf16.f32 v14;
	v18 =	vld.idx.msk [tilespmem:v18+s2+$0x0], $0xffff  }
0x153: {  	v22 =	vor.u32 v22, v17;
	v14 =	vunpack.i.u.bf16.f32 v26;
	v21 =	vor.u32 v19, v5;
	v26 =	vld.idx.msk [tilespmem:v7+s2+$0x0], $0xffff  }
0x154: {  	[tilespmem:v12+s16+$0x0] =	vst.idx.add.f32.msk $0xffff, v31;
	v13 =	vunpack.i.u.bf16.f32 v30;
	v17 =	vunpack.i.u.bf16.f32 v38;
	v11 =	vadd.s32 $0x2800, v16  }
0x155: {  	v8 =	vadd.s32 $0x5000, v16;
	v19 =	vunpack.i.u.bf16.f32 v35;
	v12 =	vld.idx.msk [tilespmem:v4+s2+$0x0], $0xffff;
	v61 =	vmul.f32 v6, v3  }
0x156: {  	v5 =	vshra.s32 v44, $0x10;
	v62 =	vmul.f32 v6, v20;
	v23 =	vmul.f32 v27, v25  }
0x157: {  	[tilespmem:v10+s16+$0x0] =	vst.idx.add.f32.msk $0xffff, v9;
	v7 =	vadd.s32 $0x7800, v16;
	v9 =	vmul.f32 v27, v15;
	v4 =	vmul.f32 v18, v3  }
0x158: {  	v6 =	vadd.s32 $0x2800, v5;
	v20 =	vmul.f32 v18, v20;
	v27 =	vmul.f32 v26, v15;
	v15 =	vld.idx.msk [tilespmem:v21+s2+$0x0], $0xffff  }
0x159: {  	v22 =	vld.idx.msk [tilespmem:v22+s2+$0x0], $0xffff;
	v3 =	vadd.s32 $0x5000, v5;
	v25 =	vmul.f32 v26, v25;
	v10 =	vadd.f32 v4, v62  }
0x15a: {  	v21 =	vld.idx.msk [tilespmem:v24+s2+$0x0], $0xffff;
	v24 =	vmul.f32 v12, v13;
	v4 =	vadd.s32 $0x7800, v5;
	v63 =	vmul.f32 v20, v0  }
0x15b: {  	v18 =	vmul.f32 v20, v1;
	v26 =	vadd.f32 v25, v9;
	v20 =	vmul.f32 v10, v0  }
0x15c: {  	s25 =	simm.s32 $0x0;
	s26 =	simm.s32 $0x16AF0;
	v25 =	vmul.f32 v27, v1;
	v10 =	vmul.f32 v27, v0;
	v9 =	vsub.f32 v61, v63  }
.LBB2_7:
0x15d: {  	v30 =	vld [tilespmem:s26+$0x0];
	v20 =	vadd.f32 v20, v18;
	v27 =	vmul.f32 v15, v19;
	v26 =	vmul.f32 v26, v0  }
0x15e: {  	v28 =	vmul.f32 v12, v19;
	v29 =	vmul.f32 v15, v13;
	v13 =	vsub.f32 v23, v10;
	v18 =	vld [tilespmem:s26+$0xFFFFFFE0]  }
0x15f: {  	v10 =	vmul.f32 v21, v14;
	v23 =	vmul.f32 v22, v17;
	v19 =	vld [tilespmem:s26+$0xFFFFFFF0];
	v12 =	vadd.f32 v26, v25  }
0x160: {  	v17 =	vmul.f32 v21, v17;
	v21 =	vmul.f32 v22, v14;
	v15 =	vsub.f32 v24, v27  }
0x161: {  	s20 =	sadd.s32 $0x40, s20;
	v14 =	vadd.f32 v29, v28;
	v10 =	vsub.f32 v10, v23;
	[tilespmem:v16+s16+$0x0] =	vst.idx.add.f32.msk $0xffff, v9  }
0x162: {  	v9 =	vadd.f32 v21, v17;
	v22 =	vand.u32 $0xFFFF, v30;
	v32 =	vld [tilespmem:s20+$0xFFFFFD80]  }
0x163: {  	s21 =	sadd.s32 $0x40, s21;
	v24 =	vand.u32 $0xFFFF, v18;
	v23 =	vand.u32 $0x7F, v18;
	v31 =	vld [tilespmem:s20+$0x0];
	v16 =	vadd.s32 $0x5000, v22  }
0x164: {  	v21 =	vand.u32 $0x7F, v30;
	v17 =	vadd.s32 $0x2800, v22;
	v29 =	vld [tilespmem:s21+$0x0];
	v16 =	vand.u32 $0x1FF80, v16  }
0x165: {  	s24 =	sadd.s32 $0x40, s24;
	v25 =	vand.u32 $0xFFFF, v19;
	v17 =	vand.u32 $0x1FF80, v17;
	v33 =	vld [tilespmem:s20+$0xFFFFF880];
	v35 =	vor.u32 v21, v16  }
0x166: {  	s28 =	sand.u32 $0x3C0, s24;
	v26 =	vadd.s32 $0x7800, v22;
	v16 =	vadd.s32 $0x2800, v24;
	v17 =	vor.u32 v21, v17;
	v34 =	vld [tilespmem:s20+$0xFFFFFB00]  }
0x167: {  	v36 =	vand.u32 $0x1FF80, v26;
	v28 =	vadd.s32 $0x2800, v25;
	v27 =	vand.u32 $0x1FF80, v16;
	v37 =	vld [tilespmem:s28+$0x16A80]  }
0x168: {  	v21 =	vor.u32 v21, v36;
	v26 =	vand.u32 $0x1FF80, v28;
	v28 =	vunpack.i.u.bf16.f32 v32;
	v16 =	vld [tilespmem:s20+$0xFFFFF860]  }
0x169: {  	v38 =	vunpack.i.l.bf16.f32 v32;
	v39 =	vunpack.i.l.bf16.f32 v31;
	v22 =	vld.idx.msk [tilespmem:v22+s2+$0x0], $0xffff;
	v40 =	vand.u32 $0x7F, v29  }
0x16a: {  	v41 =	vshra.s32 v30, $0x10;
	v42 =	vand.u32 $0xFFFF, v29;
	v43 =	vunpack.i.l.bf16.f32 v33;
	v44 =	vld.idx.msk [tilespmem:v35+s2+$0x0], $0xffff  }
0x16b: {  	s25 =	sadd.s32 $0x4, s25;
	v30 =	vadd.s32 $0x5000, v42;
	v32 =	vadd.s32 $0x7800, v42;
	v45 =	vunpack.i.l.bf16.f32 v34;
	v46 =	vld.idx.msk [tilespmem:v17+s2+$0x0], $0xffff  }
0x16c: {  	p1 =	slt.u32 s25, $0x24;
	v48 =	vadd.s32 $0x2800, v41;
	v49 =	vadd.s32 $0x5000, v41;
	v47 =	vand.u32 $0xFFFF, v37;
	v17 =	vld [tilespmem:s20+$0xFFFFFAE0]  }
0x16d: {  	v36 =	vadd.s32 $0x2800, v42;
	v50 =	vand.u32 $0x1FF80, v30;
	v35 =	vadd.s32 $0x2800, v47;
	v21 =	vld.idx.msk [tilespmem:v21+s2+$0x0], $0xffff  }
0x16e: {  	v52 =	vand.u32 $0x1FF80, v32;
	v51 =	vand.u32 $0x7F, v37;
	v30 =	vld [tilespmem:s28+$0x18100];
	v35 =	vand.u32 $0x1FF80, v35  }
0x16f: {  	v54 =	vand.u32 $0x1FF80, v36;
	v50 =	vor.u32 v40, v50;
	v32 =	vld [tilespmem:s28+$0x18380];
	v53 =	vor.u32 v51, v35  }
0x170: {  	v52 =	vor.u32 v40, v52;
	v55 =	vmul.f32 v22, v43;
	v22 =	vmul.f32 v22, v45;
	v35 =	vld [tilespmem:s28+$0x16F80]  }
0x171: {  	v56 =	vadd.s32 $0x5000, v47;
	v57 =	vmul.f32 v44, v38;
	v45 =	vmul.f32 v46, v45;
	v36 =	vld [tilespmem:s28+$0x17C00]  }
0x172: {  	v59 =	vadd.s32 $0x7800, v47;
	v56 =	vand.u32 $0x1FF80, v56;
	v43 =	vmul.f32 v46, v43;
	v58 =	vld [tilespmem:s28+$0x17E80]  }
0x173: {  	v46 =	vld.idx.msk [tilespmem:v47+s2+$0x0], $0xffff;
	v47 =	vor.u32 v51, v56;
	v56 =	vand.u32 $0x1FF80, v59;
	v59 =	vmul.f32 v45, v0  }
0x174: {  	v43 =	vadd.f32 v43, v22;
	v53 =	vld.idx.msk [tilespmem:v53+s2+$0x0], $0xffff;
	v51 =	vor.u32 v51, v56;
	v56 =	vmul.f32 v21, v39  }
0x175: {  	v38 =	vmul.f32 v21, v38;
	v39 =	vmul.f32 v44, v39;
	v22 =	vld [tilespmem:s20+$0xFFFFF870];
	v55 =	vsub.f32 v55, v59  }
0x176: {  	v40 =	vor.u32 v40, v54;
	v43 =	vmul.f32 v43, v0;
	v44 =	vmul.f32 v45, v1;
	v21 =	vld [tilespmem:s20+$0xFFFFFAF0]  }
0x177: {  	v45 =	vsub.f32 v57, v56;
	v38 =	vadd.f32 v38, v39;
	v39 =	vadd.s32 $0x7800, v41;
	[tilespmem:v41+s16+$0x0] =	vst.idx.add.f32.msk $0xffff, v55  }
0x178: {  	v54 =	vunpack.i.l.bf16.f32 v32;
	v43 =	vadd.f32 v43, v44;
	v41 =	vunpack.i.l.bf16.f32 v30;
	v47 =	vld.idx.msk [tilespmem:v47+s2+$0x0], $0xffff  }
0x179: {  	v44 =	vunpack.i.l.bf16.f32 v36;
	v56 =	vand.u32 $0x7F, v35;
	v55 =	vunpack.i.l.bf16.f32 v58;
	v51 =	vld.idx.msk [tilespmem:v51+s2+$0x0], $0xffff  }
0x17a: {  	v37 =	vshra.s32 v37, $0x10;
	v57 =	vmul.f32 v46, v55;
	v59 =	vmul.f32 v53, v44;
	[tilespmem:v48+s16+$0x0] =	vst.idx.add.f32.msk $0xffff, v43  }
0x17b: {  	v43 =	vand.u32 $0xFFFF, v35;
	v48 =	vmul.f32 v53, v55;
	v53 =	vadd.s32 $0x2800, v37;
	[tilespmem:v49+s16+$0x0] =	vst.idx.add.f32.msk $0xffff, v45  }
0x17c: {  	v55 =	vadd.s32 $0x7800, v37;
	v45 =	vadd.f32 v59, v57;
	v49 =	vadd.s32 $0x5000, v37;
	[tilespmem:v39+s16+$0x0] =	vst.idx.add.f32.msk $0xffff, v38  }
0x17d: {  	v38 =	vmul.f32 v46, v44;
	v39 =	vmul.f32 v48, v0;
	v44 =	vadd.s32 $0x2800, v43;
	v46 =	vld.idx.msk [tilespmem:v50+s2+$0x0], $0xffff  }
0x17e: {  	v48 =	vmul.f32 v48, v1;
	v45 =	vmul.f32 v45, v0;
	v44 =	vand.u32 $0x1FF80, v44;
	v50 =	vld.idx.msk [tilespmem:v52+s2+$0x0], $0xffff  }
0x17f: {  	v38 =	vsub.f32 v38, v39;
	v39 =	vmul.f32 v47, v41;
	v52 =	vmul.f32 v51, v54;
	v42 =	vld.idx.msk [tilespmem:v42+s2+$0x0], $0xffff  }
0x180: {  	v47 =	vmul.f32 v47, v54;
	v41 =	vmul.f32 v51, v41;
	v45 =	vadd.f32 v45, v48;
	v40 =	vld.idx.msk [tilespmem:v40+s2+$0x0], $0xffff  }
0x181: {  	v31 =	vunpack.i.u.bf16.f32 v31;
	v39 =	vsub.f32 v39, v52;
	[tilespmem:v37+s16+$0x0] =	vst.idx.add.f32.msk $0xffff, v38;
	v37 =	vor.u32 v56, v44  }
0x182: {  	v38 =	vadd.f32 v41, v47;
	v41 =	vshra.s32 v29, $0x10;
	v29 =	vunpack.i.u.bf16.f32 v33;
	[tilespmem:v53+s16+$0x0] =	vst.idx.add.f32.msk $0xffff, v45  }
0x183: {  	v34 =	vunpack.i.u.bf16.f32 v34;
	v33 =	vadd.s32 $0x5000, v43;
	[tilespmem:v49+s16+$0x0] =	vst.idx.add.f32.msk $0xffff, v39;
	v39 =	vadd.s32 $0x2800, v41  }
0x184: {  	v33 =	vand.u32 $0x1FF80, v33;
	v44 =	vadd.s32 $0x5000, v41;
	[tilespmem:v55+s16+$0x0] =	vst.idx.add.f32.msk $0xffff, v38;
	v38 =	vadd.s32 $0x7800, v43  }
0x185: {  	v45 =	vmul.f32 v46, v28;
	v33 =	vor.u32 v56, v33;
	v43 =	vld.idx.msk [tilespmem:v43+s2+$0x0], $0xffff;
	v38 =	vand.u32 $0x1FF80, v38  }
0x186: {  	v47 =	vmul.f32 v42, v34;
	v48 =	vmul.f32 v40, v29;
	v37 =	vld.idx.msk [tilespmem:v37+s2+$0x0], $0xffff;
	v38 =	vor.u32 v56, v38  }
0x187: {  	v51 =	vadd.s32 $0x7800, v41;
	v34 =	vmul.f32 v40, v34;
	v40 =	vmul.f32 v50, v31;
	v49 =	vld.idx.msk [tilespmem:v24+s2+$0x0], $0xffff  }
0x188: {  	v31 =	vmul.f32 v46, v31;
	v46 =	vmul.f32 v50, v28;
	v47 =	vadd.f32 v48, v47;
	v52 =	vld.idx.msk [tilespmem:v25+s2+$0x0], $0xffff  }
0x189: {  	v29 =	vmul.f32 v42, v29;
	v42 =	vmul.f32 v34, v0;
	v40 =	vsub.f32 v45, v40;
	v28 =	vld [tilespmem:s20+$0xFFFFFD60]  }
0x18a: {  	v34 =	vmul.f32 v34, v1;
	v31 =	vadd.f32 v46, v31;
	v45 =	vmul.f32 v47, v0;
	v33 =	vld.idx.msk [tilespmem:v33+s2+$0x0], $0xffff  }
0x18b: {  	v36 =	vunpack.i.u.bf16.f32 v36;
	v46 =	vunpack.i.u.bf16.f32 v58;
	v42 =	vsub.f32 v29, v42;
	v38 =	vld.idx.msk [tilespmem:v38+s2+$0x0], $0xffff  }
0x18c: {  	v47 =	vmul.f32 v43, v46;
	v48 =	vmul.f32 v37, v36;
	v34 =	vadd.f32 v45, v34;
	v29 =	vld [tilespmem:s20+$0xFFFFFFE0]  }
0x18d: {  	v35 =	vshra.s32 v35, $0x10;
	v45 =	vunpack.i.u.bf16.f32 v30;
	v30 =	vmul.f32 v37, v46;
	[tilespmem:v41+s16+$0x0] =	vst.idx.add.f32.msk $0xffff, v42  }
0x18e: {  	v32 =	vunpack.i.u.bf16.f32 v32;
	v37 =	vadd.f32 v48, v47;
	v41 =	vadd.s32 $0x2800, v35;
	[tilespmem:v39+s16+$0x0] =	vst.idx.add.f32.msk $0xffff, v34  }
0x18f: {  	v34 =	vmul.f32 v43, v36;
	v36 =	vmul.f32 v30, v0;
	v39 =	vadd.s32 $0x5000, v35;
	[tilespmem:v44+s16+$0x0] =	vst.idx.add.f32.msk $0xffff, v40  }
0x190: {  	v42 =	vadd.s32 $0x7800, v35;
	v37 =	vmul.f32 v37, v0;
	v40 =	vmul.f32 v30, v1;
	[tilespmem:v51+s16+$0x0] =	vst.idx.add.f32.msk $0xffff, v31  }
0x191: {  	v34 =	vsub.f32 v34, v36;
	v36 =	vmul.f32 v33, v45;
	v43 =	vmul.f32 v38, v32;
	v30 =	vld [tilespmem:s20+$0xFFFFFD70]  }
0x192: {  	v32 =	vmul.f32 v33, v32;
	v33 =	vmul.f32 v38, v45;
	v37 =	vadd.f32 v37, v40;
	v31 =	vld [tilespmem:s20+$0xFFFFFFF0]  }
0x193: {  	v27 =	vor.u32 v23, v27;
	v36 =	vsub.f32 v36, v43;
	[tilespmem:v35+s16+$0x0] =	vst.idx.add.f32.msk $0xffff, v34;
	v34 =	vand.u32 $0x7F, v19  }
0x194: {  	v32 =	vadd.f32 v33, v32;
	v33 =	vadd.s32 $0x5000, v24;
	[tilespmem:v41+s16+$0x0] =	vst.idx.add.f32.msk $0xffff, v37;
	v26 =	vor.u32 v34, v26  }
0x195: {  	v24 =	vadd.s32 $0x7800, v24;
	v35 =	vadd.s32 $0x5000, v25;
	v25 =	vadd.s32 $0x7800, v25;
	[tilespmem:v39+s16+$0x0] =	vst.idx.add.f32.msk $0xffff, v36  }
0x196: {  	v24 =	vand.u32 $0x1FF80, v24;
	[tilespmem:v42+s16+$0x0] =	vst.idx.add.f32.msk $0xffff, v32;
	v32 =	vand.u32 $0x1FF80, v33;
	v33 =	vand.u32 $0x1FF80, v35  }
0x197: {  	v35 =	vld [tilespmem:s21+$0xFFFFFFE0];
	v32 =	vor.u32 v23, v32;
	v23 =	vor.u32 v23, v24;
	v24 =	vand.u32 $0x1FF80, v25  }
0x198: {  	v25 =	vunpack.i.l.bf16.f32 v16;
	v33 =	vor.u32 v34, v33;
	v27 =	vld.idx.msk [tilespmem:v27+s2+$0x0], $0xffff;
	v24 =	vor.u32 v34, v24  }
0x199: {  	v37 =	vunpack.i.l.bf16.f32 v21;
	v36 =	vunpack.i.l.bf16.f32 v22;
	v34 =	vunpack.i.l.bf16.f32 v17;
	v26 =	vld.idx.msk [tilespmem:v26+s2+$0x0], $0xffff  }
0x19a: {  	v38 =	vunpack.i.l.bf16.f32 v28;
	v41 =	vmul.f32 v52, v37;
	v39 =	vmul.f32 v49, v34;
	v40 =	vld [tilespmem:s21+$0xFFFFFFF0]  }
0x19b: {  	v42 =	vunpack.i.l.bf16.f32 v29;
	v43 =	vunpack.i.l.bf16.f32 v30;
	v44 =	vunpack.i.l.bf16.f32 v31;
	[tilespmem:v11+s16+$0x0] =	vst.idx.add.f32.msk $0xffff, v20  }
0x19c: {  	v45 =	vmul.f32 v52, v36;
	v11 =	vand.u32 $0xFFFF, v35;
	v20 =	vld.idx.msk [tilespmem:v32+s2+$0x0], $0xffff;
	v32 =	vmul.f32 v49, v25  }
0x19d: {  	v18 =	vshra.s32 v18, $0x10;
	v19 =	vshra.s32 v19, $0x10;
	v23 =	vld.idx.msk [tilespmem:v23+s2+$0x0], $0xffff;
	v46 =	vadd.s32 $0x2800, v11  }
0x19e: {  	v34 =	vmul.f32 v27, v34;
	v25 =	vmul.f32 v27, v25;
	v27 =	vand.u32 $0x1FF80, v46;
	v33 =	vld.idx.msk [tilespmem:v33+s2+$0x0], $0xffff  }
0x19f: {  	v37 =	vmul.f32 v26, v37;
	v26 =	vmul.f32 v26, v36;
	v46 =	vand.u32 $0xFFFF, v40;
	v24 =	vld.idx.msk [tilespmem:v24+s2+$0x0], $0xffff  }
0x1a0: {  	v36 =	vmul.f32 v34, v0;
	v25 =	vadd.f32 v25, v39;
	v34 =	vmul.f32 v34, v1  }
0x1a1: {  	v39 =	vmul.f32 v37, v0;
	v26 =	vadd.f32 v26, v41;
	v37 =	vmul.f32 v37, v1  }
0x1a2: {  	v32 =	vsub.f32 v32, v36;
	v25 =	vmul.f32 v25, v0;
	v36 =	vmul.f32 v20, v38  }
0x1a3: {  	v41 =	vmul.f32 v23, v42;
	v39 =	vsub.f32 v45, v39;
	v26 =	vmul.f32 v26, v0  }
0x1a4: {  	v20 =	vmul.f32 v20, v42;
	v23 =	vmul.f32 v23, v38;
	v25 =	vadd.f32 v25, v34  }
0x1a5: {  	v34 =	vmul.f32 v33, v43;
	v26 =	vadd.f32 v26, v37;
	v37 =	vmul.f32 v24, v44  }
0x1a6: {  	v33 =	vmul.f32 v33, v44;
	v36 =	vsub.f32 v36, v41;
	v24 =	vmul.f32 v24, v43  }
0x1a7: {  	v20 =	vadd.f32 v23, v20;
	v23 =	vsub.f32 v34, v37;
	v34 =	vadd.s32 $0x2800, v46;
	[tilespmem:v19+s16+$0x0] =	vst.idx.add.f32.msk $0xffff, v39  }
0x1a8: {  	v24 =	vadd.f32 v24, v33;
	v33 =	vand.u32 $0x1FF80, v34;
	[tilespmem:v18+s16+$0x0] =	vst.idx.add.f32.msk $0xffff, v32;
	v32 =	vadd.s32 $0x2800, v18  }
0x1a9: {  	v37 =	vadd.s32 $0x2800, v19;
	v34 =	vadd.s32 $0x5000, v18;
	v18 =	vadd.s32 $0x7800, v18;
	[tilespmem:v8+s16+$0x0] =	vst.idx.add.f32.msk $0xffff, v15  }
0x1aa: {  	v38 =	vadd.s32 $0x7800, v19;
	v8 =	vand.u32 $0x7F, v35;
	v15 =	vadd.s32 $0x5000, v19;
	[tilespmem:v7+s16+$0x0] =	vst.idx.add.f32.msk $0xffff, v14  }
0x1ab: {  	v19 =	vand.u32 $0x7F, v40;
	v7 =	vor.u32 v8, v27;
	v14 =	vadd.s32 $0x5000, v11;
	[tilespmem:v5+s16+$0x0] =	vst.idx.add.f32.msk $0xffff, v13  }
0x1ac: {  	v27 =	vor.u32 v19, v33;
	v5 =	vadd.s32 $0x7800, v11;
	v13 =	vadd.s32 $0x5000, v46;
	[tilespmem:v6+s16+$0x0] =	vst.idx.add.f32.msk $0xffff, v12  }
0x1ad: {  	v6 =	vand.u32 $0x1FF80, v14;
	v5 =	vand.u32 $0x1FF80, v5;
	v12 =	vadd.s32 $0x7800, v46;
	[tilespmem:v32+s16+$0x0] =	vst.idx.add.f32.msk $0xffff, v25  }
0x1ae: {  	v25 =	vor.u32 v8, v6;
	v6 =	vand.u32 $0x1FF80, v13;
	v12 =	vand.u32 $0x1FF80, v12;
	[tilespmem:v34+s16+$0x0] =	vst.idx.add.f32.msk $0xffff, v36  }
0x1af: {  	v32 =	vunpack.i.u.bf16.f32 v16;
	[tilespmem:v18+s16+$0x0] =	vst.idx.add.f32.msk $0xffff, v20;
	v18 =	vor.u32 v8, v5;
	v20 =	vor.u32 v19, v6  }
0x1b0: {  	v33 =	vunpack.i.u.bf16.f32 v17;
	v34 =	vunpack.i.u.bf16.f32 v22;
	v22 =	vor.u32 v19, v12;
	[tilespmem:v37+s16+$0x0] =	vst.idx.add.f32.msk $0xffff, v26  }
0x1b1: {  	v13 =	vunpack.i.u.bf16.f32 v28;
	v19 =	vunpack.i.u.bf16.f32 v29;
	v26 =	vunpack.i.u.bf16.f32 v21;
	[tilespmem:v15+s16+$0x0] =	vst.idx.add.f32.msk $0xffff, v23  }
0x1b2: {  	v17 =	vunpack.i.u.bf16.f32 v31;
	v14 =	vunpack.i.u.bf16.f32 v30;
	v16 =	vshra.s32 v35, $0x10;
	[tilespmem:v38+s16+$0x0] =	vst.idx.add.f32.msk $0xffff, v24  }
0x1b3: {  	v8 =	vadd.s32 $0x5000, v16;
	v5 =	vshra.s32 v40, $0x10;
	v21 =	vld.idx.msk [tilespmem:v11+s2+$0x0], $0xffff;
	v11 =	vadd.s32 $0x2800, v16  }
0x1b4: {  	v6 =	vadd.s32 $0x2800, v5;
	v24 =	vadd.s32 $0x5000, v5;
	v23 =	vld.idx.msk [tilespmem:v7+s2+$0x0], $0xffff;
	v7 =	vadd.s32 $0x7800, v16  }
0x1b5: {  	v29 =	vadd.s32 $0x7800, v5;
	v28 =	vld.idx.msk [tilespmem:v46+s2+$0x0], $0xffff  }
0x1b6: {  	v27 =	vld.idx.msk [tilespmem:v27+s2+$0x0], $0xffff  }
0x1b7: {  	v12 =	vld.idx.msk [tilespmem:v25+s2+$0x0], $0xffff  }
0x1b8: {  	v15 =	vld.idx.msk [tilespmem:v18+s2+$0x0], $0xffff  }
0x1b9: {  	v25 =	vmul.f32 v21, v32;
	v18 =	vmul.f32 v21, v33;
	v21 =	vld.idx.msk [tilespmem:v20+s2+$0x0], $0xffff  }
0x1ba: {  	v20 =	vmul.f32 v23, v33;
	v30 =	vmul.f32 v23, v32;
	v22 =	vld.idx.msk [tilespmem:v22+s2+$0x0], $0xffff  }
.Ltmp2:
0x1bb: {  	v23 =	vmul.f32 v28, v34;
	v28 =	vmul.f32 v28, v26;
	[tilespmem:v3+s16+$0x0] =	vst.idx.add.f32.msk $0xffff, v10;
	v3 =	vmov v24;
	(pc) =	sbr.rel @p1 .LBB2_7-.Ltmp2, $4  }
0x1bc: {  	v10 =	vadd.f32 v30, v18;
	v30 =	vmul.f32 v27, v26;
	v24 =	vmul.f32 v27, v34  }
0x1bd: {  	v27 =	vmul.f32 v20, v0;
	v18 =	vmul.f32 v20, v1;
	[tilespmem:v4+s16+$0x0] =	vst.idx.add.f32.msk $0xffff, v9;
	v4 =	vmov v29  }
0x1be: {  	v20 =	vmul.f32 v10, v0;
	v10 =	vmul.f32 v30, v0;
	v26 =	vadd.f32 v24, v28  }
0x1bf: {  	s26 =	sadd.s32 $0x40, s26;
	v9 =	vsub.f32 v25, v27;
	v24 =	vmul.f32 v12, v13;
	v25 =	vmul.f32 v30, v1  }
0x1c0: {  	_ =	sdelay $0x1  }
0x1c1: {  	v27 =	vmul.f32 v15, v19;
	v26 =	vmul.f32 v26, v0  }
0x1c2: {  	v18 =	vadd.f32 v20, v18;
	v12 =	vmul.f32 v12, v19;
	v13 =	vmul.f32 v15, v13  }
0x1c3: {  	v10 =	vsub.f32 v23, v10;
	v58 =	vmul.f32 v21, v14;
	[tilespmem:v16+s16+$0x0] =	vst.idx.add.f32.msk $0xffff, v9  }
0x1c4: {  	v59 =	vmul.f32 v22, v17;
	v56 =	vsub.f32 v24, v27;
	[tilespmem:v11+s16+$0x0] =	vst.idx.add.f32.msk $0xffff, v18  }
0x1c5: {  	v60 =	vmul.f32 v21, v17;
	v57 =	vadd.f32 v26, v25;
	[tilespmem:v5+s16+$0x0] =	vst.idx.add.f32.msk $0xffff, v10  }
.Ltmp3:
0x1c6: {  	v61 =	vmul.f32 v22, v14;
	v12 =	vadd.f32 v13, v12;
	[tilespmem:v8+s16+$0x0] =	vst.idx.add.f32.msk $0xffff, v56;
	(pc) =	sbr.rel @p0 .LBB2_9-.Ltmp3, $4  }
0x1c7: {  	v62 =	vsub.f32 v58, v59;
	[tilespmem:v6+s16+$0x0] =	vst.idx.add.f32.msk $0xffff, v57  }
0x1c8: {  	v63 =	vadd.f32 v61, v60;
	[tilespmem:v7+s16+$0x0] =	vst.idx.add.f32.msk $0xffff, v12  }
0x1c9: {  	[tilespmem:v3+s16+$0x0] =	vst.idx.add.f32.msk $0xffff, v62  }
0x1ca: {  	[tilespmem:v4+s16+$0x0] =	vst.idx.add.f32.msk $0xffff, v63  }
0x1cb: {  	s20 =	smul.u32 $0x500, s19;
	_ =	sdelay $0x1  }
0x1cc: {  	s21 =	sadd.s32 $0x780, s20  }
0x1cd: {  	s20 =	sshrl.u32 s20, $0x3;
	s24 =	sshrl.u32 s21, $0x3  }
0x1ce: {  	s20 =	sadd.s32 s1, s20;
	s25 =	sadd.s32 s8, s21;
	s24 =	sadd.s32 s1, s24  }
0x1cf: {  	[tilespmem:s5], [sflag:$0x2] =	stream.linear.gather [hbm4b:s24+s2], $0x280, $0x38;
	[tilespmem:$0x18600] =	vst v63  }
0x1d0: {  	s28 =	sadd.s32 s10, s21;
	s20 =	sadd.s32 $0x4F10, s20;
	s26 =	sshrl.u32 s25, $0x3  }
0x1d1: {  	[tilespmem:s6], [sflag:$0x2] =	stream.linear.gather [hbm4b:s20+s2], $0x280, $0x38;
	[tilespmem:$0x18600] =	vst v63  }
0x1d2: {  	s24 =	sshrl.u32 s28, $0x3;
	s20 =	sadd.s32 s4, s26  }
0x1d3: {  	[tilespmem:s7], [sflag:$0x2] =	stream.linear.gather [hbm4b:s20+s2], $0x280, $0x38;
	[tilespmem:$0x18600] =	vst v63  }
0x1d4: {  	s25 =	sadd.s32 s12, s21;
	s20 =	sadd.s32 s4, s24  }
0x1d5: {  	[tilespmem:s9], [sflag:$0x2] =	stream.linear.gather [hbm4b:s20+s2], $0x280, $0x38;
	[tilespmem:$0x18600] =	vst v63  }
.Ltmp4:
0x1d6: {  	s21 =	sadd.s32 s13, s21;
	s26 =	sshrl.u32 s25, $0x3;
	(pc) =	sbr.rel .LBB2_4-.Ltmp4, $4  }
0x1d7: {  	s28 =	sshrl.u32 s21, $0x3;
	s20 =	sadd.s32 s4, s26  }
0x1d8: {  	[tilespmem:s11], [sflag:$0x2] =	stream.linear.gather [hbm4b:s20+s2], $0x280, $0x38;
	[tilespmem:$0x18600] =	vst v63  }
0x1d9: {  	s19 =	sadd.s32 $0x1, s19;
	s20 =	sadd.s32 s4, s28  }
0x1da: {  	[tilespmem:s14], [sflag:$0x2] =	stream.linear.gather [hbm4b:s20+s2], $0x280, $0x38;
	[tilespmem:$0x18600] =	vst v63  }
.LBB2_9:
0x1db: {  	s20 =	simm.s32 $0x14010  }
0x1dc: {  	s21 =	simm.s32 $0xA000;
	v9 =	vld [tilespmem:s20+$0xFFFFFFF0]  }
0x1dd: {  	v3 =	vld [tilespmem:s21+$0x0];
	_ =	sdelay $0x1  }
0x1de: {  	v4 =	vld [tilespmem:s20+$0x0]  }
0x1df: {  	v5 =	vld [tilespmem:s21+$0x10]  }
0x1e0: {  	v6 =	vld [tilespmem:s21+$0x2810]  }
0x1e1: {  	v7 =	vld [tilespmem:s21+$0x5010];
	v3 =	vmul.f32 v3, v9  }
0x1e2: {  	s19 =	simm.s32 $0x0;
	v8 =	vld [tilespmem:s21+$0x7810];
	s20 =	simm.s32 $0xA020  }
0x1e3: {  	s19 =	sand.u32 $0x3FE0, s19;
	v11 =	vld [tilespmem:s20+$0x0];
	[tilespmem:s21+$0x0] =	vst v3  }
0x1e4: {  	s24 =	simm.s32 $0x14030;
	v10 =	vld [tilespmem:s19+$0x11800]  }
0x1e5: {  	v5 =	vmul.f32 v5, v4;
	v3 =	vld [tilespmem:s24+$0xFFFFFFF0]  }
0x1e6: {  	v6 =	vmul.f32 v6, v4;
	v12 =	vld [tilespmem:s19+$0xC800]  }
0x1e7: {  	[tilespmem:s21+$0x10] =	vst v5;
	v5 =	vmul.f32 v7, v4;
	v13 =	vld [tilespmem:s19+$0xF000]  }
0x1e8: {  	[tilespmem:s21+$0x2810] =	vst v6;
	v6 =	vmul.f32 v8, v4;
	v4 =	vld [tilespmem:s24+$0x0]  }
0x1e9: {  	v7 =	vld [tilespmem:s20+$0x10];
	[tilespmem:s21+$0x5010] =	vst v5;
	v8 =	vmul.f32 v10, v9  }
0x1ea: {  	[tilespmem:s21+$0x7810] =	vst v6;
	v6 =	vld [tilespmem:s20+$0x2810];
	v10 =	vmul.f32 v11, v3  }
0x1eb: {  	s24 =	simm.s32 $0x20;
	v5 =	vld [tilespmem:s20+$0x5010];
	v11 =	vmul.f32 v12, v9;
	[tilespmem:s19+$0x11800] =	vst v8  }
0x1ec: {  	s28 =	sand.u32 $0x3FE0, s24;
	[tilespmem:s20+$0x0] =	vst v10;
	v8 =	vld [tilespmem:s20+$0x7810];
	v10 =	vmul.f32 v13, v9  }
0x1ed: {  	s25 =	simm.s32 $0x2;
	s26 =	simm.s32 $0x14050;
	s21 =	simm.s32 $0xA020;
	[tilespmem:s19+$0xC800] =	vst v11;
	v9 =	vld [tilespmem:s28+$0x11800]  }
.LBB2_10:
0x1ee: {  	v11 =	vld [tilespmem:s26+$0xFFFFFFF0];
	v7 =	vmul.f32 v7, v4;
	s20 =	sadd.s32 $0x20, s20;
	[tilespmem:s19+$0xF000] =	vst v10;
	s19 =	smov.u32 s28  }
0x1ef: {  	s25 =	sadd.s32 $0x2, s25;
	v10 =	vld [tilespmem:s20+$0x0];
	v6 =	vmul.f32 v6, v4  }
0x1f0: {  	p0 =	slt.u32 s25, $0x27E;
	v12 =	vld [tilespmem:s19+$0xC800];
	[tilespmem:s21+$0x10] =	vst v7;
	v5 =	vmul.f32 v5, v4  }
0x1f1: {  	v13 =	vld [tilespmem:s19+$0xF000];
	[tilespmem:s21+$0x2810] =	vst v6;
	v6 =	vmul.f32 v8, v4  }
0x1f2: {  	v4 =	vld [tilespmem:s26+$0x0];
	v8 =	vmul.f32 v9, v3;
	[tilespmem:s21+$0x5010] =	vst v5  }
.Ltmp5:
0x1f3: {  	v7 =	vld [tilespmem:s20+$0x10];
	[tilespmem:s21+$0x7810] =	vst v6;
	s21 =	smov.u32 s20;
	(pc) =	sbr.rel @p0 .LBB2_10-.Ltmp5, $4  }
0x1f4: {  	v9 =	vmul.f32 v10, v11;
	v6 =	vld [tilespmem:s20+$0x2810];
	[tilespmem:s19+$0x11800] =	vst v8  }
0x1f5: {  	s24 =	sadd.s32 $0x20, s24;
	v5 =	vld [tilespmem:s20+$0x5010];
	v12 =	vmul.f32 v12, v3  }
0x1f6: {  	s28 =	sand.u32 $0x3FE0, s24;
	[tilespmem:s20+$0x0] =	vst v9;
	v8 =	vld [tilespmem:s20+$0x7810];
	v10 =	vmul.f32 v13, v3;
	v3 =	vmov v11  }
0x1f7: {  	s26 =	sadd.s32 $0x20, s26;
	v9 =	vld [tilespmem:s28+$0x11800];
	[tilespmem:s19+$0xC800] =	vst v12  }
0x1f8: {  	v7 =	vmul.f32 v7, v4;
	v11 =	vld [tilespmem:s28+$0xC800]  }
0x1f9: {  	[tilespmem:s19+$0xF000] =	vst v10;
	v60 =	vld [tilespmem:s28+$0xF000];
	v6 =	vmul.f32 v6, v4  }
0x1fa: {  	[tilespmem:s21+$0x10] =	vst v7;
	v5 =	vmul.f32 v5, v4  }
0x1fb: {  	[tilespmem:s21+$0x2810] =	vst v6;
	v61 =	vmul.f32 v8, v4  }
0x1fc: {  	v62 =	vmul.f32 v9, v3;
	[tilespmem:s21+$0x5010] =	vst v5  }
0x1fd: {  	[tilespmem:s21+$0x7810] =	vst v61;
	v63 =	vmul.f32 v11, v3  }
0x1fe: {  	v3 =	vmul.f32 v60, v3;
	[tilespmem:s28+$0x11800] =	vst v62  }
0x1ff: {  	[tilespmem:s28+$0xC800] =	vst v63  }
0x200: {  	[tilespmem:s28+$0xF000] =	vst v3  }
0x201: {  	s19 =	rddreg [dreg:$0x9]  }
0x202: {  	[hbm4b:s19+s31] =	stream.strided.scatter [tilespmem:s16], [sflag:$0x3], $0x2800, s0, s31, $0x38;
	[tilespmem:$0x18600] =	vst v63  }
0x203: {  	_ =	swait.ge [sflag:s3], $0x2800  }
0x204: {  	[sflag:s3] =	ssyncset.done $0x0  }
0x205: {  	s20 =	simm.s32 $0xC800;
	s28 =	rddreg [dreg:$0xa];
	[sflag:s3] =	ssyncadd.s32 $0xFFFFD800  }
0x206: {  	[hbm4b:s28+s31] =	stream.strided.scatter [tilespmem:s20], [sflag:$0x3], $0x2800, s0, s31, $0x38;
	[tilespmem:$0x18600] =	vst v63  }
0x207: {  	_ =	swait.ge [sflag:s3], $0x2800  }
0x208: {  	[sflag:s3] =	ssyncset.done $0x0  }
0x209: {  	s24 =	simm.s32 $0xF000;
	s21 =	rddreg [dreg:$0xb];
	[sflag:s3] =	ssyncadd.s32 $0xFFFFD800  }
0x20a: {  	[hbm4b:s21+s31] =	stream.strided.scatter [tilespmem:s24], [sflag:$0x3], $0x2800, s0, s31, $0x38;
	[tilespmem:$0x18600] =	vst v63  }
0x20b: {  	_ =	swait.ge [sflag:s3], $0x2800  }
0x20c: {  	[sflag:s3] =	ssyncset.done $0x0  }
0x20d: {  	s26 =	simm.s32 $0x11800;
	s25 =	rddreg [dreg:$0xc];
	[sflag:s3] =	ssyncadd.s32 $0xFFFFD800  }
0x20e: {  	[hbm4b:s25+s31] =	stream.strided.scatter [tilespmem:s26], [sflag:$0x3], $0x2800, s0, s31, $0x38;
	[tilespmem:$0x18600] =	vst v63  }
0x20f: {  	_ =	swait.ge [sflag:s3], $0x2800  }
0x210: {  	s18 =	sadd.s32 $0x1, s18;
	s28 =	rddreg [dreg:$0x10]  }
0x211: {  	p0 =	sne.s32 s18, s28  }
.Ltmp6:
0x212: {  	_ = 	snop;
	(pc) =	sbr.rel @p0 .LBB2_1-.Ltmp6, $3  }
0x213: {  	_ =	sdelay $0x1  }
0x214: {  	[sflag:s3] =	ssyncset.done $0x0  }
0x215: {  	[sflag:s3] =	ssyncadd.s32 $0xFFFFD800  }
0x216: {  	_ =	sfence.sel $0x180000  }
0x217: {  	[bflag:$0x0] =	sbarrier.arrive $0xFFFF  }
0x218: {  	_ =	strace $0x90000047  }
0x219: {  	s0 =	stileid.u32;
	[bflag:$0x2] =	sbarrier.arrive $0xFFFF  }
0x21a: {  	p0 =	sne.s32 s0, $0x0;
	s0 =	rddreg [dreg:$0x2]  }
0x21b: {  	s0 =	sadd.s32 @!p0 $0x100000, s0  }
0x21c: {  	[sflag:s0] =	ssyncadd.tile.s32 @!p0 $0x1;
	_ =	shalt  }
.Lfunc_end2:
_tile_overlayer_lowered:
.L_overlay_start_2:
0x21d: {  	(tag) =	ssettag $0x2  }
0x21e: {  	s0 =	rddreg [dreg:$0x0];
	s2 =	stileid.u32  }
0x21f: {  	s1 =	rddreg [dreg:$0x1];
	p0 =	sne.s32 s2, $0x0  }
0x220: {  	s3 =	rddreg [dreg:$0x2];
	[bflag:$0x3] =	sbarrier.arrive $0xFFFF;
	s2 =	simm.s32 @!p0 $0x1C03  }
0x221: {  	[timem:s3], [sflag:s2] =	dma.local @!p0 [hbm:s0], s1  }
0x222: {  	s0 =	simm.s32 @!p0 $0x3  }
0x223: {  	_ =	swait.ge @!p0 [sflag:s0], s1  }
0x224: {  	s1 =	ssub.s32 @!p0 $0x0, s1;
	[sflag:s0] =	ssyncset.done @!p0 $0x0  }
0x225: {  	[sflag:s0] =	ssyncadd.s32 @!p0 s1  }
0x226: {  	[bflag:$0x3] =	sbarrier.arrive $0xFFFF  }
0x227: {  	_ =	shalt  }

</sc_bundles>
